<compile_context>
chip_gen: v7x
topology: tpu7x:2x2x1
jax: 0.10.2.dev20260603
libtpu: 0.0.44.dev20260713+nightly
codegen_flags: <defaults>
</compile_context>

<pallas_src>
import functools

import jax
import jax.numpy as jnp
from jax import lax
from jax.experimental import pallas as pl
from jax.experimental.pallas import tpu as pltpu
from jax.experimental.pallas import tpu_sc as plsc

B = 16384
OUT = 128
MASKING = -1000000000.0
NW = 32
RPW = B // NW
CHUNK = 128
NCHUNK = RPW // CHUNK

ACTION_SRC = ((1, 250 - 128), (2, 246 - 128), (3, 251 - 128), (4, 255 - 128))

_mesh = plsc.VectorSubcoreMesh(core_axis_name="c", subcore_axis_name="s")


@functools.partial(
    pl.kernel,
    mesh=_mesh,
    compiler_params=pltpu.CompilerParams(needs_layout_passes=False),
    out_type=jax.ShapeDtypeStruct((B, OUT), jnp.float32),
    scratch_types=[
        pltpu.VMEM((CHUNK, 128), jnp.float32),
        pltpu.VMEM((CHUNK, 128), jnp.float32),
        pltpu.VMEM((CHUNK, OUT), jnp.float32),
        pltpu.VMEM((CHUNK, OUT), jnp.float32),
        pltpu.SemaphoreType.DMA,
        pltpu.SemaphoreType.DMA,
        pltpu.SemaphoreType.DMA,
        pltpu.SemaphoreType.DMA,
    ],
)
def _sc_mask(x_hbm, out_hbm, xs0, xs1, ob0, ob1, si0, si1, so0, so1):
    wid = lax.axis_index("s") * 2 + lax.axis_index("c")
    base = wid * RPW
    xs = (xs0, xs1)
    ob = (ob0, ob1)
    sin = (si0, si1)
    sout = (so0, so1)

    in_cp = [
        pltpu.make_async_copy(
            x_hbm.at[pl.ds(base + c * CHUNK, CHUNK), pl.ds(128, 128)],
            xs[c % 2], sin[c % 2])
        for c in range(NCHUNK)
    ]
    out_cp = [
        pltpu.make_async_copy(
            ob[c % 2], out_hbm.at[pl.ds(base + c * CHUNK, CHUNK)],
            sout[c % 2])
        for c in range(NCHUNK)
    ]

    in_cp[0].start()
    in_cp[1].start()

    lane = lax.iota(jnp.int32, 16)
    ones = jnp.full((16,), 1.0, jnp.float32)

    def fill(r, carry):
        for k in range(8):
            ob0[r, 16 * k:16 * (k + 1)] = ones
            ob1[r, 16 * k:16 * (k + 1)] = ones
        return carry

    lax.fori_loop(0, CHUNK, fill, 0)

    for c in range(NCHUNK):
        if c >= 2:
            out_cp[c - 2].wait()
        in_cp[c].wait()
        src = xs[c % 2]
        dst = ob[c % 2]
        for g in range(CHUNK // 16):
            rows = g * 16 + lane
            for a, cond_col in ACTION_SRC:
                vals = plsc.load_gather(
                    src, [rows, jnp.full((16,), cond_col, jnp.int32)])
                out16 = jnp.where(vals == 1.0, MASKING, 1.0)
                plsc.store_scatter(
                    dst, [rows, jnp.full((16,), a, jnp.int32)], out16)
        out_cp[c].start()
        if c + 2 < NCHUNK:
            in_cp[c + 2].start()

    out_cp[NCHUNK - 2].wait()
    out_cp[NCHUNK - 1].wait()


def kernel(x):
    return _sc_mask(x)

# --- scband reference (transcript-rebuilt; emitter-appended) ---
"""Pipeline reference for scband-boolean-mask-layer-17411797418577 (READ-ONLY COPY).

The authoritative reference and input builder live on the scoring server;
editing this copy changes nothing except your own understanding.
"""

import jax, jax.numpy as jnp
import numpy as np

OUTPUT_SIZE = 128
MASKING = -1000000000.0
ACTION_ENGINE_BACKWARD = 2
ACTION_ENGINE_FORWARD = 1
ACTION_STEER_LEFT = 3
ACTION_STEER_RIGHT = 4
STATE_ENGINE_BACKWARD_MAX = -10
STATE_ENGINE_FORWARD_MAX = -6
STATE_STEER_LEFT_MAX = -5
STATE_STEER_RIGHT_MAX = -1


def setup_inputs(seed: int = 0) -> dict:
    key = jax.random.key(seed)
    x = jax.random.randint(key, (16384, 256), 0, 2).astype(jnp.float32)
    return {"x": x}


def reference(x):
    # Faithful translation of the 2D branch of BooleanMaskLayer.forward.
    # x is treated as detached state (comparisons only).
    B = x.shape[0]
    mask = jnp.ones((B, OUTPUT_SIZE), dtype=jnp.float32)

    cond_back = x[:, STATE_ENGINE_BACKWARD_MAX] == 1.0
    cond_fwd = x[:, STATE_ENGINE_FORWARD_MAX] == 1.0
    cond_left = x[:, STATE_STEER_LEFT_MAX] == 1.0
    cond_right = x[:, STATE_STEER_RIGHT_MAX] == 1.0

    mask = mask.at[:, ACTION_ENGINE_BACKWARD].set(
        jnp.where(cond_back, MASKING, mask[:, ACTION_ENGINE_BACKWARD]))
    mask = mask.at[:, ACTION_ENGINE_FORWARD].set(
        jnp.where(cond_fwd, MASKING, mask[:, ACTION_ENGINE_FORWARD]))
    mask = mask.at[:, ACTION_STEER_LEFT].set(
        jnp.where(cond_left, MASKING, mask[:, ACTION_STEER_LEFT]))
    mask = mask.at[:, ACTION_STEER_RIGHT].set(
        jnp.where(cond_right, MASKING, mask[:, ACTION_STEER_RIGHT]))
    return mask

if __name__ == "__main__":
    import jax
    _d = setup_inputs()
    print(jax.jit(kernel)(*tuple(_d.values())))

</pallas_src>

<mosaic_0001>
#map = affine_map<(d0, d1) -> (0, 0)>
module attributes {stable_mosaic.version = 14 : i64} {
  func.func @_sc_mask(%arg0: i32, %arg1: i32, %arg2: memref<16384x256xf32, #tpu.memory_space<hbm>>, %arg3: memref<16384x128xf32, #tpu.memory_space<hbm>>, %arg4: memref<128x128xf32, #tpu.memory_space<vmem>>, %arg5: memref<128x128xf32, #tpu.memory_space<vmem>>, %arg6: memref<128x128xf32, #tpu.memory_space<vmem>>, %arg7: memref<128x128xf32, #tpu.memory_space<vmem>>, %arg8: memref<!tpu.dma_semaphore, #tpu.memory_space<semaphore_mem>>, %arg9: memref<!tpu.dma_semaphore, #tpu.memory_space<semaphore_mem>>, %arg10: memref<!tpu.dma_semaphore, #tpu.memory_space<semaphore_mem>>, %arg11: memref<!tpu.dma_semaphore, #tpu.memory_space<semaphore_mem>>) attributes {dimension_semantics = [#tpu.dimension_semantics<core_parallel>, #tpu.dimension_semantics<subcore_parallel>], iteration_bounds = array<i64: 2, 16>, scalar_prefetch = 0 : i64, scratch_operands = 8 : i64, tpu.core_type = #tpu.core_type<sc_vector_subcore>, window_params = [{transform_indices = #map}, {transform_indices = #map}]} {
    %mul3A = arith.constant 2 : i32
    %mul3A_0 = arith.muli %arg1, %mul3A : i32
    %add3A = arith.addi %mul3A_0, %arg0 : i32
    %mul3A_1 = arith.constant 512 : i32
    %mul3A_2 = arith.muli %add3A, %mul3A_1 : i32
    %add3A_3 = arith.constant 0 : i32
    %add3A_4 = arith.addi %mul3A_2, %add3A_3 : i32
    %add3A_5 = arith.constant 128 : i32
    %add3A_6 = arith.addi %mul3A_2, %add3A_5 : i32
    %add3A_7 = arith.constant 256 : i32
    %add3A_8 = arith.addi %mul3A_2, %add3A_7 : i32
    %add3A_9 = arith.constant 384 : i32
    %add3A_10 = arith.addi %mul3A_2, %add3A_9 : i32
    %add3A_11 = arith.constant 0 : i32
    %add3A_12 = arith.addi %mul3A_2, %add3A_11 : i32
    %add3A_13 = arith.constant 128 : i32
    %add3A_14 = arith.addi %mul3A_2, %add3A_13 : i32
    %add3A_15 = arith.constant 256 : i32
    %add3A_16 = arith.addi %mul3A_2, %add3A_15 : i32
    %add3A_17 = arith.constant 384 : i32
    %add3A_18 = arith.addi %mul3A_2, %add3A_17 : i32
    %dma_start3A = arith.constant 128 : i32
    %dma_start3A_19 = tpu.memref_slice %arg2[%add3A_4, %dma_start3A] : memref<16384x256xf32, #tpu.memory_space<hbm>> -> memref<128x128xf32, #tpu.memory_space<hbm>>
    %dma_start3A_20 = arith.constant 128 : i32
    %dma_start3A_21 = tpu.memref_slice %arg2[%add3A_4, %dma_start3A_20] : memref<16384x256xf32, #tpu.memory_space<hbm>> -> memref<128x128xf32, #tpu.memory_space<hbm>>
    tpu.enqueue_dma source(%dma_start3A_21 : memref<128x128xf32, #tpu.memory_space<hbm>>) target(%arg4 : memref<128x128xf32, #tpu.memory_space<vmem>>) target_semaphore(%arg8 : memref<!tpu.dma_semaphore, #tpu.memory_space<semaphore_mem>>)
    %dma_start3A_22 = arith.constant 128 : i32
    %dma_start3A_23 = tpu.memref_slice %arg2[%add3A_6, %dma_start3A_22] : memref<16384x256xf32, #tpu.memory_space<hbm>> -> memref<128x128xf32, #tpu.memory_space<hbm>>
    %dma_start3A_24 = arith.constant 128 : i32
    %dma_start3A_25 = tpu.memref_slice %arg2[%add3A_6, %dma_start3A_24] : memref<16384x256xf32, #tpu.memory_space<hbm>> -> memref<128x128xf32, #tpu.memory_space<hbm>>
    tpu.enqueue_dma source(%dma_start3A_25 : memref<128x128xf32, #tpu.memory_space<hbm>>) target(%arg5 : memref<128x128xf32, #tpu.memory_space<vmem>>) target_semaphore(%arg9 : memref<!tpu.dma_semaphore, #tpu.memory_space<semaphore_mem>>)
    %iota3A = tpu.iota {dimensions = array<i32: 0>} : vector<16xi32>
    %broadcast_in_dim3A = arith.constant 1.000000e+00 : f32
    %broadcast_in_dim3A_26 = vector.broadcast %broadcast_in_dim3A : f32 to vector<16xf32>
    %scan3A = arith.constant 0 : i32
    %scan3A_27 = arith.constant 0 : i32
    %scan3A_28 = arith.constant 128 : i32
    %scan3A_29 = arith.addi %scan3A_27, %scan3A_28 : i32
    %scan3A_30 = arith.constant 1 : i32
    scf.for %scan3A_1843 = %scan3A_27 to %scan3A_29 step %scan3A_30  : i32 {
      %swap3A = arith.index_cast %scan3A_1843 : i32 to index
      %swap3A_1844 = arith.constant 0 : index
      %swap3A_1845 = tpu.vector_load %arg6[%swap3A, %swap3A_1844] {strides = array<i32>} : memref<128x128xf32, #tpu.memory_space<vmem>>, vector<16xf32>,
      tpu.vector_store %arg6[%swap3A, %swap3A_1844], %broadcast_in_dim3A_26 {strides = array<i32>} : memref<128x128xf32, #tpu.memory_space<vmem>>, vector<16xf32>,
      %swap3A_1846 = arith.index_cast %scan3A_1843 : i32 to index
      %swap3A_1847 = arith.constant 0 : index
      %swap3A_1848 = tpu.vector_load %arg7[%swap3A_1846, %swap3A_1847] {strides = array<i32>} : memref<128x128xf32, #tpu.memory_space<vmem>>, vector<16xf32>,
      tpu.vector_store %arg7[%swap3A_1846, %swap3A_1847], %broadcast_in_dim3A_26 {strides = array<i32>} : memref<128x128xf32, #tpu.memory_space<vmem>>, vector<16xf32>,
      %swap3A_1849 = arith.index_cast %scan3A_1843 : i32 to index
      %swap3A_1850 = arith.constant 16 : index
      %swap3A_1851 = tpu.vector_load %arg6[%swap3A_1849, %swap3A_1850] {strides = array<i32>} : memref<128x128xf32, #tpu.memory_space<vmem>>, vector<16xf32>,
      tpu.vector_store %arg6[%swap3A_1849, %swap3A_1850], %broadcast_in_dim3A_26 {strides = array<i32>} : memref<128x128xf32, #tpu.memory_space<vmem>>, vector<16xf32>,
      %swap3A_1852 = arith.index_cast %scan3A_1843 : i32 to index
      %swap3A_1853 = arith.constant 16 : index
      %swap3A_1854 = tpu.vector_load %arg7[%swap3A_1852, %swap3A_1853] {strides = array<i32>} : memref<128x128xf32, #tpu.memory_space<vmem>>, vector<16xf32>,
      tpu.vector_store %arg7[%swap3A_1852, %swap3A_1853], %broadcast_in_dim3A_26 {strides = array<i32>} : memref<128x128xf32, #tpu.memory_space<vmem>>, vector<16xf32>,
      %swap3A_1855 = arith.index_cast %scan3A_1843 : i32 to index
      %swap3A_1856 = arith.constant 32 : index
      %swap3A_1857 = tpu.vector_load %arg6[%swap3A_1855, %swap3A_1856] {strides = array<i32>} : memref<128x128xf32, #tpu.memory_space<vmem>>, vector<16xf32>,
      tpu.vector_store %arg6[%swap3A_1855, %swap3A_1856], %broadcast_in_dim3A_26 {strides = array<i32>} : memref<128x128xf32, #tpu.memory_space<vmem>>, vector<16xf32>,
      %swap3A_1858 = arith.index_cast %scan3A_1843 : i32 to index
      %swap3A_1859 = arith.constant 32 : index
      %swap3A_1860 = tpu.vector_load %arg7[%swap3A_1858, %swap3A_1859] {strides = array<i32>} : memref<128x128xf32, #tpu.memory_space<vmem>>, vector<16xf32>,
      tpu.vector_store %arg7[%swap3A_1858, %swap3A_1859], %broadcast_in_dim3A_26 {strides = array<i32>} : memref<128x128xf32, #tpu.memory_space<vmem>>, vector<16xf32>,
      %swap3A_1861 = arith.index_cast %scan3A_1843 : i32 to index
      %swap3A_1862 = arith.constant 48 : index
      %swap3A_1863 = tpu.vector_load %arg6[%swap3A_1861, %swap3A_1862] {strides = array<i32>} : memref<128x128xf32, #tpu.memory_space<vmem>>, vector<16xf32>,
      tpu.vector_store %arg6[%swap3A_1861, %swap3A_1862], %broadcast_in_dim3A_26 {strides = array<i32>} : memref<128x128xf32, #tpu.memory_space<vmem>>, vector<16xf32>,
      %swap3A_1864 = arith.index_cast %scan3A_1843 : i32 to index
      %swap3A_1865 = arith.constant 48 : index
      %swap3A_1866 = tpu.vector_load %arg7[%swap3A_1864, %swap3A_1865] {strides = array<i32>} : memref<128x128xf32, #tpu.memory_space<vmem>>, vector<16xf32>,
      tpu.vector_store %arg7[%swap3A_1864, %swap3A_1865], %broadcast_in_dim3A_26 {strides = array<i32>} : memref<128x128xf32, #tpu.memory_space<vmem>>, vector<16xf32>,
      %swap3A_1867 = arith.index_cast %scan3A_1843 : i32 to index
      %swap3A_1868 = arith.constant 64 : index
      %swap3A_1869 = tpu.vector_load %arg6[%swap3A_1867, %swap3A_1868] {strides = array<i32>} : memref<128x128xf32, #tpu.memory_space<vmem>>, vector<16xf32>,
      tpu.vector_store %arg6[%swap3A_1867, %swap3A_1868], %broadcast_in_dim3A_26 {strides = array<i32>} : memref<128x128xf32, #tpu.memory_space<vmem>>, vector<16xf32>,
      %swap3A_1870 = arith.index_cast %scan3A_1843 : i32 to index
      %swap3A_1871 = arith.constant 64 : index
      %swap3A_1872 = tpu.vector_load %arg7[%swap3A_1870, %swap3A_1871] {strides = array<i32>} : memref<128x128xf32, #tpu.memory_space<vmem>>, vector<16xf32>,
      tpu.vector_store %arg7[%swap3A_1870, %swap3A_1871], %broadcast_in_dim3A_26 {strides = array<i32>} : memref<128x128xf32, #tpu.memory_space<vmem>>, vector<16xf32>,
      %swap3A_1873 = arith.index_cast %scan3A_1843 : i32 to index
      %swap3A_1874 = arith.constant 80 : index
      %swap3A_1875 = tpu.vector_load %arg6[%swap3A_1873, %swap3A_1874] {strides = array<i32>} : memref<128x128xf32, #tpu.memory_space<vmem>>, vector<16xf32>,
      tpu.vector_store %arg6[%swap3A_1873, %swap3A_1874], %broadcast_in_dim3A_26 {strides = array<i32>} : memref<128x128xf32, #tpu.memory_space<vmem>>, vector<16xf32>,
      %swap3A_1876 = arith.index_cast %scan3A_1843 : i32 to index
      %swap3A_1877 = arith.constant 80 : index
      %swap3A_1878 = tpu.vector_load %arg7[%swap3A_1876, %swap3A_1877] {strides = array<i32>} : memref<128x128xf32, #tpu.memory_space<vmem>>, vector<16xf32>,
      tpu.vector_store %arg7[%swap3A_1876, %swap3A_1877], %broadcast_in_dim3A_26 {strides = array<i32>} : memref<128x128xf32, #tpu.memory_space<vmem>>, vector<16xf32>,
      %swap3A_1879 = arith.index_cast %scan3A_1843 : i32 to index
      %swap3A_1880 = arith.constant 96 : index
      %swap3A_1881 = tpu.vector_load %arg6[%swap3A_1879, %swap3A_1880] {strides = array<i32>} : memref<128x128xf32, #tpu.memory_space<vmem>>, vector<16xf32>,
      tpu.vector_store %arg6[%swap3A_1879, %swap3A_1880], %broadcast_in_dim3A_26 {strides = array<i32>} : memref<128x128xf32, #tpu.memory_space<vmem>>, vector<16xf32>,
      %swap3A_1882 = arith.index_cast %scan3A_1843 : i32 to index
      %swap3A_1883 = arith.constant 96 : index
      %swap3A_1884 = tpu.vector_load %arg7[%swap3A_1882, %swap3A_1883] {strides = array<i32>} : memref<128x128xf32, #tpu.memory_space<vmem>>, vector<16xf32>,
      tpu.vector_store %arg7[%swap3A_1882, %swap3A_1883], %broadcast_in_dim3A_26 {strides = array<i32>} : memref<128x128xf32, #tpu.memory_space<vmem>>, vector<16xf32>,
      %swap3A_1885 = arith.index_cast %scan3A_1843 : i32 to index
      %swap3A_1886 = arith.constant 112 : index
      %swap3A_1887 = tpu.vector_load %arg6[%swap3A_1885, %swap3A_1886] {strides = array<i32>} : memref<128x128xf32, #tpu.memory_space<vmem>>, vector<16xf32>,
      tpu.vector_store %arg6[%swap3A_1885, %swap3A_1886], %broadcast_in_dim3A_26 {strides = array<i32>} : memref<128x128xf32, #tpu.memory_space<vmem>>, vector<16xf32>,
      %swap3A_1888 = arith.index_cast %scan3A_1843 : i32 to index
      %swap3A_1889 = arith.constant 112 : index
      %swap3A_1890 = tpu.vector_load %arg7[%swap3A_1888, %swap3A_1889] {strides = array<i32>} : memref<128x128xf32, #tpu.memory_space<vmem>>, vector<16xf32>,
      tpu.vector_store %arg7[%swap3A_1888, %swap3A_1889], %broadcast_in_dim3A_26 {strides = array<i32>} : memref<128x128xf32, #tpu.memory_space<vmem>>, vector<16xf32>,
    }
    %scan3A_31 = arith.constant 128 : i32
    %dma_wait3A = arith.constant 128 : i32
    %dma_wait3A_32 = tpu.memref_slice %arg2[%add3A_4, %dma_wait3A] : memref<16384x256xf32, #tpu.memory_space<hbm>> -> memref<128x128xf32, #tpu.memory_space<hbm>>
    %dma_wait3A_33 = arith.constant 128 : i32
    %dma_wait3A_34 = tpu.memref_slice %arg2[%add3A_4, %dma_wait3A_33] : memref<16384x256xf32, #tpu.memory_space<hbm>> -> memref<128x128xf32, #tpu.memory_space<hbm>>
    tpu.wait_dma2 semaphore(%arg8 : memref<!tpu.dma_semaphore, #tpu.memory_space<semaphore_mem>>) src(%dma_wait3A_34 : memref<128x128xf32, #tpu.memory_space<hbm>>) dst(%arg4 : memref<128x128xf32, #tpu.memory_space<vmem>>)
    %add3A_35 = arith.constant 0 : i32
    %add3A_36 = vector.broadcast %add3A_35 : i32 to vector<16xi32>
    %add3A_37 = arith.addi %add3A_36, %iota3A : vector<16xi32>
    %broadcast_in_dim3A_38 = arith.constant 122 : i32
    %broadcast_in_dim3A_39 = vector.broadcast %broadcast_in_dim3A_38 : i32 to vector<16xi32>
    %gather3A = tpu.vector_load_idx %arg4[%add3A_37, %broadcast_in_dim3A_39] : memref<128x128xf32, #tpu.memory_space<vmem>>[vector<16xi32>, vector<16xi32>], vector<16xf32>,
    %eq3A = arith.constant 1.000000e+00 : f32
    %eq3A_40 = vector.broadcast %eq3A : f32 to vector<16xf32>
    %eq3A_41 = arith.cmpf oeq, %gather3A, %eq3A_40 : vector<16xf32>
    %jit3A = arith.constant -1.000000e+09 : f32
    %jit3A_42 = arith.constant 1.000000e+00 : f32
    %broadcast_in_dim3A_43 = vector.broadcast %jit3A : f32 to vector<16xf32>
    %broadcast_in_dim3A_44 = vector.broadcast %jit3A_42 : f32 to vector<16xf32>
    %select_n3A = arith.select %eq3A_41, %broadcast_in_dim3A_43, %broadcast_in_dim3A_44 : vector<16xi1>, vector<16xf32>
    %broadcast_in_dim3A_45 = arith.constant 1 : i32
    %broadcast_in_dim3A_46 = vector.broadcast %broadcast_in_dim3A_45 : i32 to vector<16xi32>
    tpu.vector_store_idx %arg6[%add3A_37, %broadcast_in_dim3A_46], %select_n3A : memref<128x128xf32, #tpu.memory_space<vmem>>[vector<16xi32>, vector<16xi32>], vector<16xf32>,
    %broadcast_in_dim3A_47 = arith.constant 118 : i32
    %broadcast_in_dim3A_48 = vector.broadcast %broadcast_in_dim3A_47 : i32 to vector<16xi32>
    %gather3A_49 = tpu.vector_load_idx %arg4[%add3A_37, %broadcast_in_dim3A_48] : memref<128x128xf32, #tpu.memory_space<vmem>>[vector<16xi32>, vector<16xi32>], vector<16xf32>,
    %eq3A_50 = arith.constant 1.000000e+00 : f32
    %eq3A_51 = vector.broadcast %eq3A_50 : f32 to vector<16xf32>
    %eq3A_52 = arith.cmpf oeq, %gather3A_49, %eq3A_51 : vector<16xf32>
    %jit3A_53 = arith.constant -1.000000e+09 : f32
    %jit3A_54 = arith.constant 1.000000e+00 : f32
    %broadcast_in_dim3A_55 = vector.broadcast %jit3A_53 : f32 to vector<16xf32>
    %broadcast_in_dim3A_56 = vector.broadcast %jit3A_54 : f32 to vector<16xf32>
    %select_n3A_57 = arith.select %eq3A_52, %broadcast_in_dim3A_55, %broadcast_in_dim3A_56 : vector<16xi1>, vector<16xf32>
    %broadcast_in_dim3A_58 = arith.constant 2 : i32
    %broadcast_in_dim3A_59 = vector.broadcast %broadcast_in_dim3A_58 : i32 to vector<16xi32>
    tpu.vector_store_idx %arg6[%add3A_37, %broadcast_in_dim3A_59], %select_n3A_57 : memref<128x128xf32, #tpu.memory_space<vmem>>[vector<16xi32>, vector<16xi32>], vector<16xf32>,
    %broadcast_in_dim3A_60 = arith.constant 123 : i32
    %broadcast_in_dim3A_61 = vector.broadcast %broadcast_in_dim3A_60 : i32 to vector<16xi32>
    %gather3A_62 = tpu.vector_load_idx %arg4[%add3A_37, %broadcast_in_dim3A_61] : memref<128x128xf32, #tpu.memory_space<vmem>>[vector<16xi32>, vector<16xi32>], vector<16xf32>,
    %eq3A_63 = arith.constant 1.000000e+00 : f32
    %eq3A_64 = vector.broadcast %eq3A_63 : f32 to vector<16xf32>
    %eq3A_65 = arith.cmpf oeq, %gather3A_62, %eq3A_64 : vector<16xf32>
    %jit3A_66 = arith.constant -1.000000e+09 : f32
    %jit3A_67 = arith.constant 1.000000e+00 : f32
    %broadcast_in_dim3A_68 = vector.broadcast %jit3A_66 : f32 to vector<16xf32>
    %broadcast_in_dim3A_69 = vector.broadcast %jit3A_67 : f32 to vector<16xf32>
    %select_n3A_70 = arith.select %eq3A_65, %broadcast_in_dim3A_68, %broadcast_in_dim3A_69 : vector<16xi1>, vector<16xf32>
    %broadcast_in_dim3A_71 = arith.constant 3 : i32
    %broadcast_in_dim3A_72 = vector.broadcast %broadcast_in_dim3A_71 : i32 to vector<16xi32>
    tpu.vector_store_idx %arg6[%add3A_37, %broadcast_in_dim3A_72], %select_n3A_70 : memref<128x128xf32, #tpu.memory_space<vmem>>[vector<16xi32>, vector<16xi32>], vector<16xf32>,
    %broadcast_in_dim3A_73 = arith.constant 127 : i32
    %broadcast_in_dim3A_74 = vector.broadcast %broadcast_in_dim3A_73 : i32 to vector<16xi32>
    %gather3A_75 = tpu.vector_load_idx %arg4[%add3A_37, %broadcast_in_dim3A_74] : memref<128x128xf32, #tpu.memory_space<vmem>>[vector<16xi32>, vector<16xi32>], vector<16xf32>,
    %eq3A_76 = arith.constant 1.000000e+00 : f32
    %eq3A_77 = vector.broadcast %eq3A_76 : f32 to vector<16xf32>
    %eq3A_78 = arith.cmpf oeq, %gather3A_75, %eq3A_77 : vector<16xf32>
    %jit3A_79 = arith.constant -1.000000e+09 : f32
    %jit3A_80 = arith.constant 1.000000e+00 : f32
    %broadcast_in_dim3A_81 = vector.broadcast %jit3A_79 : f32 to vector<16xf32>
    %broadcast_in_dim3A_82 = vector.broadcast %jit3A_80 : f32 to vector<16xf32>
    %select_n3A_83 = arith.select %eq3A_78, %broadcast_in_dim3A_81, %broadcast_in_dim3A_82 : vector<16xi1>, vector<16xf32>
    %broadcast_in_dim3A_84 = arith.constant 4 : i32
    %broadcast_in_dim3A_85 = vector.broadcast %broadcast_in_dim3A_84 : i32 to vector<16xi32>
    tpu.vector_store_idx %arg6[%add3A_37, %broadcast_in_dim3A_85], %select_n3A_83 : memref<128x128xf32, #tpu.memory_space<vmem>>[vector<16xi32>, vector<16xi32>], vector<16xf32>,
    %add3A_86 = arith.constant 16 : i32
    %add3A_87 = vector.broadcast %add3A_86 : i32 to vector<16xi32>
    %add3A_88 = arith.addi %add3A_87, %iota3A : vector<16xi32>
    %broadcast_in_dim3A_89 = arith.constant 122 : i32
    %broadcast_in_dim3A_90 = vector.broadcast %broadcast_in_dim3A_89 : i32 to vector<16xi32>
    %gather3A_91 = tpu.vector_load_idx %arg4[%add3A_88, %broadcast_in_dim3A_90] : memref<128x128xf32, #tpu.memory_space<vmem>>[vector<16xi32>, vector<16xi32>], vector<16xf32>,
    %eq3A_92 = arith.constant 1.000000e+00 : f32
    %eq3A_93 = vector.broadcast %eq3A_92 : f32 to vector<16xf32>
    %eq3A_94 = arith.cmpf oeq, %gather3A_91, %eq3A_93 : vector<16xf32>
    %jit3A_95 = arith.constant -1.000000e+09 : f32
    %jit3A_96 = arith.constant 1.000000e+00 : f32
    %broadcast_in_dim3A_97 = vector.broadcast %jit3A_95 : f32 to vector<16xf32>
    %broadcast_in_dim3A_98 = vector.broadcast %jit3A_96 : f32 to vector<16xf32>
    %select_n3A_99 = arith.select %eq3A_94, %broadcast_in_dim3A_97, %broadcast_in_dim3A_98 : vector<16xi1>, vector<16xf32>
    %broadcast_in_dim3A_100 = arith.constant 1 : i32
    %broadcast_in_dim3A_101 = vector.broadcast %broadcast_in_dim3A_100 : i32 to vector<16xi32>
    tpu.vector_store_idx %arg6[%add3A_88, %broadcast_in_dim3A_101], %select_n3A_99 : memref<128x128xf32, #tpu.memory_space<vmem>>[vector<16xi32>, vector<16xi32>], vector<16xf32>,
    %broadcast_in_dim3A_102 = arith.constant 118 : i32
    %broadcast_in_dim3A_103 = vector.broadcast %broadcast_in_dim3A_102 : i32 to vector<16xi32>
    %gather3A_104 = tpu.vector_load_idx %arg4[%add3A_88, %broadcast_in_dim3A_103] : memref<128x128xf32, #tpu.memory_space<vmem>>[vector<16xi32>, vector<16xi32>], vector<16xf32>,
    %eq3A_105 = arith.constant 1.000000e+00 : f32
    %eq3A_106 = vector.broadcast %eq3A_105 : f32 to vector<16xf32>
    %eq3A_107 = arith.cmpf oeq, %gather3A_104, %eq3A_106 : vector<16xf32>
    %jit3A_108 = arith.constant -1.000000e+09 : f32
    %jit3A_109 = arith.constant 1.000000e+00 : f32
    %broadcast_in_dim3A_110 = vector.broadcast %jit3A_108 : f32 to vector<16xf32>
    %broadcast_in_dim3A_111 = vector.broadcast %jit3A_109 : f32 to vector<16xf32>
    %select_n3A_112 = arith.select %eq3A_107, %broadcast_in_dim3A_110, %broadcast_in_dim3A_111 : vector<16xi1>, vector<16xf32>
    %broadcast_in_dim3A_113 = arith.constant 2 : i32
    %broadcast_in_dim3A_114 = vector.broadcast %broadcast_in_dim3A_113 : i32 to vector<16xi32>
    tpu.vector_store_idx %arg6[%add3A_88, %broadcast_in_dim3A_114], %select_n3A_112 : memref<128x128xf32, #tpu.memory_space<vmem>>[vector<16xi32>, vector<16xi32>], vector<16xf32>,
    %broadcast_in_dim3A_115 = arith.constant 123 : i32
    %broadcast_in_dim3A_116 = vector.broadcast %broadcast_in_dim3A_115 : i32 to vector<16xi32>
    %gather3A_117 = tpu.vector_load_idx %arg4[%add3A_88, %broadcast_in_dim3A_116] : memref<128x128xf32, #tpu.memory_space<vmem>>[vector<16xi32>, vector<16xi32>], vector<16xf32>,
    %eq3A_118 = arith.constant 1.000000e+00 : f32
    %eq3A_119 = vector.broadcast %eq3A_118 : f32 to vector<16xf32>
    %eq3A_120 = arith.cmpf oeq, %gather3A_117, %eq3A_119 : vector<16xf32>
    %jit3A_121 = arith.constant -1.000000e+09 : f32
    %jit3A_122 = arith.constant 1.000000e+00 : f32
    %broadcast_in_dim3A_123 = vector.broadcast %jit3A_121 : f32 to vector<16xf32>
    %broadcast_in_dim3A_124 = vector.broadcast %jit3A_122 : f32 to vector<16xf32>
    %select_n3A_125 = arith.select %eq3A_120, %broadcast_in_dim3A_123, %broadcast_in_dim3A_124 : vector<16xi1>, vector<16xf32>
    %broadcast_in_dim3A_126 = arith.constant 3 : i32
    %broadcast_in_dim3A_127 = vector.broadcast %broadcast_in_dim3A_126 : i32 to vector<16xi32>
    tpu.vector_store_idx %arg6[%add3A_88, %broadcast_in_dim3A_127], %select_n3A_125 : memref<128x128xf32, #tpu.memory_space<vmem>>[vector<16xi32>, vector<16xi32>], vector<16xf32>,
    %broadcast_in_dim3A_128 = arith.constant 127 : i32
    %broadcast_in_dim3A_129 = vector.broadcast %broadcast_in_dim3A_128 : i32 to vector<16xi32>
    %gather3A_130 = tpu.vector_load_idx %arg4[%add3A_88, %broadcast_in_dim3A_129] : memref<128x128xf32, #tpu.memory_space<vmem>>[vector<16xi32>, vector<16xi32>], vector<16xf32>,
    %eq3A_131 = arith.constant 1.000000e+00 : f32
    %eq3A_132 = vector.broadcast %eq3A_131 : f32 to vector<16xf32>
    %eq3A_133 = arith.cmpf oeq, %gather3A_130, %eq3A_132 : vector<16xf32>
    %jit3A_134 = arith.constant -1.000000e+09 : f32
    %jit3A_135 = arith.constant 1.000000e+00 : f32
    %broadcast_in_dim3A_136 = vector.broadcast %jit3A_134 : f32 to vector<16xf32>
    %broadcast_in_dim3A_137 = vector.broadcast %jit3A_135 : f32 to vector<16xf32>
    %select_n3A_138 = arith.select %eq3A_133, %broadcast_in_dim3A_136, %broadcast_in_dim3A_137 : vector<16xi1>, vector<16xf32>
    %broadcast_in_dim3A_139 = arith.constant 4 : i32
    %broadcast_in_dim3A_140 = vector.broadcast %broadcast_in_dim3A_139 : i32 to vector<16xi32>
    tpu.vector_store_idx %arg6[%add3A_88, %broadcast_in_dim3A_140], %select_n3A_138 : memref<128x128xf32, #tpu.memory_space<vmem>>[vector<16xi32>, vector<16xi32>], vector<16xf32>,
    %add3A_141 = arith.constant 32 : i32
    %add3A_142 = vector.broadcast %add3A_141 : i32 to vector<16xi32>
    %add3A_143 = arith.addi %add3A_142, %iota3A : vector<16xi32>
    %broadcast_in_dim3A_144 = arith.constant 122 : i32
    %broadcast_in_dim3A_145 = vector.broadcast %broadcast_in_dim3A_144 : i32 to vector<16xi32>
    %gather3A_146 = tpu.vector_load_idx %arg4[%add3A_143, %broadcast_in_dim3A_145] : memref<128x128xf32, #tpu.memory_space<vmem>>[vector<16xi32>, vector<16xi32>], vector<16xf32>,
    %eq3A_147 = arith.constant 1.000000e+00 : f32
    %eq3A_148 = vector.broadcast %eq3A_147 : f32 to vector<16xf32>
    %eq3A_149 = arith.cmpf oeq, %gather3A_146, %eq3A_148 : vector<16xf32>
    %jit3A_150 = arith.constant -1.000000e+09 : f32
    %jit3A_151 = arith.constant 1.000000e+00 : f32
    %broadcast_in_dim3A_152 = vector.broadcast %jit3A_150 : f32 to vector<16xf32>
    %broadcast_in_dim3A_153 = vector.broadcast %jit3A_151 : f32 to vector<16xf32>
    %select_n3A_154 = arith.select %eq3A_149, %broadcast_in_dim3A_152, %broadcast_in_dim3A_153 : vector<16xi1>, vector<16xf32>
    %broadcast_in_dim3A_155 = arith.constant 1 : i32
    %broadcast_in_dim3A_156 = vector.broadcast %broadcast_in_dim3A_155 : i32 to vector<16xi32>
    tpu.vector_store_idx %arg6[%add3A_143, %broadcast_in_dim3A_156], %select_n3A_154 : memref<128x128xf32, #tpu.memory_space<vmem>>[vector<16xi32>, vector<16xi32>], vector<16xf32>,
    %broadcast_in_dim3A_157 = arith.constant 118 : i32
    %broadcast_in_dim3A_158 = vector.broadcast %broadcast_in_dim3A_157 : i32 to vector<16xi32>
    %gather3A_159 = tpu.vector_load_idx %arg4[%add3A_143, %broadcast_in_dim3A_158] : memref<128x128xf32, #tpu.memory_space<vmem>>[vector<16xi32>, vector<16xi32>], vector<16xf32>,
    %eq3A_160 = arith.constant 1.000000e+00 : f32
    %eq3A_161 = vector.broadcast %eq3A_160 : f32 to vector<16xf32>
    %eq3A_162 = arith.cmpf oeq, %gather3A_159, %eq3A_161 : vector<16xf32>
    %jit3A_163 = arith.constant -1.000000e+09 : f32
    %jit3A_164 = arith.constant 1.000000e+00 : f32
    %broadcast_in_dim3A_165 = vector.broadcast %jit3A_163 : f32 to vector<16xf32>
    %broadcast_in_dim3A_166 = vector.broadcast %jit3A_164 : f32 to vector<16xf32>
    %select_n3A_167 = arith.select %eq3A_162, %broadcast_in_dim3A_165, %broadcast_in_dim3A_166 : vector<16xi1>, vector<16xf32>
    %broadcast_in_dim3A_168 = arith.constant 2 : i32
    %broadcast_in_dim3A_169 = vector.broadcast %broadcast_in_dim3A_168 : i32 to vector<16xi32>
    tpu.vector_store_idx %arg6[%add3A_143, %broadcast_in_dim3A_169], %select_n3A_167 : memref<128x128xf32, #tpu.memory_space<vmem>>[vector<16xi32>, vector<16xi32>], vector<16xf32>,
    %broadcast_in_dim3A_170 = arith.constant 123 : i32
    %broadcast_in_dim3A_171 = vector.broadcast %broadcast_in_dim3A_170 : i32 to vector<16xi32>
    %gather3A_172 = tpu.vector_load_idx %arg4[%add3A_143, %broadcast_in_dim3A_171] : memref<128x128xf32, #tpu.memory_space<vmem>>[vector<16xi32>, vector<16xi32>], vector<16xf32>,
    %eq3A_173 = arith.constant 1.000000e+00 : f32
    %eq3A_174 = vector.broadcast %eq3A_173 : f32 to vector<16xf32>
    %eq3A_175 = arith.cmpf oeq, %gather3A_172, %eq3A_174 : vector<16xf32>
    %jit3A_176 = arith.constant -1.000000e+09 : f32
    %jit3A_177 = arith.constant 1.000000e+00 : f32
    %broadcast_in_dim3A_178 = vector.broadcast %jit3A_176 : f32 to vector<16xf32>
    %broadcast_in_dim3A_179 = vector.broadcast %jit3A_177 : f32 to vector<16xf32>
    %select_n3A_180 = arith.select %eq3A_175, %broadcast_in_dim3A_178, %broadcast_in_dim3A_179 : vector<16xi1>, vector<16xf32>
    %broadcast_in_dim3A_181 = arith.constant 3 : i32
    %broadcast_in_dim3A_182 = vector.broadcast %broadcast_in_dim3A_181 : i32 to vector<16xi32>
    tpu.vector_store_idx %arg6[%add3A_143, %broadcast_in_dim3A_182], %select_n3A_180 : memref<128x128xf32, #tpu.memory_space<vmem>>[vector<16xi32>, vector<16xi32>], vector<16xf32>,
    %broadcast_in_dim3A_183 = arith.constant 127 : i32
    %broadcast_in_dim3A_184 = vector.broadcast %broadcast_in_dim3A_183 : i32 to vector<16xi32>
    %gather3A_185 = tpu.vector_load_idx %arg4[%add3A_143, %broadcast_in_dim3A_184] : memref<128x128xf32, #tpu.memory_space<vmem>>[vector<16xi32>, vector<16xi32>], vector<16xf32>,
    %eq3A_186 = arith.constant 1.000000e+00 : f32
    %eq3A_187 = vector.broadcast %eq3A_186 : f32 to vector<16xf32>
    %eq3A_188 = arith.cmpf oeq, %gather3A_185, %eq3A_187 : vector<16xf32>
    %jit3A_189 = arith.constant -1.000000e+09 : f32
    %jit3A_190 = arith.constant 1.000000e+00 : f32
    %broadcast_in_dim3A_191 = vector.broadcast %jit3A_189 : f32 to vector<16xf32>
    %broadcast_in_dim3A_192 = vector.broadcast %jit3A_190 : f32 to vector<16xf32>
    %select_n3A_193 = arith.select %eq3A_188, %broadcast_in_dim3A_191, %broadcast_in_dim3A_192 : vector<16xi1>, vector<16xf32>
    %broadcast_in_dim3A_194 = arith.constant 4 : i32
    %broadcast_in_dim3A_195 = vector.broadcast %broadcast_in_dim3A_194 : i32 to vector<16xi32>
    tpu.vector_store_idx %arg6[%add3A_143, %broadcast_in_dim3A_195], %select_n3A_193 : memref<128x128xf32, #tpu.memory_space<vmem>>[vector<16xi32>, vector<16xi32>], vector<16xf32>,
    %add3A_196 = arith.constant 48 : i32
    %add3A_197 = vector.broadcast %add3A_196 : i32 to vector<16xi32>
    %add3A_198 = arith.addi %add3A_197, %iota3A : vector<16xi32>
    %broadcast_in_dim3A_199 = arith.constant 122 : i32
    %broadcast_in_dim3A_200 = vector.broadcast %broadcast_in_dim3A_199 : i32 to vector<16xi32>
    %gather3A_201 = tpu.vector_load_idx %arg4[%add3A_198, %broadcast_in_dim3A_200] : memref<128x128xf32, #tpu.memory_space<vmem>>[vector<16xi32>, vector<16xi32>], vector<16xf32>,
    %eq3A_202 = arith.constant 1.000000e+00 : f32
    %eq3A_203 = vector.broadcast %eq3A_202 : f32 to vector<16xf32>
    %eq3A_204 = arith.cmpf oeq, %gather3A_201, %eq3A_203 : vector<16xf32>
    %jit3A_205 = arith.constant -1.000000e+09 : f32
    %jit3A_206 = arith.constant 1.000000e+00 : f32
    %broadcast_in_dim3A_207 = vector.broadcast %jit3A_205 : f32 to vector<16xf32>
    %broadcast_in_dim3A_208 = vector.broadcast %jit3A_206 : f32 to vector<16xf32>
    %select_n3A_209 = arith.select %eq3A_204, %broadcast_in_dim3A_207, %broadcast_in_dim3A_208 : vector<16xi1>, vector<16xf32>
    %broadcast_in_dim3A_210 = arith.constant 1 : i32
    %broadcast_in_dim3A_211 = vector.broadcast %broadcast_in_dim3A_210 : i32 to vector<16xi32>
    tpu.vector_store_idx %arg6[%add3A_198, %broadcast_in_dim3A_211], %select_n3A_209 : memref<128x128xf32, #tpu.memory_space<vmem>>[vector<16xi32>, vector<16xi32>], vector<16xf32>,
    %broadcast_in_dim3A_212 = arith.constant 118 : i32
    %broadcast_in_dim3A_213 = vector.broadcast %broadcast_in_dim3A_212 : i32 to vector<16xi32>
    %gather3A_214 = tpu.vector_load_idx %arg4[%add3A_198, %broadcast_in_dim3A_213] : memref<128x128xf32, #tpu.memory_space<vmem>>[vector<16xi32>, vector<16xi32>], vector<16xf32>,
    %eq3A_215 = arith.constant 1.000000e+00 : f32
    %eq3A_216 = vector.broadcast %eq3A_215 : f32 to vector<16xf32>
    %eq3A_217 = arith.cmpf oeq, %gather3A_214, %eq3A_216 : vector<16xf32>
    %jit3A_218 = arith.constant -1.000000e+09 : f32
    %jit3A_219 = arith.constant 1.000000e+00 : f32
    %broadcast_in_dim3A_220 = vector.broadcast %jit3A_218 : f32 to vector<16xf32>
    %broadcast_in_dim3A_221 = vector.broadcast %jit3A_219 : f32 to vector<16xf32>
    %select_n3A_222 = arith.select %eq3A_217, %broadcast_in_dim3A_220, %broadcast_in_dim3A_221 : vector<16xi1>, vector<16xf32>
    %broadcast_in_dim3A_223 = arith.constant 2 : i32
    %broadcast_in_dim3A_224 = vector.broadcast %broadcast_in_dim3A_223 : i32 to vector<16xi32>
    tpu.vector_store_idx %arg6[%add3A_198, %broadcast_in_dim3A_224], %select_n3A_222 : memref<128x128xf32, #tpu.memory_space<vmem>>[vector<16xi32>, vector<16xi32>], vector<16xf32>,
    %broadcast_in_dim3A_225 = arith.constant 123 : i32
    %broadcast_in_dim3A_226 = vector.broadcast %broadcast_in_dim3A_225 : i32 to vector<16xi32>
    %gather3A_227 = tpu.vector_load_idx %arg4[%add3A_198, %broadcast_in_dim3A_226] : memref<128x128xf32, #tpu.memory_space<vmem>>[vector<16xi32>, vector<16xi32>], vector<16xf32>,
    %eq3A_228 = arith.constant 1.000000e+00 : f32
    %eq3A_229 = vector.broadcast %eq3A_228 : f32 to vector<16xf32>
    %eq3A_230 = arith.cmpf oeq, %gather3A_227, %eq3A_229 : vector<16xf32>
    %jit3A_231 = arith.constant -1.000000e+09 : f32
    %jit3A_232 = arith.constant 1.000000e+00 : f32
    %broadcast_in_dim3A_233 = vector.broadcast %jit3A_231 : f32 to vector<16xf32>
    %broadcast_in_dim3A_234 = vector.broadcast %jit3A_232 : f32 to vector<16xf32>
    %select_n3A_235 = arith.select %eq3A_230, %broadcast_in_dim3A_233, %broadcast_in_dim3A_234 : vector<16xi1>, vector<16xf32>
    %broadcast_in_dim3A_236 = arith.constant 3 : i32
    %broadcast_in_dim3A_237 = vector.broadcast %broadcast_in_dim3A_236 : i32 to vector<16xi32>
    tpu.vector_store_idx %arg6[%add3A_198, %broadcast_in_dim3A_237], %select_n3A_235 : memref<128x128xf32, #tpu.memory_space<vmem>>[vector<16xi32>, vector<16xi32>], vector<16xf32>,
    %broadcast_in_dim3A_238 = arith.constant 127 : i32
    %broadcast_in_dim3A_239 = vector.broadcast %broadcast_in_dim3A_238 : i32 to vector<16xi32>
    %gather3A_240 = tpu.vector_load_idx %arg4[%add3A_198, %broadcast_in_dim3A_239] : memref<128x128xf32, #tpu.memory_space<vmem>>[vector<16xi32>, vector<16xi32>], vector<16xf32>,
    %eq3A_241 = arith.constant 1.000000e+00 : f32
    %eq3A_242 = vector.broadcast %eq3A_241 : f32 to vector<16xf32>
    %eq3A_243 = arith.cmpf oeq, %gather3A_240, %eq3A_242 : vector<16xf32>
    %jit3A_244 = arith.constant -1.000000e+09 : f32
    %jit3A_245 = arith.constant 1.000000e+00 : f32
    %broadcast_in_dim3A_246 = vector.broadcast %jit3A_244 : f32 to vector<16xf32>
    %broadcast_in_dim3A_247 = vector.broadcast %jit3A_245 : f32 to vector<16xf32>
    %select_n3A_248 = arith.select %eq3A_243, %broadcast_in_dim3A_246, %broadcast_in_dim3A_247 : vector<16xi1>, vector<16xf32>
    %broadcast_in_dim3A_249 = arith.constant 4 : i32
    %broadcast_in_dim3A_250 = vector.broadcast %broadcast_in_dim3A_249 : i32 to vector<16xi32>
    tpu.vector_store_idx %arg6[%add3A_198, %broadcast_in_dim3A_250], %select_n3A_248 : memref<128x128xf32, #tpu.memory_space<vmem>>[vector<16xi32>, vector<16xi32>], vector<16xf32>,
    %add3A_251 = arith.constant 64 : i32
    %add3A_252 = vector.broadcast %add3A_251 : i32 to vector<16xi32>
    %add3A_253 = arith.addi %add3A_252, %iota3A : vector<16xi32>
    %broadcast_in_dim3A_254 = arith.constant 122 : i32
    %broadcast_in_dim3A_255 = vector.broadcast %broadcast_in_dim3A_254 : i32 to vector<16xi32>
    %gather3A_256 = tpu.vector_load_idx %arg4[%add3A_253, %broadcast_in_dim3A_255] : memref<128x128xf32, #tpu.memory_space<vmem>>[vector<16xi32>, vector<16xi32>], vector<16xf32>,
    %eq3A_257 = arith.constant 1.000000e+00 : f32
    %eq3A_258 = vector.broadcast %eq3A_257 : f32 to vector<16xf32>
    %eq3A_259 = arith.cmpf oeq, %gather3A_256, %eq3A_258 : vector<16xf32>
    %jit3A_260 = arith.constant -1.000000e+09 : f32
    %jit3A_261 = arith.constant 1.000000e+00 : f32
    %broadcast_in_dim3A_262 = vector.broadcast %jit3A_260 : f32 to vector<16xf32>
    %broadcast_in_dim3A_263 = vector.broadcast %jit3A_261 : f32 to vector<16xf32>
    %select_n3A_264 = arith.select %eq3A_259, %broadcast_in_dim3A_262, %broadcast_in_dim3A_263 : vector<16xi1>, vector<16xf32>
    %broadcast_in_dim3A_265 = arith.constant 1 : i32
    %broadcast_in_dim3A_266 = vector.broadcast %broadcast_in_dim3A_265 : i32 to vector<16xi32>
    tpu.vector_store_idx %arg6[%add3A_253, %broadcast_in_dim3A_266], %select_n3A_264 : memref<128x128xf32, #tpu.memory_space<vmem>>[vector<16xi32>, vector<16xi32>], vector<16xf32>,
    %broadcast_in_dim3A_267 = arith.constant 118 : i32
    %broadcast_in_dim3A_268 = vector.broadcast %broadcast_in_dim3A_267 : i32 to vector<16xi32>
    %gather3A_269 = tpu.vector_load_idx %arg4[%add3A_253, %broadcast_in_dim3A_268] : memref<128x128xf32, #tpu.memory_space<vmem>>[vector<16xi32>, vector<16xi32>], vector<16xf32>,
    %eq3A_270 = arith.constant 1.000000e+00 : f32
    %eq3A_271 = vector.broadcast %eq3A_270 : f32 to vector<16xf32>
    %eq3A_272 = arith.cmpf oeq, %gather3A_269, %eq3A_271 : vector<16xf32>
    %jit3A_273 = arith.constant -1.000000e+09 : f32
    %jit3A_274 = arith.constant 1.000000e+00 : f32
    %broadcast_in_dim3A_275 = vector.broadcast %jit3A_273 : f32 to vector<16xf32>
    %broadcast_in_dim3A_276 = vector.broadcast %jit3A_274 : f32 to vector<16xf32>
    %select_n3A_277 = arith.select %eq3A_272, %broadcast_in_dim3A_275, %broadcast_in_dim3A_276 : vector<16xi1>, vector<16xf32>
    %broadcast_in_dim3A_278 = arith.constant 2 : i32
    %broadcast_in_dim3A_279 = vector.broadcast %broadcast_in_dim3A_278 : i32 to vector<16xi32>
    tpu.vector_store_idx %arg6[%add3A_253, %broadcast_in_dim3A_279], %select_n3A_277 : memref<128x128xf32, #tpu.memory_space<vmem>>[vector<16xi32>, vector<16xi32>], vector<16xf32>,
    %broadcast_in_dim3A_280 = arith.constant 123 : i32
    %broadcast_in_dim3A_281 = vector.broadcast %broadcast_in_dim3A_280 : i32 to vector<16xi32>
    %gather3A_282 = tpu.vector_load_idx %arg4[%add3A_253, %broadcast_in_dim3A_281] : memref<128x128xf32, #tpu.memory_space<vmem>>[vector<16xi32>, vector<16xi32>], vector<16xf32>,
    %eq3A_283 = arith.constant 1.000000e+00 : f32
    %eq3A_284 = vector.broadcast %eq3A_283 : f32 to vector<16xf32>
    %eq3A_285 = arith.cmpf oeq, %gather3A_282, %eq3A_284 : vector<16xf32>
    %jit3A_286 = arith.constant -1.000000e+09 : f32
    %jit3A_287 = arith.constant 1.000000e+00 : f32
    %broadcast_in_dim3A_288 = vector.broadcast %jit3A_286 : f32 to vector<16xf32>
    %broadcast_in_dim3A_289 = vector.broadcast %jit3A_287 : f32 to vector<16xf32>
    %select_n3A_290 = arith.select %eq3A_285, %broadcast_in_dim3A_288, %broadcast_in_dim3A_289 : vector<16xi1>, vector<16xf32>
    %broadcast_in_dim3A_291 = arith.constant 3 : i32
    %broadcast_in_dim3A_292 = vector.broadcast %broadcast_in_dim3A_291 : i32 to vector<16xi32>
    tpu.vector_store_idx %arg6[%add3A_253, %broadcast_in_dim3A_292], %select_n3A_290 : memref<128x128xf32, #tpu.memory_space<vmem>>[vector<16xi32>, vector<16xi32>], vector<16xf32>,
    %broadcast_in_dim3A_293 = arith.constant 127 : i32
    %broadcast_in_dim3A_294 = vector.broadcast %broadcast_in_dim3A_293 : i32 to vector<16xi32>
    %gather3A_295 = tpu.vector_load_idx %arg4[%add3A_253, %broadcast_in_dim3A_294] : memref<128x128xf32, #tpu.memory_space<vmem>>[vector<16xi32>, vector<16xi32>], vector<16xf32>,
    %eq3A_296 = arith.constant 1.000000e+00 : f32
    %eq3A_297 = vector.broadcast %eq3A_296 : f32 to vector<16xf32>
    %eq3A_298 = arith.cmpf oeq, %gather3A_295, %eq3A_297 : vector<16xf32>
    %jit3A_299 = arith.constant -1.000000e+09 : f32
    %jit3A_300 = arith.constant 1.000000e+00 : f32
    %broadcast_in_dim3A_301 = vector.broadcast %jit3A_299 : f32 to vector<16xf32>
    %broadcast_in_dim3A_302 = vector.broadcast %jit3A_300 : f32 to vector<16xf32>
    %select_n3A_303 = arith.select %eq3A_298, %broadcast_in_dim3A_301, %broadcast_in_dim3A_302 : vector<16xi1>, vector<16xf32>
    %broadcast_in_dim3A_304 = arith.constant 4 : i32
    %broadcast_in_dim3A_305 = vector.broadcast %broadcast_in_dim3A_304 : i32 to vector<16xi32>
    tpu.vector_store_idx %arg6[%add3A_253, %broadcast_in_dim3A_305], %select_n3A_303 : memref<128x128xf32, #tpu.memory_space<vmem>>[vector<16xi32>, vector<16xi32>], vector<16xf32>,
    %add3A_306 = arith.constant 80 : i32
    %add3A_307 = vector.broadcast %add3A_306 : i32 to vector<16xi32>
    %add3A_308 = arith.addi %add3A_307, %iota3A : vector<16xi32>
    %broadcast_in_dim3A_309 = arith.constant 122 : i32
    %broadcast_in_dim3A_310 = vector.broadcast %broadcast_in_dim3A_309 : i32 to vector<16xi32>
    %gather3A_311 = tpu.vector_load_idx %arg4[%add3A_308, %broadcast_in_dim3A_310] : memref<128x128xf32, #tpu.memory_space<vmem>>[vector<16xi32>, vector<16xi32>], vector<16xf32>,
    %eq3A_312 = arith.constant 1.000000e+00 : f32
    %eq3A_313 = vector.broadcast %eq3A_312 : f32 to vector<16xf32>
    %eq3A_314 = arith.cmpf oeq, %gather3A_311, %eq3A_313 : vector<16xf32>
    %jit3A_315 = arith.constant -1.000000e+09 : f32
    %jit3A_316 = arith.constant 1.000000e+00 : f32
    %broadcast_in_dim3A_317 = vector.broadcast %jit3A_315 : f32 to vector<16xf32>
    %broadcast_in_dim3A_318 = vector.broadcast %jit3A_316 : f32 to vector<16xf32>
    %select_n3A_319 = arith.select %eq3A_314, %broadcast_in_dim3A_317, %broadcast_in_dim3A_318 : vector<16xi1>, vector<16xf32>
    %broadcast_in_dim3A_320 = arith.constant 1 : i32
    %broadcast_in_dim3A_321 = vector.broadcast %broadcast_in_dim3A_320 : i32 to vector<16xi32>
    tpu.vector_store_idx %arg6[%add3A_308, %broadcast_in_dim3A_321], %select_n3A_319 : memref<128x128xf32, #tpu.memory_space<vmem>>[vector<16xi32>, vector<16xi32>], vector<16xf32>,
    %broadcast_in_dim3A_322 = arith.constant 118 : i32
    %broadcast_in_dim3A_323 = vector.broadcast %broadcast_in_dim3A_322 : i32 to vector<16xi32>
    %gather3A_324 = tpu.vector_load_idx %arg4[%add3A_308, %broadcast_in_dim3A_323] : memref<128x128xf32, #tpu.memory_space<vmem>>[vector<16xi32>, vector<16xi32>], vector<16xf32>,
    %eq3A_325 = arith.constant 1.000000e+00 : f32
    %eq3A_326 = vector.broadcast %eq3A_325 : f32 to vector<16xf32>
    %eq3A_327 = arith.cmpf oeq, %gather3A_324, %eq3A_326 : vector<16xf32>
    %jit3A_328 = arith.constant -1.000000e+09 : f32
    %jit3A_329 = arith.constant 1.000000e+00 : f32
    %broadcast_in_dim3A_330 = vector.broadcast %jit3A_328 : f32 to vector<16xf32>
    %broadcast_in_dim3A_331 = vector.broadcast %jit3A_329 : f32 to vector<16xf32>
    %select_n3A_332 = arith.select %eq3A_327, %broadcast_in_dim3A_330, %broadcast_in_dim3A_331 : vector<16xi1>, vector<16xf32>
    %broadcast_in_dim3A_333 = arith.constant 2 : i32
    %broadcast_in_dim3A_334 = vector.broadcast %broadcast_in_dim3A_333 : i32 to vector<16xi32>
    tpu.vector_store_idx %arg6[%add3A_308, %broadcast_in_dim3A_334], %select_n3A_332 : memref<128x128xf32, #tpu.memory_space<vmem>>[vector<16xi32>, vector<16xi32>], vector<16xf32>,
    %broadcast_in_dim3A_335 = arith.constant 123 : i32
    %broadcast_in_dim3A_336 = vector.broadcast %broadcast_in_dim3A_335 : i32 to vector<16xi32>
    %gather3A_337 = tpu.vector_load_idx %arg4[%add3A_308, %broadcast_in_dim3A_336] : memref<128x128xf32, #tpu.memory_space<vmem>>[vector<16xi32>, vector<16xi32>], vector<16xf32>,
    %eq3A_338 = arith.constant 1.000000e+00 : f32
    %eq3A_339 = vector.broadcast %eq3A_338 : f32 to vector<16xf32>
    %eq3A_340 = arith.cmpf oeq, %gather3A_337, %eq3A_339 : vector<16xf32>
    %jit3A_341 = arith.constant -1.000000e+09 : f32
    %jit3A_342 = arith.constant 1.000000e+00 : f32
    %broadcast_in_dim3A_343 = vector.broadcast %jit3A_341 : f32 to vector<16xf32>
    %broadcast_in_dim3A_344 = vector.broadcast %jit3A_342 : f32 to vector<16xf32>
    %select_n3A_345 = arith.select %eq3A_340, %broadcast_in_dim3A_343, %broadcast_in_dim3A_344 : vector<16xi1>, vector<16xf32>
    %broadcast_in_dim3A_346 = arith.constant 3 : i32
    %broadcast_in_dim3A_347 = vector.broadcast %broadcast_in_dim3A_346 : i32 to vector<16xi32>
    tpu.vector_store_idx %arg6[%add3A_308, %broadcast_in_dim3A_347], %select_n3A_345 : memref<128x128xf32, #tpu.memory_space<vmem>>[vector<16xi32>, vector<16xi32>], vector<16xf32>,
    %broadcast_in_dim3A_348 = arith.constant 127 : i32
    %broadcast_in_dim3A_349 = vector.broadcast %broadcast_in_dim3A_348 : i32 to vector<16xi32>
    %gather3A_350 = tpu.vector_load_idx %arg4[%add3A_308, %broadcast_in_dim3A_349] : memref<128x128xf32, #tpu.memory_space<vmem>>[vector<16xi32>, vector<16xi32>], vector<16xf32>,
    %eq3A_351 = arith.constant 1.000000e+00 : f32
    %eq3A_352 = vector.broadcast %eq3A_351 : f32 to vector<16xf32>
    %eq3A_353 = arith.cmpf oeq, %gather3A_350, %eq3A_352 : vector<16xf32>
    %jit3A_354 = arith.constant -1.000000e+09 : f32
    %jit3A_355 = arith.constant 1.000000e+00 : f32
    %broadcast_in_dim3A_356 = vector.broadcast %jit3A_354 : f32 to vector<16xf32>
    %broadcast_in_dim3A_357 = vector.broadcast %jit3A_355 : f32 to vector<16xf32>
    %select_n3A_358 = arith.select %eq3A_353, %broadcast_in_dim3A_356, %broadcast_in_dim3A_357 : vector<16xi1>, vector<16xf32>
    %broadcast_in_dim3A_359 = arith.constant 4 : i32
    %broadcast_in_dim3A_360 = vector.broadcast %broadcast_in_dim3A_359 : i32 to vector<16xi32>
    tpu.vector_store_idx %arg6[%add3A_308, %broadcast_in_dim3A_360], %select_n3A_358 : memref<128x128xf32, #tpu.memory_space<vmem>>[vector<16xi32>, vector<16xi32>], vector<16xf32>,
    %add3A_361 = arith.constant 96 : i32
    %add3A_362 = vector.broadcast %add3A_361 : i32 to vector<16xi32>
    %add3A_363 = arith.addi %add3A_362, %iota3A : vector<16xi32>
    %broadcast_in_dim3A_364 = arith.constant 122 : i32
    %broadcast_in_dim3A_365 = vector.broadcast %broadcast_in_dim3A_364 : i32 to vector<16xi32>
    %gather3A_366 = tpu.vector_load_idx %arg4[%add3A_363, %broadcast_in_dim3A_365] : memref<128x128xf32, #tpu.memory_space<vmem>>[vector<16xi32>, vector<16xi32>], vector<16xf32>,
    %eq3A_367 = arith.constant 1.000000e+00 : f32
    %eq3A_368 = vector.broadcast %eq3A_367 : f32 to vector<16xf32>
    %eq3A_369 = arith.cmpf oeq, %gather3A_366, %eq3A_368 : vector<16xf32>
    %jit3A_370 = arith.constant -1.000000e+09 : f32
    %jit3A_371 = arith.constant 1.000000e+00 : f32
    %broadcast_in_dim3A_372 = vector.broadcast %jit3A_370 : f32 to vector<16xf32>
    %broadcast_in_dim3A_373 = vector.broadcast %jit3A_371 : f32 to vector<16xf32>
    %select_n3A_374 = arith.select %eq3A_369, %broadcast_in_dim3A_372, %broadcast_in_dim3A_373 : vector<16xi1>, vector<16xf32>
    %broadcast_in_dim3A_375 = arith.constant 1 : i32
    %broadcast_in_dim3A_376 = vector.broadcast %broadcast_in_dim3A_375 : i32 to vector<16xi32>
    tpu.vector_store_idx %arg6[%add3A_363, %broadcast_in_dim3A_376], %select_n3A_374 : memref<128x128xf32, #tpu.memory_space<vmem>>[vector<16xi32>, vector<16xi32>], vector<16xf32>,
    %broadcast_in_dim3A_377 = arith.constant 118 : i32
    %broadcast_in_dim3A_378 = vector.broadcast %broadcast_in_dim3A_377 : i32 to vector<16xi32>
    %gather3A_379 = tpu.vector_load_idx %arg4[%add3A_363, %broadcast_in_dim3A_378] : memref<128x128xf32, #tpu.memory_space<vmem>>[vector<16xi32>, vector<16xi32>], vector<16xf32>,
    %eq3A_380 = arith.constant 1.000000e+00 : f32
    %eq3A_381 = vector.broadcast %eq3A_380 : f32 to vector<16xf32>
    %eq3A_382 = arith.cmpf oeq, %gather3A_379, %eq3A_381 : vector<16xf32>
    %jit3A_383 = arith.constant -1.000000e+09 : f32
    %jit3A_384 = arith.constant 1.000000e+00 : f32
    %broadcast_in_dim3A_385 = vector.broadcast %jit3A_383 : f32 to vector<16xf32>
    %broadcast_in_dim3A_386 = vector.broadcast %jit3A_384 : f32 to vector<16xf32>
    %select_n3A_387 = arith.select %eq3A_382, %broadcast_in_dim3A_385, %broadcast_in_dim3A_386 : vector<16xi1>, vector<16xf32>
    %broadcast_in_dim3A_388 = arith.constant 2 : i32
    %broadcast_in_dim3A_389 = vector.broadcast %broadcast_in_dim3A_388 : i32 to vector<16xi32>
    tpu.vector_store_idx %arg6[%add3A_363, %broadcast_in_dim3A_389], %select_n3A_387 : memref<128x128xf32, #tpu.memory_space<vmem>>[vector<16xi32>, vector<16xi32>], vector<16xf32>,
    %broadcast_in_dim3A_390 = arith.constant 123 : i32
    %broadcast_in_dim3A_391 = vector.broadcast %broadcast_in_dim3A_390 : i32 to vector<16xi32>
    %gather3A_392 = tpu.vector_load_idx %arg4[%add3A_363, %broadcast_in_dim3A_391] : memref<128x128xf32, #tpu.memory_space<vmem>>[vector<16xi32>, vector<16xi32>], vector<16xf32>,
    %eq3A_393 = arith.constant 1.000000e+00 : f32
    %eq3A_394 = vector.broadcast %eq3A_393 : f32 to vector<16xf32>
    %eq3A_395 = arith.cmpf oeq, %gather3A_392, %eq3A_394 : vector<16xf32>
    %jit3A_396 = arith.constant -1.000000e+09 : f32
    %jit3A_397 = arith.constant 1.000000e+00 : f32
    %broadcast_in_dim3A_398 = vector.broadcast %jit3A_396 : f32 to vector<16xf32>
    %broadcast_in_dim3A_399 = vector.broadcast %jit3A_397 : f32 to vector<16xf32>
    %select_n3A_400 = arith.select %eq3A_395, %broadcast_in_dim3A_398, %broadcast_in_dim3A_399 : vector<16xi1>, vector<16xf32>
    %broadcast_in_dim3A_401 = arith.constant 3 : i32
    %broadcast_in_dim3A_402 = vector.broadcast %broadcast_in_dim3A_401 : i32 to vector<16xi32>
    tpu.vector_store_idx %arg6[%add3A_363, %broadcast_in_dim3A_402], %select_n3A_400 : memref<128x128xf32, #tpu.memory_space<vmem>>[vector<16xi32>, vector<16xi32>], vector<16xf32>,
    %broadcast_in_dim3A_403 = arith.constant 127 : i32
    %broadcast_in_dim3A_404 = vector.broadcast %broadcast_in_dim3A_403 : i32 to vector<16xi32>
    %gather3A_405 = tpu.vector_load_idx %arg4[%add3A_363, %broadcast_in_dim3A_404] : memref<128x128xf32, #tpu.memory_space<vmem>>[vector<16xi32>, vector<16xi32>], vector<16xf32>,
    %eq3A_406 = arith.constant 1.000000e+00 : f32
    %eq3A_407 = vector.broadcast %eq3A_406 : f32 to vector<16xf32>
    %eq3A_408 = arith.cmpf oeq, %gather3A_405, %eq3A_407 : vector<16xf32>
    %jit3A_409 = arith.constant -1.000000e+09 : f32
    %jit3A_410 = arith.constant 1.000000e+00 : f32
    %broadcast_in_dim3A_411 = vector.broadcast %jit3A_409 : f32 to vector<16xf32>
    %broadcast_in_dim3A_412 = vector.broadcast %jit3A_410 : f32 to vector<16xf32>
    %select_n3A_413 = arith.select %eq3A_408, %broadcast_in_dim3A_411, %broadcast_in_dim3A_412 : vector<16xi1>, vector<16xf32>
    %broadcast_in_dim3A_414 = arith.constant 4 : i32
    %broadcast_in_dim3A_415 = vector.broadcast %broadcast_in_dim3A_414 : i32 to vector<16xi32>
    tpu.vector_store_idx %arg6[%add3A_363, %broadcast_in_dim3A_415], %select_n3A_413 : memref<128x128xf32, #tpu.memory_space<vmem>>[vector<16xi32>, vector<16xi32>], vector<16xf32>,
    %add3A_416 = arith.constant 112 : i32
    %add3A_417 = vector.broadcast %add3A_416 : i32 to vector<16xi32>
    %add3A_418 = arith.addi %add3A_417, %iota3A : vector<16xi32>
    %broadcast_in_dim3A_419 = arith.constant 122 : i32
    %broadcast_in_dim3A_420 = vector.broadcast %broadcast_in_dim3A_419 : i32 to vector<16xi32>
    %gather3A_421 = tpu.vector_load_idx %arg4[%add3A_418, %broadcast_in_dim3A_420] : memref<128x128xf32, #tpu.memory_space<vmem>>[vector<16xi32>, vector<16xi32>], vector<16xf32>,
    %eq3A_422 = arith.constant 1.000000e+00 : f32
    %eq3A_423 = vector.broadcast %eq3A_422 : f32 to vector<16xf32>
    %eq3A_424 = arith.cmpf oeq, %gather3A_421, %eq3A_423 : vector<16xf32>
    %jit3A_425 = arith.constant -1.000000e+09 : f32
    %jit3A_426 = arith.constant 1.000000e+00 : f32
    %broadcast_in_dim3A_427 = vector.broadcast %jit3A_425 : f32 to vector<16xf32>
    %broadcast_in_dim3A_428 = vector.broadcast %jit3A_426 : f32 to vector<16xf32>
    %select_n3A_429 = arith.select %eq3A_424, %broadcast_in_dim3A_427, %broadcast_in_dim3A_428 : vector<16xi1>, vector<16xf32>
    %broadcast_in_dim3A_430 = arith.constant 1 : i32
    %broadcast_in_dim3A_431 = vector.broadcast %broadcast_in_dim3A_430 : i32 to vector<16xi32>
    tpu.vector_store_idx %arg6[%add3A_418, %broadcast_in_dim3A_431], %select_n3A_429 : memref<128x128xf32, #tpu.memory_space<vmem>>[vector<16xi32>, vector<16xi32>], vector<16xf32>,
    %broadcast_in_dim3A_432 = arith.constant 118 : i32
    %broadcast_in_dim3A_433 = vector.broadcast %broadcast_in_dim3A_432 : i32 to vector<16xi32>
    %gather3A_434 = tpu.vector_load_idx %arg4[%add3A_418, %broadcast_in_dim3A_433] : memref<128x128xf32, #tpu.memory_space<vmem>>[vector<16xi32>, vector<16xi32>], vector<16xf32>,
    %eq3A_435 = arith.constant 1.000000e+00 : f32
    %eq3A_436 = vector.broadcast %eq3A_435 : f32 to vector<16xf32>
    %eq3A_437 = arith.cmpf oeq, %gather3A_434, %eq3A_436 : vector<16xf32>
    %jit3A_438 = arith.constant -1.000000e+09 : f32
    %jit3A_439 = arith.constant 1.000000e+00 : f32
    %broadcast_in_dim3A_440 = vector.broadcast %jit3A_438 : f32 to vector<16xf32>
    %broadcast_in_dim3A_441 = vector.broadcast %jit3A_439 : f32 to vector<16xf32>
    %select_n3A_442 = arith.select %eq3A_437, %broadcast_in_dim3A_440, %broadcast_in_dim3A_441 : vector<16xi1>, vector<16xf32>
    %broadcast_in_dim3A_443 = arith.constant 2 : i32
    %broadcast_in_dim3A_444 = vector.broadcast %broadcast_in_dim3A_443 : i32 to vector<16xi32>
    tpu.vector_store_idx %arg6[%add3A_418, %broadcast_in_dim3A_444], %select_n3A_442 : memref<128x128xf32, #tpu.memory_space<vmem>>[vector<16xi32>, vector<16xi32>], vector<16xf32>,
    %broadcast_in_dim3A_445 = arith.constant 123 : i32
    %broadcast_in_dim3A_446 = vector.broadcast %broadcast_in_dim3A_445 : i32 to vector<16xi32>
    %gather3A_447 = tpu.vector_load_idx %arg4[%add3A_418, %broadcast_in_dim3A_446] : memref<128x128xf32, #tpu.memory_space<vmem>>[vector<16xi32>, vector<16xi32>], vector<16xf32>,
    %eq3A_448 = arith.constant 1.000000e+00 : f32
    %eq3A_449 = vector.broadcast %eq3A_448 : f32 to vector<16xf32>
    %eq3A_450 = arith.cmpf oeq, %gather3A_447, %eq3A_449 : vector<16xf32>
    %jit3A_451 = arith.constant -1.000000e+09 : f32
    %jit3A_452 = arith.constant 1.000000e+00 : f32
    %broadcast_in_dim3A_453 = vector.broadcast %jit3A_451 : f32 to vector<16xf32>
    %broadcast_in_dim3A_454 = vector.broadcast %jit3A_452 : f32 to vector<16xf32>
    %select_n3A_455 = arith.select %eq3A_450, %broadcast_in_dim3A_453, %broadcast_in_dim3A_454 : vector<16xi1>, vector<16xf32>
    %broadcast_in_dim3A_456 = arith.constant 3 : i32
    %broadcast_in_dim3A_457 = vector.broadcast %broadcast_in_dim3A_456 : i32 to vector<16xi32>
    tpu.vector_store_idx %arg6[%add3A_418, %broadcast_in_dim3A_457], %select_n3A_455 : memref<128x128xf32, #tpu.memory_space<vmem>>[vector<16xi32>, vector<16xi32>], vector<16xf32>,
    %broadcast_in_dim3A_458 = arith.constant 127 : i32
    %broadcast_in_dim3A_459 = vector.broadcast %broadcast_in_dim3A_458 : i32 to vector<16xi32>
    %gather3A_460 = tpu.vector_load_idx %arg4[%add3A_418, %broadcast_in_dim3A_459] : memref<128x128xf32, #tpu.memory_space<vmem>>[vector<16xi32>, vector<16xi32>], vector<16xf32>,
    %eq3A_461 = arith.constant 1.000000e+00 : f32
    %eq3A_462 = vector.broadcast %eq3A_461 : f32 to vector<16xf32>
    %eq3A_463 = arith.cmpf oeq, %gather3A_460, %eq3A_462 : vector<16xf32>
    %jit3A_464 = arith.constant -1.000000e+09 : f32
    %jit3A_465 = arith.constant 1.000000e+00 : f32
    %broadcast_in_dim3A_466 = vector.broadcast %jit3A_464 : f32 to vector<16xf32>
    %broadcast_in_dim3A_467 = vector.broadcast %jit3A_465 : f32 to vector<16xf32>
    %select_n3A_468 = arith.select %eq3A_463, %broadcast_in_dim3A_466, %broadcast_in_dim3A_467 : vector<16xi1>, vector<16xf32>
    %broadcast_in_dim3A_469 = arith.constant 4 : i32
    %broadcast_in_dim3A_470 = vector.broadcast %broadcast_in_dim3A_469 : i32 to vector<16xi32>
    tpu.vector_store_idx %arg6[%add3A_418, %broadcast_in_dim3A_470], %select_n3A_468 : memref<128x128xf32, #tpu.memory_space<vmem>>[vector<16xi32>, vector<16xi32>], vector<16xf32>,
    %dma_start3A_471 = arith.constant 0 : i32
    %dma_start3A_472 = tpu.memref_slice %arg3[%add3A_12, %dma_start3A_471] : memref<16384x128xf32, #tpu.memory_space<hbm>> -> memref<128x128xf32, #tpu.memory_space<hbm>>
    %dma_start3A_473 = arith.constant 0 : i32
    %dma_start3A_474 = tpu.memref_slice %arg3[%add3A_12, %dma_start3A_473] : memref<16384x128xf32, #tpu.memory_space<hbm>> -> memref<128x128xf32, #tpu.memory_space<hbm>>
    tpu.enqueue_dma source(%arg6 : memref<128x128xf32, #tpu.memory_space<vmem>>) target(%dma_start3A_474 : memref<128x128xf32, #tpu.memory_space<hbm>>) target_semaphore(%arg10 : memref<!tpu.dma_semaphore, #tpu.memory_space<semaphore_mem>>)
    %dma_start3A_475 = arith.constant 128 : i32
    %dma_start3A_476 = tpu.memref_slice %arg2[%add3A_8, %dma_start3A_475] : memref<16384x256xf32, #tpu.memory_space<hbm>> -> memref<128x128xf32, #tpu.memory_space<hbm>>
    %dma_start3A_477 = arith.constant 128 : i32
    %dma_start3A_478 = tpu.memref_slice %arg2[%add3A_8, %dma_start3A_477] : memref<16384x256xf32, #tpu.memory_space<hbm>> -> memref<128x128xf32, #tpu.memory_space<hbm>>
    tpu.enqueue_dma source(%dma_start3A_478 : memref<128x128xf32, #tpu.memory_space<hbm>>) target(%arg4 : memref<128x128xf32, #tpu.memory_space<vmem>>) target_semaphore(%arg8 : memref<!tpu.dma_semaphore, #tpu.memory_space<semaphore_mem>>)
    %dma_wait3A_479 = arith.constant 128 : i32
    %dma_wait3A_480 = tpu.memref_slice %arg2[%add3A_6, %dma_wait3A_479] : memref<16384x256xf32, #tpu.memory_space<hbm>> -> memref<128x128xf32, #tpu.memory_space<hbm>>
    %dma_wait3A_481 = arith.constant 128 : i32
    %dma_wait3A_482 = tpu.memref_slice %arg2[%add3A_6, %dma_wait3A_481] : memref<16384x256xf32, #tpu.memory_space<hbm>> -> memref<128x128xf32, #tpu.memory_space<hbm>>
    tpu.wait_dma2 semaphore(%arg9 : memref<!tpu.dma_semaphore, #tpu.memory_space<semaphore_mem>>) src(%dma_wait3A_482 : memref<128x128xf32, #tpu.memory_space<hbm>>) dst(%arg5 : memref<128x128xf32, #tpu.memory_space<vmem>>)
    %add3A_483 = arith.constant 0 : i32
    %add3A_484 = vector.broadcast %add3A_483 : i32 to vector<16xi32>
    %add3A_485 = arith.addi %add3A_484, %iota3A : vector<16xi32>
    %broadcast_in_dim3A_486 = arith.constant 122 : i32
    %broadcast_in_dim3A_487 = vector.broadcast %broadcast_in_dim3A_486 : i32 to vector<16xi32>
    %gather3A_488 = tpu.vector_load_idx %arg5[%add3A_485, %broadcast_in_dim3A_487] : memref<128x128xf32, #tpu.memory_space<vmem>>[vector<16xi32>, vector<16xi32>], vector<16xf32>,
    %eq3A_489 = arith.constant 1.000000e+00 : f32
    %eq3A_490 = vector.broadcast %eq3A_489 : f32 to vector<16xf32>
    %eq3A_491 = arith.cmpf oeq, %gather3A_488, %eq3A_490 : vector<16xf32>
    %jit3A_492 = arith.constant -1.000000e+09 : f32
    %jit3A_493 = arith.constant 1.000000e+00 : f32
    %broadcast_in_dim3A_494 = vector.broadcast %jit3A_492 : f32 to vector<16xf32>
    %broadcast_in_dim3A_495 = vector.broadcast %jit3A_493 : f32 to vector<16xf32>
    %select_n3A_496 = arith.select %eq3A_491, %broadcast_in_dim3A_494, %broadcast_in_dim3A_495 : vector<16xi1>, vector<16xf32>
    %broadcast_in_dim3A_497 = arith.constant 1 : i32
    %broadcast_in_dim3A_498 = vector.broadcast %broadcast_in_dim3A_497 : i32 to vector<16xi32>
    tpu.vector_store_idx %arg7[%add3A_485, %broadcast_in_dim3A_498], %select_n3A_496 : memref<128x128xf32, #tpu.memory_space<vmem>>[vector<16xi32>, vector<16xi32>], vector<16xf32>,
    %broadcast_in_dim3A_499 = arith.constant 118 : i32
    %broadcast_in_dim3A_500 = vector.broadcast %broadcast_in_dim3A_499 : i32 to vector<16xi32>
    %gather3A_501 = tpu.vector_load_idx %arg5[%add3A_485, %broadcast_in_dim3A_500] : memref<128x128xf32, #tpu.memory_space<vmem>>[vector<16xi32>, vector<16xi32>], vector<16xf32>,
    %eq3A_502 = arith.constant 1.000000e+00 : f32
    %eq3A_503 = vector.broadcast %eq3A_502 : f32 to vector<16xf32>
    %eq3A_504 = arith.cmpf oeq, %gather3A_501, %eq3A_503 : vector<16xf32>
    %jit3A_505 = arith.constant -1.000000e+09 : f32
    %jit3A_506 = arith.constant 1.000000e+00 : f32
    %broadcast_in_dim3A_507 = vector.broadcast %jit3A_505 : f32 to vector<16xf32>
    %broadcast_in_dim3A_508 = vector.broadcast %jit3A_506 : f32 to vector<16xf32>
    %select_n3A_509 = arith.select %eq3A_504, %broadcast_in_dim3A_507, %broadcast_in_dim3A_508 : vector<16xi1>, vector<16xf32>
    %broadcast_in_dim3A_510 = arith.constant 2 : i32
    %broadcast_in_dim3A_511 = vector.broadcast %broadcast_in_dim3A_510 : i32 to vector<16xi32>
    tpu.vector_store_idx %arg7[%add3A_485, %broadcast_in_dim3A_511], %select_n3A_509 : memref<128x128xf32, #tpu.memory_space<vmem>>[vector<16xi32>, vector<16xi32>], vector<16xf32>,
    %broadcast_in_dim3A_512 = arith.constant 123 : i32
    %broadcast_in_dim3A_513 = vector.broadcast %broadcast_in_dim3A_512 : i32 to vector<16xi32>
    %gather3A_514 = tpu.vector_load_idx %arg5[%add3A_485, %broadcast_in_dim3A_513] : memref<128x128xf32, #tpu.memory_space<vmem>>[vector<16xi32>, vector<16xi32>], vector<16xf32>,
    %eq3A_515 = arith.constant 1.000000e+00 : f32
    %eq3A_516 = vector.broadcast %eq3A_515 : f32 to vector<16xf32>
    %eq3A_517 = arith.cmpf oeq, %gather3A_514, %eq3A_516 : vector<16xf32>
    %jit3A_518 = arith.constant -1.000000e+09 : f32
    %jit3A_519 = arith.constant 1.000000e+00 : f32
    %broadcast_in_dim3A_520 = vector.broadcast %jit3A_518 : f32 to vector<16xf32>
    %broadcast_in_dim3A_521 = vector.broadcast %jit3A_519 : f32 to vector<16xf32>
    %select_n3A_522 = arith.select %eq3A_517, %broadcast_in_dim3A_520, %broadcast_in_dim3A_521 : vector<16xi1>, vector<16xf32>
    %broadcast_in_dim3A_523 = arith.constant 3 : i32
    %broadcast_in_dim3A_524 = vector.broadcast %broadcast_in_dim3A_523 : i32 to vector<16xi32>
    tpu.vector_store_idx %arg7[%add3A_485, %broadcast_in_dim3A_524], %select_n3A_522 : memref<128x128xf32, #tpu.memory_space<vmem>>[vector<16xi32>, vector<16xi32>], vector<16xf32>,
    %broadcast_in_dim3A_525 = arith.constant 127 : i32
    %broadcast_in_dim3A_526 = vector.broadcast %broadcast_in_dim3A_525 : i32 to vector<16xi32>
    %gather3A_527 = tpu.vector_load_idx %arg5[%add3A_485, %broadcast_in_dim3A_526] : memref<128x128xf32, #tpu.memory_space<vmem>>[vector<16xi32>, vector<16xi32>], vector<16xf32>,
    %eq3A_528 = arith.constant 1.000000e+00 : f32
    %eq3A_529 = vector.broadcast %eq3A_528 : f32 to vector<16xf32>
    %eq3A_530 = arith.cmpf oeq, %gather3A_527, %eq3A_529 : vector<16xf32>
    %jit3A_531 = arith.constant -1.000000e+09 : f32
    %jit3A_532 = arith.constant 1.000000e+00 : f32
    %broadcast_in_dim3A_533 = vector.broadcast %jit3A_531 : f32 to vector<16xf32>
    %broadcast_in_dim3A_534 = vector.broadcast %jit3A_532 : f32 to vector<16xf32>
    %select_n3A_535 = arith.select %eq3A_530, %broadcast_in_dim3A_533, %broadcast_in_dim3A_534 : vector<16xi1>, vector<16xf32>
    %broadcast_in_dim3A_536 = arith.constant 4 : i32
    %broadcast_in_dim3A_537 = vector.broadcast %broadcast_in_dim3A_536 : i32 to vector<16xi32>
    tpu.vector_store_idx %arg7[%add3A_485, %broadcast_in_dim3A_537], %select_n3A_535 : memref<128x128xf32, #tpu.memory_space<vmem>>[vector<16xi32>, vector<16xi32>], vector<16xf32>,
    %add3A_538 = arith.constant 16 : i32
    %add3A_539 = vector.broadcast %add3A_538 : i32 to vector<16xi32>
    %add3A_540 = arith.addi %add3A_539, %iota3A : vector<16xi32>
    %broadcast_in_dim3A_541 = arith.constant 122 : i32
    %broadcast_in_dim3A_542 = vector.broadcast %broadcast_in_dim3A_541 : i32 to vector<16xi32>
    %gather3A_543 = tpu.vector_load_idx %arg5[%add3A_540, %broadcast_in_dim3A_542] : memref<128x128xf32, #tpu.memory_space<vmem>>[vector<16xi32>, vector<16xi32>], vector<16xf32>,
    %eq3A_544 = arith.constant 1.000000e+00 : f32
    %eq3A_545 = vector.broadcast %eq3A_544 : f32 to vector<16xf32>
    %eq3A_546 = arith.cmpf oeq, %gather3A_543, %eq3A_545 : vector<16xf32>
    %jit3A_547 = arith.constant -1.000000e+09 : f32
    %jit3A_548 = arith.constant 1.000000e+00 : f32
    %broadcast_in_dim3A_549 = vector.broadcast %jit3A_547 : f32 to vector<16xf32>
    %broadcast_in_dim3A_550 = vector.broadcast %jit3A_548 : f32 to vector<16xf32>
    %select_n3A_551 = arith.select %eq3A_546, %broadcast_in_dim3A_549, %broadcast_in_dim3A_550 : vector<16xi1>, vector<16xf32>
    %broadcast_in_dim3A_552 = arith.constant 1 : i32
    %broadcast_in_dim3A_553 = vector.broadcast %broadcast_in_dim3A_552 : i32 to vector<16xi32>
    tpu.vector_store_idx %arg7[%add3A_540, %broadcast_in_dim3A_553], %select_n3A_551 : memref<128x128xf32, #tpu.memory_space<vmem>>[vector<16xi32>, vector<16xi32>], vector<16xf32>,
    %broadcast_in_dim3A_554 = arith.constant 118 : i32
    %broadcast_in_dim3A_555 = vector.broadcast %broadcast_in_dim3A_554 : i32 to vector<16xi32>
    %gather3A_556 = tpu.vector_load_idx %arg5[%add3A_540, %broadcast_in_dim3A_555] : memref<128x128xf32, #tpu.memory_space<vmem>>[vector<16xi32>, vector<16xi32>], vector<16xf32>,
    %eq3A_557 = arith.constant 1.000000e+00 : f32
    %eq3A_558 = vector.broadcast %eq3A_557 : f32 to vector<16xf32>
    %eq3A_559 = arith.cmpf oeq, %gather3A_556, %eq3A_558 : vector<16xf32>
    %jit3A_560 = arith.constant -1.000000e+09 : f32
    %jit3A_561 = arith.constant 1.000000e+00 : f32
    %broadcast_in_dim3A_562 = vector.broadcast %jit3A_560 : f32 to vector<16xf32>
    %broadcast_in_dim3A_563 = vector.broadcast %jit3A_561 : f32 to vector<16xf32>
    %select_n3A_564 = arith.select %eq3A_559, %broadcast_in_dim3A_562, %broadcast_in_dim3A_563 : vector<16xi1>, vector<16xf32>
    %broadcast_in_dim3A_565 = arith.constant 2 : i32
    %broadcast_in_dim3A_566 = vector.broadcast %broadcast_in_dim3A_565 : i32 to vector<16xi32>
    tpu.vector_store_idx %arg7[%add3A_540, %broadcast_in_dim3A_566], %select_n3A_564 : memref<128x128xf32, #tpu.memory_space<vmem>>[vector<16xi32>, vector<16xi32>], vector<16xf32>,
    %broadcast_in_dim3A_567 = arith.constant 123 : i32
    %broadcast_in_dim3A_568 = vector.broadcast %broadcast_in_dim3A_567 : i32 to vector<16xi32>
    %gather3A_569 = tpu.vector_load_idx %arg5[%add3A_540, %broadcast_in_dim3A_568] : memref<128x128xf32, #tpu.memory_space<vmem>>[vector<16xi32>, vector<16xi32>], vector<16xf32>,
    %eq3A_570 = arith.constant 1.000000e+00 : f32
    %eq3A_571 = vector.broadcast %eq3A_570 : f32 to vector<16xf32>
    %eq3A_572 = arith.cmpf oeq, %gather3A_569, %eq3A_571 : vector<16xf32>
    %jit3A_573 = arith.constant -1.000000e+09 : f32
    %jit3A_574 = arith.constant 1.000000e+00 : f32
    %broadcast_in_dim3A_575 = vector.broadcast %jit3A_573 : f32 to vector<16xf32>
    %broadcast_in_dim3A_576 = vector.broadcast %jit3A_574 : f32 to vector<16xf32>
    %select_n3A_577 = arith.select %eq3A_572, %broadcast_in_dim3A_575, %broadcast_in_dim3A_576 : vector<16xi1>, vector<16xf32>
    %broadcast_in_dim3A_578 = arith.constant 3 : i32
    %broadcast_in_dim3A_579 = vector.broadcast %broadcast_in_dim3A_578 : i32 to vector<16xi32>
    tpu.vector_store_idx %arg7[%add3A_540, %broadcast_in_dim3A_579], %select_n3A_577 : memref<128x128xf32, #tpu.memory_space<vmem>>[vector<16xi32>, vector<16xi32>], vector<16xf32>,
    %broadcast_in_dim3A_580 = arith.constant 127 : i32
    %broadcast_in_dim3A_581 = vector.broadcast %broadcast_in_dim3A_580 : i32 to vector<16xi32>
    %gather3A_582 = tpu.vector_load_idx %arg5[%add3A_540, %broadcast_in_dim3A_581] : memref<128x128xf32, #tpu.memory_space<vmem>>[vector<16xi32>, vector<16xi32>], vector<16xf32>,
    %eq3A_583 = arith.constant 1.000000e+00 : f32
    %eq3A_584 = vector.broadcast %eq3A_583 : f32 to vector<16xf32>
    %eq3A_585 = arith.cmpf oeq, %gather3A_582, %eq3A_584 : vector<16xf32>
    %jit3A_586 = arith.constant -1.000000e+09 : f32
    %jit3A_587 = arith.constant 1.000000e+00 : f32
    %broadcast_in_dim3A_588 = vector.broadcast %jit3A_586 : f32 to vector<16xf32>
    %broadcast_in_dim3A_589 = vector.broadcast %jit3A_587 : f32 to vector<16xf32>
    %select_n3A_590 = arith.select %eq3A_585, %broadcast_in_dim3A_588, %broadcast_in_dim3A_589 : vector<16xi1>, vector<16xf32>
    %broadcast_in_dim3A_591 = arith.constant 4 : i32
    %broadcast_in_dim3A_592 = vector.broadcast %broadcast_in_dim3A_591 : i32 to vector<16xi32>
    tpu.vector_store_idx %arg7[%add3A_540, %broadcast_in_dim3A_592], %select_n3A_590 : memref<128x128xf32, #tpu.memory_space<vmem>>[vector<16xi32>, vector<16xi32>], vector<16xf32>,
    %add3A_593 = arith.constant 32 : i32
    %add3A_594 = vector.broadcast %add3A_593 : i32 to vector<16xi32>
    %add3A_595 = arith.addi %add3A_594, %iota3A : vector<16xi32>
    %broadcast_in_dim3A_596 = arith.constant 122 : i32
    %broadcast_in_dim3A_597 = vector.broadcast %broadcast_in_dim3A_596 : i32 to vector<16xi32>
    %gather3A_598 = tpu.vector_load_idx %arg5[%add3A_595, %broadcast_in_dim3A_597] : memref<128x128xf32, #tpu.memory_space<vmem>>[vector<16xi32>, vector<16xi32>], vector<16xf32>,
    %eq3A_599 = arith.constant 1.000000e+00 : f32
    %eq3A_600 = vector.broadcast %eq3A_599 : f32 to vector<16xf32>
    %eq3A_601 = arith.cmpf oeq, %gather3A_598, %eq3A_600 : vector<16xf32>
    %jit3A_602 = arith.constant -1.000000e+09 : f32
    %jit3A_603 = arith.constant 1.000000e+00 : f32
    %broadcast_in_dim3A_604 = vector.broadcast %jit3A_602 : f32 to vector<16xf32>
    %broadcast_in_dim3A_605 = vector.broadcast %jit3A_603 : f32 to vector<16xf32>
    %select_n3A_606 = arith.select %eq3A_601, %broadcast_in_dim3A_604, %broadcast_in_dim3A_605 : vector<16xi1>, vector<16xf32>
    %broadcast_in_dim3A_607 = arith.constant 1 : i32
    %broadcast_in_dim3A_608 = vector.broadcast %broadcast_in_dim3A_607 : i32 to vector<16xi32>
    tpu.vector_store_idx %arg7[%add3A_595, %broadcast_in_dim3A_608], %select_n3A_606 : memref<128x128xf32, #tpu.memory_space<vmem>>[vector<16xi32>, vector<16xi32>], vector<16xf32>,
    %broadcast_in_dim3A_609 = arith.constant 118 : i32
    %broadcast_in_dim3A_610 = vector.broadcast %broadcast_in_dim3A_609 : i32 to vector<16xi32>
    %gather3A_611 = tpu.vector_load_idx %arg5[%add3A_595, %broadcast_in_dim3A_610] : memref<128x128xf32, #tpu.memory_space<vmem>>[vector<16xi32>, vector<16xi32>], vector<16xf32>,
    %eq3A_612 = arith.constant 1.000000e+00 : f32
    %eq3A_613 = vector.broadcast %eq3A_612 : f32 to vector<16xf32>
    %eq3A_614 = arith.cmpf oeq, %gather3A_611, %eq3A_613 : vector<16xf32>
    %jit3A_615 = arith.constant -1.000000e+09 : f32
    %jit3A_616 = arith.constant 1.000000e+00 : f32
    %broadcast_in_dim3A_617 = vector.broadcast %jit3A_615 : f32 to vector<16xf32>
    %broadcast_in_dim3A_618 = vector.broadcast %jit3A_616 : f32 to vector<16xf32>
    %select_n3A_619 = arith.select %eq3A_614, %broadcast_in_dim3A_617, %broadcast_in_dim3A_618 : vector<16xi1>, vector<16xf32>
    %broadcast_in_dim3A_620 = arith.constant 2 : i32
    %broadcast_in_dim3A_621 = vector.broadcast %broadcast_in_dim3A_620 : i32 to vector<16xi32>
    tpu.vector_store_idx %arg7[%add3A_595, %broadcast_in_dim3A_621], %select_n3A_619 : memref<128x128xf32, #tpu.memory_space<vmem>>[vector<16xi32>, vector<16xi32>], vector<16xf32>,
    %broadcast_in_dim3A_622 = arith.constant 123 : i32
    %broadcast_in_dim3A_623 = vector.broadcast %broadcast_in_dim3A_622 : i32 to vector<16xi32>
    %gather3A_624 = tpu.vector_load_idx %arg5[%add3A_595, %broadcast_in_dim3A_623] : memref<128x128xf32, #tpu.memory_space<vmem>>[vector<16xi32>, vector<16xi32>], vector<16xf32>,
    %eq3A_625 = arith.constant 1.000000e+00 : f32
    %eq3A_626 = vector.broadcast %eq3A_625 : f32 to vector<16xf32>
    %eq3A_627 = arith.cmpf oeq, %gather3A_624, %eq3A_626 : vector<16xf32>
    %jit3A_628 = arith.constant -1.000000e+09 : f32
    %jit3A_629 = arith.constant 1.000000e+00 : f32
    %broadcast_in_dim3A_630 = vector.broadcast %jit3A_628 : f32 to vector<16xf32>
    %broadcast_in_dim3A_631 = vector.broadcast %jit3A_629 : f32 to vector<16xf32>
    %select_n3A_632 = arith.select %eq3A_627, %broadcast_in_dim3A_630, %broadcast_in_dim3A_631 : vector<16xi1>, vector<16xf32>
    %broadcast_in_dim3A_633 = arith.constant 3 : i32
    %broadcast_in_dim3A_634 = vector.broadcast %broadcast_in_dim3A_633 : i32 to vector<16xi32>
    tpu.vector_store_idx %arg7[%add3A_595, %broadcast_in_dim3A_634], %select_n3A_632 : memref<128x128xf32, #tpu.memory_space<vmem>>[vector<16xi32>, vector<16xi32>], vector<16xf32>,
    %broadcast_in_dim3A_635 = arith.constant 127 : i32
    %broadcast_in_dim3A_636 = vector.broadcast %broadcast_in_dim3A_635 : i32 to vector<16xi32>
    %gather3A_637 = tpu.vector_load_idx %arg5[%add3A_595, %broadcast_in_dim3A_636] : memref<128x128xf32, #tpu.memory_space<vmem>>[vector<16xi32>, vector<16xi32>], vector<16xf32>,
    %eq3A_638 = arith.constant 1.000000e+00 : f32
    %eq3A_639 = vector.broadcast %eq3A_638 : f32 to vector<16xf32>
    %eq3A_640 = arith.cmpf oeq, %gather3A_637, %eq3A_639 : vector<16xf32>
    %jit3A_641 = arith.constant -1.000000e+09 : f32
    %jit3A_642 = arith.constant 1.000000e+00 : f32
    %broadcast_in_dim3A_643 = vector.broadcast %jit3A_641 : f32 to vector<16xf32>
    %broadcast_in_dim3A_644 = vector.broadcast %jit3A_642 : f32 to vector<16xf32>
    %select_n3A_645 = arith.select %eq3A_640, %broadcast_in_dim3A_643, %broadcast_in_dim3A_644 : vector<16xi1>, vector<16xf32>
    %broadcast_in_dim3A_646 = arith.constant 4 : i32
    %broadcast_in_dim3A_647 = vector.broadcast %broadcast_in_dim3A_646 : i32 to vector<16xi32>
    tpu.vector_store_idx %arg7[%add3A_595, %broadcast_in_dim3A_647], %select_n3A_645 : memref<128x128xf32, #tpu.memory_space<vmem>>[vector<16xi32>, vector<16xi32>], vector<16xf32>,
    %add3A_648 = arith.constant 48 : i32
    %add3A_649 = vector.broadcast %add3A_648 : i32 to vector<16xi32>
    %add3A_650 = arith.addi %add3A_649, %iota3A : vector<16xi32>
    %broadcast_in_dim3A_651 = arith.constant 122 : i32
    %broadcast_in_dim3A_652 = vector.broadcast %broadcast_in_dim3A_651 : i32 to vector<16xi32>
    %gather3A_653 = tpu.vector_load_idx %arg5[%add3A_650, %broadcast_in_dim3A_652] : memref<128x128xf32, #tpu.memory_space<vmem>>[vector<16xi32>, vector<16xi32>], vector<16xf32>,
    %eq3A_654 = arith.constant 1.000000e+00 : f32
    %eq3A_655 = vector.broadcast %eq3A_654 : f32 to vector<16xf32>
    %eq3A_656 = arith.cmpf oeq, %gather3A_653, %eq3A_655 : vector<16xf32>
    %jit3A_657 = arith.constant -1.000000e+09 : f32
    %jit3A_658 = arith.constant 1.000000e+00 : f32
    %broadcast_in_dim3A_659 = vector.broadcast %jit3A_657 : f32 to vector<16xf32>
    %broadcast_in_dim3A_660 = vector.broadcast %jit3A_658 : f32 to vector<16xf32>
    %select_n3A_661 = arith.select %eq3A_656, %broadcast_in_dim3A_659, %broadcast_in_dim3A_660 : vector<16xi1>, vector<16xf32>
    %broadcast_in_dim3A_662 = arith.constant 1 : i32
    %broadcast_in_dim3A_663 = vector.broadcast %broadcast_in_dim3A_662 : i32 to vector<16xi32>
    tpu.vector_store_idx %arg7[%add3A_650, %broadcast_in_dim3A_663], %select_n3A_661 : memref<128x128xf32, #tpu.memory_space<vmem>>[vector<16xi32>, vector<16xi32>], vector<16xf32>,
    %broadcast_in_dim3A_664 = arith.constant 118 : i32
    %broadcast_in_dim3A_665 = vector.broadcast %broadcast_in_dim3A_664 : i32 to vector<16xi32>
    %gather3A_666 = tpu.vector_load_idx %arg5[%add3A_650, %broadcast_in_dim3A_665] : memref<128x128xf32, #tpu.memory_space<vmem>>[vector<16xi32>, vector<16xi32>], vector<16xf32>,
    %eq3A_667 = arith.constant 1.000000e+00 : f32
    %eq3A_668 = vector.broadcast %eq3A_667 : f32 to vector<16xf32>
    %eq3A_669 = arith.cmpf oeq, %gather3A_666, %eq3A_668 : vector<16xf32>
    %jit3A_670 = arith.constant -1.000000e+09 : f32
    %jit3A_671 = arith.constant 1.000000e+00 : f32
    %broadcast_in_dim3A_672 = vector.broadcast %jit3A_670 : f32 to vector<16xf32>
    %broadcast_in_dim3A_673 = vector.broadcast %jit3A_671 : f32 to vector<16xf32>
    %select_n3A_674 = arith.select %eq3A_669, %broadcast_in_dim3A_672, %broadcast_in_dim3A_673 : vector<16xi1>, vector<16xf32>
    %broadcast_in_dim3A_675 = arith.constant 2 : i32
    %broadcast_in_dim3A_676 = vector.broadcast %broadcast_in_dim3A_675 : i32 to vector<16xi32>
    tpu.vector_store_idx %arg7[%add3A_650, %broadcast_in_dim3A_676], %select_n3A_674 : memref<128x128xf32, #tpu.memory_space<vmem>>[vector<16xi32>, vector<16xi32>], vector<16xf32>,
    %broadcast_in_dim3A_677 = arith.constant 123 : i32
    %broadcast_in_dim3A_678 = vector.broadcast %broadcast_in_dim3A_677 : i32 to vector<16xi32>
    %gather3A_679 = tpu.vector_load_idx %arg5[%add3A_650, %broadcast_in_dim3A_678] : memref<128x128xf32, #tpu.memory_space<vmem>>[vector<16xi32>, vector<16xi32>], vector<16xf32>,
    %eq3A_680 = arith.constant 1.000000e+00 : f32
    %eq3A_681 = vector.broadcast %eq3A_680 : f32 to vector<16xf32>
    %eq3A_682 = arith.cmpf oeq, %gather3A_679, %eq3A_681 : vector<16xf32>
    %jit3A_683 = arith.constant -1.000000e+09 : f32
    %jit3A_684 = arith.constant 1.000000e+00 : f32
    %broadcast_in_dim3A_685 = vector.broadcast %jit3A_683 : f32 to vector<16xf32>
    %broadcast_in_dim3A_686 = vector.broadcast %jit3A_684 : f32 to vector<16xf32>
    %select_n3A_687 = arith.select %eq3A_682, %broadcast_in_dim3A_685, %broadcast_in_dim3A_686 : vector<16xi1>, vector<16xf32>
    %broadcast_in_dim3A_688 = arith.constant 3 : i32
    %broadcast_in_dim3A_689 = vector.broadcast %broadcast_in_dim3A_688 : i32 to vector<16xi32>
    tpu.vector_store_idx %arg7[%add3A_650, %broadcast_in_dim3A_689], %select_n3A_687 : memref<128x128xf32, #tpu.memory_space<vmem>>[vector<16xi32>, vector<16xi32>], vector<16xf32>,
    %broadcast_in_dim3A_690 = arith.constant 127 : i32
    %broadcast_in_dim3A_691 = vector.broadcast %broadcast_in_dim3A_690 : i32 to vector<16xi32>
    %gather3A_692 = tpu.vector_load_idx %arg5[%add3A_650, %broadcast_in_dim3A_691] : memref<128x128xf32, #tpu.memory_space<vmem>>[vector<16xi32>, vector<16xi32>], vector<16xf32>,
    %eq3A_693 = arith.constant 1.000000e+00 : f32
    %eq3A_694 = vector.broadcast %eq3A_693 : f32 to vector<16xf32>
    %eq3A_695 = arith.cmpf oeq, %gather3A_692, %eq3A_694 : vector<16xf32>
    %jit3A_696 = arith.constant -1.000000e+09 : f32
    %jit3A_697 = arith.constant 1.000000e+00 : f32
    %broadcast_in_dim3A_698 = vector.broadcast %jit3A_696 : f32 to vector<16xf32>
    %broadcast_in_dim3A_699 = vector.broadcast %jit3A_697 : f32 to vector<16xf32>
    %select_n3A_700 = arith.select %eq3A_695, %broadcast_in_dim3A_698, %broadcast_in_dim3A_699 : vector<16xi1>, vector<16xf32>
    %broadcast_in_dim3A_701 = arith.constant 4 : i32
    %broadcast_in_dim3A_702 = vector.broadcast %broadcast_in_dim3A_701 : i32 to vector<16xi32>
    tpu.vector_store_idx %arg7[%add3A_650, %broadcast_in_dim3A_702], %select_n3A_700 : memref<128x128xf32, #tpu.memory_space<vmem>>[vector<16xi32>, vector<16xi32>], vector<16xf32>,
    %add3A_703 = arith.constant 64 : i32
    %add3A_704 = vector.broadcast %add3A_703 : i32 to vector<16xi32>
    %add3A_705 = arith.addi %add3A_704, %iota3A : vector<16xi32>
    %broadcast_in_dim3A_706 = arith.constant 122 : i32
    %broadcast_in_dim3A_707 = vector.broadcast %broadcast_in_dim3A_706 : i32 to vector<16xi32>
    %gather3A_708 = tpu.vector_load_idx %arg5[%add3A_705, %broadcast_in_dim3A_707] : memref<128x128xf32, #tpu.memory_space<vmem>>[vector<16xi32>, vector<16xi32>], vector<16xf32>,
    %eq3A_709 = arith.constant 1.000000e+00 : f32
    %eq3A_710 = vector.broadcast %eq3A_709 : f32 to vector<16xf32>
    %eq3A_711 = arith.cmpf oeq, %gather3A_708, %eq3A_710 : vector<16xf32>
    %jit3A_712 = arith.constant -1.000000e+09 : f32
    %jit3A_713 = arith.constant 1.000000e+00 : f32
    %broadcast_in_dim3A_714 = vector.broadcast %jit3A_712 : f32 to vector<16xf32>
    %broadcast_in_dim3A_715 = vector.broadcast %jit3A_713 : f32 to vector<16xf32>
    %select_n3A_716 = arith.select %eq3A_711, %broadcast_in_dim3A_714, %broadcast_in_dim3A_715 : vector<16xi1>, vector<16xf32>
    %broadcast_in_dim3A_717 = arith.constant 1 : i32
    %broadcast_in_dim3A_718 = vector.broadcast %broadcast_in_dim3A_717 : i32 to vector<16xi32>
    tpu.vector_store_idx %arg7[%add3A_705, %broadcast_in_dim3A_718], %select_n3A_716 : memref<128x128xf32, #tpu.memory_space<vmem>>[vector<16xi32>, vector<16xi32>], vector<16xf32>,
    %broadcast_in_dim3A_719 = arith.constant 118 : i32
    %broadcast_in_dim3A_720 = vector.broadcast %broadcast_in_dim3A_719 : i32 to vector<16xi32>
    %gather3A_721 = tpu.vector_load_idx %arg5[%add3A_705, %broadcast_in_dim3A_720] : memref<128x128xf32, #tpu.memory_space<vmem>>[vector<16xi32>, vector<16xi32>], vector<16xf32>,
    %eq3A_722 = arith.constant 1.000000e+00 : f32
    %eq3A_723 = vector.broadcast %eq3A_722 : f32 to vector<16xf32>
    %eq3A_724 = arith.cmpf oeq, %gather3A_721, %eq3A_723 : vector<16xf32>
    %jit3A_725 = arith.constant -1.000000e+09 : f32
    %jit3A_726 = arith.constant 1.000000e+00 : f32
    %broadcast_in_dim3A_727 = vector.broadcast %jit3A_725 : f32 to vector<16xf32>
    %broadcast_in_dim3A_728 = vector.broadcast %jit3A_726 : f32 to vector<16xf32>
    %select_n3A_729 = arith.select %eq3A_724, %broadcast_in_dim3A_727, %broadcast_in_dim3A_728 : vector<16xi1>, vector<16xf32>
    %broadcast_in_dim3A_730 = arith.constant 2 : i32
    %broadcast_in_dim3A_731 = vector.broadcast %broadcast_in_dim3A_730 : i32 to vector<16xi32>
    tpu.vector_store_idx %arg7[%add3A_705, %broadcast_in_dim3A_731], %select_n3A_729 : memref<128x128xf32, #tpu.memory_space<vmem>>[vector<16xi32>, vector<16xi32>], vector<16xf32>,
    %broadcast_in_dim3A_732 = arith.constant 123 : i32
    %broadcast_in_dim3A_733 = vector.broadcast %broadcast_in_dim3A_732 : i32 to vector<16xi32>
    %gather3A_734 = tpu.vector_load_idx %arg5[%add3A_705, %broadcast_in_dim3A_733] : memref<128x128xf32, #tpu.memory_space<vmem>>[vector<16xi32>, vector<16xi32>], vector<16xf32>,
    %eq3A_735 = arith.constant 1.000000e+00 : f32
    %eq3A_736 = vector.broadcast %eq3A_735 : f32 to vector<16xf32>
    %eq3A_737 = arith.cmpf oeq, %gather3A_734, %eq3A_736 : vector<16xf32>
    %jit3A_738 = arith.constant -1.000000e+09 : f32
    %jit3A_739 = arith.constant 1.000000e+00 : f32
    %broadcast_in_dim3A_740 = vector.broadcast %jit3A_738 : f32 to vector<16xf32>
    %broadcast_in_dim3A_741 = vector.broadcast %jit3A_739 : f32 to vector<16xf32>
    %select_n3A_742 = arith.select %eq3A_737, %broadcast_in_dim3A_740, %broadcast_in_dim3A_741 : vector<16xi1>, vector<16xf32>
    %broadcast_in_dim3A_743 = arith.constant 3 : i32
    %broadcast_in_dim3A_744 = vector.broadcast %broadcast_in_dim3A_743 : i32 to vector<16xi32>
    tpu.vector_store_idx %arg7[%add3A_705, %broadcast_in_dim3A_744], %select_n3A_742 : memref<128x128xf32, #tpu.memory_space<vmem>>[vector<16xi32>, vector<16xi32>], vector<16xf32>,
    %broadcast_in_dim3A_745 = arith.constant 127 : i32
    %broadcast_in_dim3A_746 = vector.broadcast %broadcast_in_dim3A_745 : i32 to vector<16xi32>
    %gather3A_747 = tpu.vector_load_idx %arg5[%add3A_705, %broadcast_in_dim3A_746] : memref<128x128xf32, #tpu.memory_space<vmem>>[vector<16xi32>, vector<16xi32>], vector<16xf32>,
    %eq3A_748 = arith.constant 1.000000e+00 : f32
    %eq3A_749 = vector.broadcast %eq3A_748 : f32 to vector<16xf32>
    %eq3A_750 = arith.cmpf oeq, %gather3A_747, %eq3A_749 : vector<16xf32>
    %jit3A_751 = arith.constant -1.000000e+09 : f32
    %jit3A_752 = arith.constant 1.000000e+00 : f32
    %broadcast_in_dim3A_753 = vector.broadcast %jit3A_751 : f32 to vector<16xf32>
    %broadcast_in_dim3A_754 = vector.broadcast %jit3A_752 : f32 to vector<16xf32>
    %select_n3A_755 = arith.select %eq3A_750, %broadcast_in_dim3A_753, %broadcast_in_dim3A_754 : vector<16xi1>, vector<16xf32>
    %broadcast_in_dim3A_756 = arith.constant 4 : i32
    %broadcast_in_dim3A_757 = vector.broadcast %broadcast_in_dim3A_756 : i32 to vector<16xi32>
    tpu.vector_store_idx %arg7[%add3A_705, %broadcast_in_dim3A_757], %select_n3A_755 : memref<128x128xf32, #tpu.memory_space<vmem>>[vector<16xi32>, vector<16xi32>], vector<16xf32>,
    %add3A_758 = arith.constant 80 : i32
    %add3A_759 = vector.broadcast %add3A_758 : i32 to vector<16xi32>
    %add3A_760 = arith.addi %add3A_759, %iota3A : vector<16xi32>
    %broadcast_in_dim3A_761 = arith.constant 122 : i32
    %broadcast_in_dim3A_762 = vector.broadcast %broadcast_in_dim3A_761 : i32 to vector<16xi32>
    %gather3A_763 = tpu.vector_load_idx %arg5[%add3A_760, %broadcast_in_dim3A_762] : memref<128x128xf32, #tpu.memory_space<vmem>>[vector<16xi32>, vector<16xi32>], vector<16xf32>,
    %eq3A_764 = arith.constant 1.000000e+00 : f32
    %eq3A_765 = vector.broadcast %eq3A_764 : f32 to vector<16xf32>
    %eq3A_766 = arith.cmpf oeq, %gather3A_763, %eq3A_765 : vector<16xf32>
    %jit3A_767 = arith.constant -1.000000e+09 : f32
    %jit3A_768 = arith.constant 1.000000e+00 : f32
    %broadcast_in_dim3A_769 = vector.broadcast %jit3A_767 : f32 to vector<16xf32>
    %broadcast_in_dim3A_770 = vector.broadcast %jit3A_768 : f32 to vector<16xf32>
    %select_n3A_771 = arith.select %eq3A_766, %broadcast_in_dim3A_769, %broadcast_in_dim3A_770 : vector<16xi1>, vector<16xf32>
    %broadcast_in_dim3A_772 = arith.constant 1 : i32
    %broadcast_in_dim3A_773 = vector.broadcast %broadcast_in_dim3A_772 : i32 to vector<16xi32>
    tpu.vector_store_idx %arg7[%add3A_760, %broadcast_in_dim3A_773], %select_n3A_771 : memref<128x128xf32, #tpu.memory_space<vmem>>[vector<16xi32>, vector<16xi32>], vector<16xf32>,
    %broadcast_in_dim3A_774 = arith.constant 118 : i32
    %broadcast_in_dim3A_775 = vector.broadcast %broadcast_in_dim3A_774 : i32 to vector<16xi32>
    %gather3A_776 = tpu.vector_load_idx %arg5[%add3A_760, %broadcast_in_dim3A_775] : memref<128x128xf32, #tpu.memory_space<vmem>>[vector<16xi32>, vector<16xi32>], vector<16xf32>,
    %eq3A_777 = arith.constant 1.000000e+00 : f32
    %eq3A_778 = vector.broadcast %eq3A_777 : f32 to vector<16xf32>
    %eq3A_779 = arith.cmpf oeq, %gather3A_776, %eq3A_778 : vector<16xf32>
    %jit3A_780 = arith.constant -1.000000e+09 : f32
    %jit3A_781 = arith.constant 1.000000e+00 : f32
    %broadcast_in_dim3A_782 = vector.broadcast %jit3A_780 : f32 to vector<16xf32>
    %broadcast_in_dim3A_783 = vector.broadcast %jit3A_781 : f32 to vector<16xf32>
    %select_n3A_784 = arith.select %eq3A_779, %broadcast_in_dim3A_782, %broadcast_in_dim3A_783 : vector<16xi1>, vector<16xf32>
    %broadcast_in_dim3A_785 = arith.constant 2 : i32
    %broadcast_in_dim3A_786 = vector.broadcast %broadcast_in_dim3A_785 : i32 to vector<16xi32>
    tpu.vector_store_idx %arg7[%add3A_760, %broadcast_in_dim3A_786], %select_n3A_784 : memref<128x128xf32, #tpu.memory_space<vmem>>[vector<16xi32>, vector<16xi32>], vector<16xf32>,
    %broadcast_in_dim3A_787 = arith.constant 123 : i32
    %broadcast_in_dim3A_788 = vector.broadcast %broadcast_in_dim3A_787 : i32 to vector<16xi32>
    %gather3A_789 = tpu.vector_load_idx %arg5[%add3A_760, %broadcast_in_dim3A_788] : memref<128x128xf32, #tpu.memory_space<vmem>>[vector<16xi32>, vector<16xi32>], vector<16xf32>,
    %eq3A_790 = arith.constant 1.000000e+00 : f32
    %eq3A_791 = vector.broadcast %eq3A_790 : f32 to vector<16xf32>
    %eq3A_792 = arith.cmpf oeq, %gather3A_789, %eq3A_791 : vector<16xf32>
    %jit3A_793 = arith.constant -1.000000e+09 : f32
    %jit3A_794 = arith.constant 1.000000e+00 : f32
    %broadcast_in_dim3A_795 = vector.broadcast %jit3A_793 : f32 to vector<16xf32>
    %broadcast_in_dim3A_796 = vector.broadcast %jit3A_794 : f32 to vector<16xf32>
    %select_n3A_797 = arith.select %eq3A_792, %broadcast_in_dim3A_795, %broadcast_in_dim3A_796 : vector<16xi1>, vector<16xf32>
    %broadcast_in_dim3A_798 = arith.constant 3 : i32
    %broadcast_in_dim3A_799 = vector.broadcast %broadcast_in_dim3A_798 : i32 to vector<16xi32>
    tpu.vector_store_idx %arg7[%add3A_760, %broadcast_in_dim3A_799], %select_n3A_797 : memref<128x128xf32, #tpu.memory_space<vmem>>[vector<16xi32>, vector<16xi32>], vector<16xf32>,
    %broadcast_in_dim3A_800 = arith.constant 127 : i32
    %broadcast_in_dim3A_801 = vector.broadcast %broadcast_in_dim3A_800 : i32 to vector<16xi32>
    %gather3A_802 = tpu.vector_load_idx %arg5[%add3A_760, %broadcast_in_dim3A_801] : memref<128x128xf32, #tpu.memory_space<vmem>>[vector<16xi32>, vector<16xi32>], vector<16xf32>,
    %eq3A_803 = arith.constant 1.000000e+00 : f32
    %eq3A_804 = vector.broadcast %eq3A_803 : f32 to vector<16xf32>
    %eq3A_805 = arith.cmpf oeq, %gather3A_802, %eq3A_804 : vector<16xf32>
    %jit3A_806 = arith.constant -1.000000e+09 : f32
    %jit3A_807 = arith.constant 1.000000e+00 : f32
    %broadcast_in_dim3A_808 = vector.broadcast %jit3A_806 : f32 to vector<16xf32>
    %broadcast_in_dim3A_809 = vector.broadcast %jit3A_807 : f32 to vector<16xf32>
    %select_n3A_810 = arith.select %eq3A_805, %broadcast_in_dim3A_808, %broadcast_in_dim3A_809 : vector<16xi1>, vector<16xf32>
    %broadcast_in_dim3A_811 = arith.constant 4 : i32
    %broadcast_in_dim3A_812 = vector.broadcast %broadcast_in_dim3A_811 : i32 to vector<16xi32>
    tpu.vector_store_idx %arg7[%add3A_760, %broadcast_in_dim3A_812], %select_n3A_810 : memref<128x128xf32, #tpu.memory_space<vmem>>[vector<16xi32>, vector<16xi32>], vector<16xf32>,
    %add3A_813 = arith.constant 96 : i32
    %add3A_814 = vector.broadcast %add3A_813 : i32 to vector<16xi32>
    %add3A_815 = arith.addi %add3A_814, %iota3A : vector<16xi32>
    %broadcast_in_dim3A_816 = arith.constant 122 : i32
    %broadcast_in_dim3A_817 = vector.broadcast %broadcast_in_dim3A_816 : i32 to vector<16xi32>
    %gather3A_818 = tpu.vector_load_idx %arg5[%add3A_815, %broadcast_in_dim3A_817] : memref<128x128xf32, #tpu.memory_space<vmem>>[vector<16xi32>, vector<16xi32>], vector<16xf32>,
    %eq3A_819 = arith.constant 1.000000e+00 : f32
    %eq3A_820 = vector.broadcast %eq3A_819 : f32 to vector<16xf32>
    %eq3A_821 = arith.cmpf oeq, %gather3A_818, %eq3A_820 : vector<16xf32>
    %jit3A_822 = arith.constant -1.000000e+09 : f32
    %jit3A_823 = arith.constant 1.000000e+00 : f32
    %broadcast_in_dim3A_824 = vector.broadcast %jit3A_822 : f32 to vector<16xf32>
    %broadcast_in_dim3A_825 = vector.broadcast %jit3A_823 : f32 to vector<16xf32>
    %select_n3A_826 = arith.select %eq3A_821, %broadcast_in_dim3A_824, %broadcast_in_dim3A_825 : vector<16xi1>, vector<16xf32>
    %broadcast_in_dim3A_827 = arith.constant 1 : i32
    %broadcast_in_dim3A_828 = vector.broadcast %broadcast_in_dim3A_827 : i32 to vector<16xi32>
    tpu.vector_store_idx %arg7[%add3A_815, %broadcast_in_dim3A_828], %select_n3A_826 : memref<128x128xf32, #tpu.memory_space<vmem>>[vector<16xi32>, vector<16xi32>], vector<16xf32>,
    %broadcast_in_dim3A_829 = arith.constant 118 : i32
    %broadcast_in_dim3A_830 = vector.broadcast %broadcast_in_dim3A_829 : i32 to vector<16xi32>
    %gather3A_831 = tpu.vector_load_idx %arg5[%add3A_815, %broadcast_in_dim3A_830] : memref<128x128xf32, #tpu.memory_space<vmem>>[vector<16xi32>, vector<16xi32>], vector<16xf32>,
    %eq3A_832 = arith.constant 1.000000e+00 : f32
    %eq3A_833 = vector.broadcast %eq3A_832 : f32 to vector<16xf32>
    %eq3A_834 = arith.cmpf oeq, %gather3A_831, %eq3A_833 : vector<16xf32>
    %jit3A_835 = arith.constant -1.000000e+09 : f32
    %jit3A_836 = arith.constant 1.000000e+00 : f32
    %broadcast_in_dim3A_837 = vector.broadcast %jit3A_835 : f32 to vector<16xf32>
    %broadcast_in_dim3A_838 = vector.broadcast %jit3A_836 : f32 to vector<16xf32>
    %select_n3A_839 = arith.select %eq3A_834, %broadcast_in_dim3A_837, %broadcast_in_dim3A_838 : vector<16xi1>, vector<16xf32>
    %broadcast_in_dim3A_840 = arith.constant 2 : i32
    %broadcast_in_dim3A_841 = vector.broadcast %broadcast_in_dim3A_840 : i32 to vector<16xi32>
    tpu.vector_store_idx %arg7[%add3A_815, %broadcast_in_dim3A_841], %select_n3A_839 : memref<128x128xf32, #tpu.memory_space<vmem>>[vector<16xi32>, vector<16xi32>], vector<16xf32>,
    %broadcast_in_dim3A_842 = arith.constant 123 : i32
    %broadcast_in_dim3A_843 = vector.broadcast %broadcast_in_dim3A_842 : i32 to vector<16xi32>
    %gather3A_844 = tpu.vector_load_idx %arg5[%add3A_815, %broadcast_in_dim3A_843] : memref<128x128xf32, #tpu.memory_space<vmem>>[vector<16xi32>, vector<16xi32>], vector<16xf32>,
    %eq3A_845 = arith.constant 1.000000e+00 : f32
    %eq3A_846 = vector.broadcast %eq3A_845 : f32 to vector<16xf32>
    %eq3A_847 = arith.cmpf oeq, %gather3A_844, %eq3A_846 : vector<16xf32>
    %jit3A_848 = arith.constant -1.000000e+09 : f32
    %jit3A_849 = arith.constant 1.000000e+00 : f32
    %broadcast_in_dim3A_850 = vector.broadcast %jit3A_848 : f32 to vector<16xf32>
    %broadcast_in_dim3A_851 = vector.broadcast %jit3A_849 : f32 to vector<16xf32>
    %select_n3A_852 = arith.select %eq3A_847, %broadcast_in_dim3A_850, %broadcast_in_dim3A_851 : vector<16xi1>, vector<16xf32>
    %broadcast_in_dim3A_853 = arith.constant 3 : i32
    %broadcast_in_dim3A_854 = vector.broadcast %broadcast_in_dim3A_853 : i32 to vector<16xi32>
    tpu.vector_store_idx %arg7[%add3A_815, %broadcast_in_dim3A_854], %select_n3A_852 : memref<128x128xf32, #tpu.memory_space<vmem>>[vector<16xi32>, vector<16xi32>], vector<16xf32>,
    %broadcast_in_dim3A_855 = arith.constant 127 : i32
    %broadcast_in_dim3A_856 = vector.broadcast %broadcast_in_dim3A_855 : i32 to vector<16xi32>
    %gather3A_857 = tpu.vector_load_idx %arg5[%add3A_815, %broadcast_in_dim3A_856] : memref<128x128xf32, #tpu.memory_space<vmem>>[vector<16xi32>, vector<16xi32>], vector<16xf32>,
    %eq3A_858 = arith.constant 1.000000e+00 : f32
    %eq3A_859 = vector.broadcast %eq3A_858 : f32 to vector<16xf32>
    %eq3A_860 = arith.cmpf oeq, %gather3A_857, %eq3A_859 : vector<16xf32>
    %jit3A_861 = arith.constant -1.000000e+09 : f32
    %jit3A_862 = arith.constant 1.000000e+00 : f32
    %broadcast_in_dim3A_863 = vector.broadcast %jit3A_861 : f32 to vector<16xf32>
    %broadcast_in_dim3A_864 = vector.broadcast %jit3A_862 : f32 to vector<16xf32>
    %select_n3A_865 = arith.select %eq3A_860, %broadcast_in_dim3A_863, %broadcast_in_dim3A_864 : vector<16xi1>, vector<16xf32>
    %broadcast_in_dim3A_866 = arith.constant 4 : i32
    %broadcast_in_dim3A_867 = vector.broadcast %broadcast_in_dim3A_866 : i32 to vector<16xi32>
    tpu.vector_store_idx %arg7[%add3A_815, %broadcast_in_dim3A_867], %select_n3A_865 : memref<128x128xf32, #tpu.memory_space<vmem>>[vector<16xi32>, vector<16xi32>], vector<16xf32>,
    %add3A_868 = arith.constant 112 : i32
    %add3A_869 = vector.broadcast %add3A_868 : i32 to vector<16xi32>
    %add3A_870 = arith.addi %add3A_869, %iota3A : vector<16xi32>
    %broadcast_in_dim3A_871 = arith.constant 122 : i32
    %broadcast_in_dim3A_872 = vector.broadcast %broadcast_in_dim3A_871 : i32 to vector<16xi32>
    %gather3A_873 = tpu.vector_load_idx %arg5[%add3A_870, %broadcast_in_dim3A_872] : memref<128x128xf32, #tpu.memory_space<vmem>>[vector<16xi32>, vector<16xi32>], vector<16xf32>,
    %eq3A_874 = arith.constant 1.000000e+00 : f32
    %eq3A_875 = vector.broadcast %eq3A_874 : f32 to vector<16xf32>
    %eq3A_876 = arith.cmpf oeq, %gather3A_873, %eq3A_875 : vector<16xf32>
    %jit3A_877 = arith.constant -1.000000e+09 : f32
    %jit3A_878 = arith.constant 1.000000e+00 : f32
    %broadcast_in_dim3A_879 = vector.broadcast %jit3A_877 : f32 to vector<16xf32>
    %broadcast_in_dim3A_880 = vector.broadcast %jit3A_878 : f32 to vector<16xf32>
    %select_n3A_881 = arith.select %eq3A_876, %broadcast_in_dim3A_879, %broadcast_in_dim3A_880 : vector<16xi1>, vector<16xf32>
    %broadcast_in_dim3A_882 = arith.constant 1 : i32
    %broadcast_in_dim3A_883 = vector.broadcast %broadcast_in_dim3A_882 : i32 to vector<16xi32>
    tpu.vector_store_idx %arg7[%add3A_870, %broadcast_in_dim3A_883], %select_n3A_881 : memref<128x128xf32, #tpu.memory_space<vmem>>[vector<16xi32>, vector<16xi32>], vector<16xf32>,
    %broadcast_in_dim3A_884 = arith.constant 118 : i32
    %broadcast_in_dim3A_885 = vector.broadcast %broadcast_in_dim3A_884 : i32 to vector<16xi32>
    %gather3A_886 = tpu.vector_load_idx %arg5[%add3A_870, %broadcast_in_dim3A_885] : memref<128x128xf32, #tpu.memory_space<vmem>>[vector<16xi32>, vector<16xi32>], vector<16xf32>,
    %eq3A_887 = arith.constant 1.000000e+00 : f32
    %eq3A_888 = vector.broadcast %eq3A_887 : f32 to vector<16xf32>
    %eq3A_889 = arith.cmpf oeq, %gather3A_886, %eq3A_888 : vector<16xf32>
    %jit3A_890 = arith.constant -1.000000e+09 : f32
    %jit3A_891 = arith.constant 1.000000e+00 : f32
    %broadcast_in_dim3A_892 = vector.broadcast %jit3A_890 : f32 to vector<16xf32>
    %broadcast_in_dim3A_893 = vector.broadcast %jit3A_891 : f32 to vector<16xf32>
    %select_n3A_894 = arith.select %eq3A_889, %broadcast_in_dim3A_892, %broadcast_in_dim3A_893 : vector<16xi1>, vector<16xf32>
    %broadcast_in_dim3A_895 = arith.constant 2 : i32
    %broadcast_in_dim3A_896 = vector.broadcast %broadcast_in_dim3A_895 : i32 to vector<16xi32>
    tpu.vector_store_idx %arg7[%add3A_870, %broadcast_in_dim3A_896], %select_n3A_894 : memref<128x128xf32, #tpu.memory_space<vmem>>[vector<16xi32>, vector<16xi32>], vector<16xf32>,
    %broadcast_in_dim3A_897 = arith.constant 123 : i32
    %broadcast_in_dim3A_898 = vector.broadcast %broadcast_in_dim3A_897 : i32 to vector<16xi32>
    %gather3A_899 = tpu.vector_load_idx %arg5[%add3A_870, %broadcast_in_dim3A_898] : memref<128x128xf32, #tpu.memory_space<vmem>>[vector<16xi32>, vector<16xi32>], vector<16xf32>,
    %eq3A_900 = arith.constant 1.000000e+00 : f32
    %eq3A_901 = vector.broadcast %eq3A_900 : f32 to vector<16xf32>
    %eq3A_902 = arith.cmpf oeq, %gather3A_899, %eq3A_901 : vector<16xf32>
    %jit3A_903 = arith.constant -1.000000e+09 : f32
    %jit3A_904 = arith.constant 1.000000e+00 : f32
    %broadcast_in_dim3A_905 = vector.broadcast %jit3A_903 : f32 to vector<16xf32>
    %broadcast_in_dim3A_906 = vector.broadcast %jit3A_904 : f32 to vector<16xf32>
    %select_n3A_907 = arith.select %eq3A_902, %broadcast_in_dim3A_905, %broadcast_in_dim3A_906 : vector<16xi1>, vector<16xf32>
    %broadcast_in_dim3A_908 = arith.constant 3 : i32
    %broadcast_in_dim3A_909 = vector.broadcast %broadcast_in_dim3A_908 : i32 to vector<16xi32>
    tpu.vector_store_idx %arg7[%add3A_870, %broadcast_in_dim3A_909], %select_n3A_907 : memref<128x128xf32, #tpu.memory_space<vmem>>[vector<16xi32>, vector<16xi32>], vector<16xf32>,
    %broadcast_in_dim3A_910 = arith.constant 127 : i32
    %broadcast_in_dim3A_911 = vector.broadcast %broadcast_in_dim3A_910 : i32 to vector<16xi32>
    %gather3A_912 = tpu.vector_load_idx %arg5[%add3A_870, %broadcast_in_dim3A_911] : memref<128x128xf32, #tpu.memory_space<vmem>>[vector<16xi32>, vector<16xi32>], vector<16xf32>,
    %eq3A_913 = arith.constant 1.000000e+00 : f32
    %eq3A_914 = vector.broadcast %eq3A_913 : f32 to vector<16xf32>
    %eq3A_915 = arith.cmpf oeq, %gather3A_912, %eq3A_914 : vector<16xf32>
    %jit3A_916 = arith.constant -1.000000e+09 : f32
    %jit3A_917 = arith.constant 1.000000e+00 : f32
    %broadcast_in_dim3A_918 = vector.broadcast %jit3A_916 : f32 to vector<16xf32>
    %broadcast_in_dim3A_919 = vector.broadcast %jit3A_917 : f32 to vector<16xf32>
    %select_n3A_920 = arith.select %eq3A_915, %broadcast_in_dim3A_918, %broadcast_in_dim3A_919 : vector<16xi1>, vector<16xf32>
    %broadcast_in_dim3A_921 = arith.constant 4 : i32
    %broadcast_in_dim3A_922 = vector.broadcast %broadcast_in_dim3A_921 : i32 to vector<16xi32>
    tpu.vector_store_idx %arg7[%add3A_870, %broadcast_in_dim3A_922], %select_n3A_920 : memref<128x128xf32, #tpu.memory_space<vmem>>[vector<16xi32>, vector<16xi32>], vector<16xf32>,
    %dma_start3A_923 = arith.constant 0 : i32
    %dma_start3A_924 = tpu.memref_slice %arg3[%add3A_14, %dma_start3A_923] : memref<16384x128xf32, #tpu.memory_space<hbm>> -> memref<128x128xf32, #tpu.memory_space<hbm>>
    %dma_start3A_925 = arith.constant 0 : i32
    %dma_start3A_926 = tpu.memref_slice %arg3[%add3A_14, %dma_start3A_925] : memref<16384x128xf32, #tpu.memory_space<hbm>> -> memref<128x128xf32, #tpu.memory_space<hbm>>
    tpu.enqueue_dma source(%arg7 : memref<128x128xf32, #tpu.memory_space<vmem>>) target(%dma_start3A_926 : memref<128x128xf32, #tpu.memory_space<hbm>>) target_semaphore(%arg11 : memref<!tpu.dma_semaphore, #tpu.memory_space<semaphore_mem>>)
    %dma_start3A_927 = arith.constant 128 : i32
    %dma_start3A_928 = tpu.memref_slice %arg2[%add3A_10, %dma_start3A_927] : memref<16384x256xf32, #tpu.memory_space<hbm>> -> memref<128x128xf32, #tpu.memory_space<hbm>>
    %dma_start3A_929 = arith.constant 128 : i32
    %dma_start3A_930 = tpu.memref_slice %arg2[%add3A_10, %dma_start3A_929] : memref<16384x256xf32, #tpu.memory_space<hbm>> -> memref<128x128xf32, #tpu.memory_space<hbm>>
    tpu.enqueue_dma source(%dma_start3A_930 : memref<128x128xf32, #tpu.memory_space<hbm>>) target(%arg5 : memref<128x128xf32, #tpu.memory_space<vmem>>) target_semaphore(%arg9 : memref<!tpu.dma_semaphore, #tpu.memory_space<semaphore_mem>>)
    %dma_wait3A_931 = arith.constant 0 : i32
    %dma_wait3A_932 = tpu.memref_slice %arg3[%add3A_12, %dma_wait3A_931] : memref<16384x128xf32, #tpu.memory_space<hbm>> -> memref<128x128xf32, #tpu.memory_space<hbm>>
    %dma_wait3A_933 = arith.constant 0 : i32
    %dma_wait3A_934 = tpu.memref_slice %arg3[%add3A_12, %dma_wait3A_933] : memref<16384x128xf32, #tpu.memory_space<hbm>> -> memref<128x128xf32, #tpu.memory_space<hbm>>
    tpu.wait_dma2 semaphore(%arg10 : memref<!tpu.dma_semaphore, #tpu.memory_space<semaphore_mem>>) src(%arg6 : memref<128x128xf32, #tpu.memory_space<vmem>>) dst(%dma_wait3A_934 : memref<128x128xf32, #tpu.memory_space<hbm>>)
    %dma_wait3A_935 = arith.constant 128 : i32
    %dma_wait3A_936 = tpu.memref_slice %arg2[%add3A_8, %dma_wait3A_935] : memref<16384x256xf32, #tpu.memory_space<hbm>> -> memref<128x128xf32, #tpu.memory_space<hbm>>
    %dma_wait3A_937 = arith.constant 128 : i32
    %dma_wait3A_938 = tpu.memref_slice %arg2[%add3A_8, %dma_wait3A_937] : memref<16384x256xf32, #tpu.memory_space<hbm>> -> memref<128x128xf32, #tpu.memory_space<hbm>>
    tpu.wait_dma2 semaphore(%arg8 : memref<!tpu.dma_semaphore, #tpu.memory_space<semaphore_mem>>) src(%dma_wait3A_938 : memref<128x128xf32, #tpu.memory_space<hbm>>) dst(%arg4 : memref<128x128xf32, #tpu.memory_space<vmem>>)
    %add3A_939 = arith.constant 0 : i32
    %add3A_940 = vector.broadcast %add3A_939 : i32 to vector<16xi32>
    %add3A_941 = arith.addi %add3A_940, %iota3A : vector<16xi32>
    %broadcast_in_dim3A_942 = arith.constant 122 : i32
    %broadcast_in_dim3A_943 = vector.broadcast %broadcast_in_dim3A_942 : i32 to vector<16xi32>
    %gather3A_944 = tpu.vector_load_idx %arg4[%add3A_941, %broadcast_in_dim3A_943] : memref<128x128xf32, #tpu.memory_space<vmem>>[vector<16xi32>, vector<16xi32>], vector<16xf32>,
    %eq3A_945 = arith.constant 1.000000e+00 : f32
    %eq3A_946 = vector.broadcast %eq3A_945 : f32 to vector<16xf32>
    %eq3A_947 = arith.cmpf oeq, %gather3A_944, %eq3A_946 : vector<16xf32>
    %jit3A_948 = arith.constant -1.000000e+09 : f32
    %jit3A_949 = arith.constant 1.000000e+00 : f32
    %broadcast_in_dim3A_950 = vector.broadcast %jit3A_948 : f32 to vector<16xf32>
    %broadcast_in_dim3A_951 = vector.broadcast %jit3A_949 : f32 to vector<16xf32>
    %select_n3A_952 = arith.select %eq3A_947, %broadcast_in_dim3A_950, %broadcast_in_dim3A_951 : vector<16xi1>, vector<16xf32>
    %broadcast_in_dim3A_953 = arith.constant 1 : i32
    %broadcast_in_dim3A_954 = vector.broadcast %broadcast_in_dim3A_953 : i32 to vector<16xi32>
    tpu.vector_store_idx %arg6[%add3A_941, %broadcast_in_dim3A_954], %select_n3A_952 : memref<128x128xf32, #tpu.memory_space<vmem>>[vector<16xi32>, vector<16xi32>], vector<16xf32>,
    %broadcast_in_dim3A_955 = arith.constant 118 : i32
    %broadcast_in_dim3A_956 = vector.broadcast %broadcast_in_dim3A_955 : i32 to vector<16xi32>
    %gather3A_957 = tpu.vector_load_idx %arg4[%add3A_941, %broadcast_in_dim3A_956] : memref<128x128xf32, #tpu.memory_space<vmem>>[vector<16xi32>, vector<16xi32>], vector<16xf32>,
    %eq3A_958 = arith.constant 1.000000e+00 : f32
    %eq3A_959 = vector.broadcast %eq3A_958 : f32 to vector<16xf32>
    %eq3A_960 = arith.cmpf oeq, %gather3A_957, %eq3A_959 : vector<16xf32>
    %jit3A_961 = arith.constant -1.000000e+09 : f32
    %jit3A_962 = arith.constant 1.000000e+00 : f32
    %broadcast_in_dim3A_963 = vector.broadcast %jit3A_961 : f32 to vector<16xf32>
    %broadcast_in_dim3A_964 = vector.broadcast %jit3A_962 : f32 to vector<16xf32>
    %select_n3A_965 = arith.select %eq3A_960, %broadcast_in_dim3A_963, %broadcast_in_dim3A_964 : vector<16xi1>, vector<16xf32>
    %broadcast_in_dim3A_966 = arith.constant 2 : i32
    %broadcast_in_dim3A_967 = vector.broadcast %broadcast_in_dim3A_966 : i32 to vector<16xi32>
    tpu.vector_store_idx %arg6[%add3A_941, %broadcast_in_dim3A_967], %select_n3A_965 : memref<128x128xf32, #tpu.memory_space<vmem>>[vector<16xi32>, vector<16xi32>], vector<16xf32>,
    %broadcast_in_dim3A_968 = arith.constant 123 : i32
    %broadcast_in_dim3A_969 = vector.broadcast %broadcast_in_dim3A_968 : i32 to vector<16xi32>
    %gather3A_970 = tpu.vector_load_idx %arg4[%add3A_941, %broadcast_in_dim3A_969] : memref<128x128xf32, #tpu.memory_space<vmem>>[vector<16xi32>, vector<16xi32>], vector<16xf32>,
    %eq3A_971 = arith.constant 1.000000e+00 : f32
    %eq3A_972 = vector.broadcast %eq3A_971 : f32 to vector<16xf32>
    %eq3A_973 = arith.cmpf oeq, %gather3A_970, %eq3A_972 : vector<16xf32>
    %jit3A_974 = arith.constant -1.000000e+09 : f32
    %jit3A_975 = arith.constant 1.000000e+00 : f32
    %broadcast_in_dim3A_976 = vector.broadcast %jit3A_974 : f32 to vector<16xf32>
    %broadcast_in_dim3A_977 = vector.broadcast %jit3A_975 : f32 to vector<16xf32>
    %select_n3A_978 = arith.select %eq3A_973, %broadcast_in_dim3A_976, %broadcast_in_dim3A_977 : vector<16xi1>, vector<16xf32>
    %broadcast_in_dim3A_979 = arith.constant 3 : i32
    %broadcast_in_dim3A_980 = vector.broadcast %broadcast_in_dim3A_979 : i32 to vector<16xi32>
    tpu.vector_store_idx %arg6[%add3A_941, %broadcast_in_dim3A_980], %select_n3A_978 : memref<128x128xf32, #tpu.memory_space<vmem>>[vector<16xi32>, vector<16xi32>], vector<16xf32>,
    %broadcast_in_dim3A_981 = arith.constant 127 : i32
    %broadcast_in_dim3A_982 = vector.broadcast %broadcast_in_dim3A_981 : i32 to vector<16xi32>
    %gather3A_983 = tpu.vector_load_idx %arg4[%add3A_941, %broadcast_in_dim3A_982] : memref<128x128xf32, #tpu.memory_space<vmem>>[vector<16xi32>, vector<16xi32>], vector<16xf32>,
    %eq3A_984 = arith.constant 1.000000e+00 : f32
    %eq3A_985 = vector.broadcast %eq3A_984 : f32 to vector<16xf32>
    %eq3A_986 = arith.cmpf oeq, %gather3A_983, %eq3A_985 : vector<16xf32>
    %jit3A_987 = arith.constant -1.000000e+09 : f32
    %jit3A_988 = arith.constant 1.000000e+00 : f32
    %broadcast_in_dim3A_989 = vector.broadcast %jit3A_987 : f32 to vector<16xf32>
    %broadcast_in_dim3A_990 = vector.broadcast %jit3A_988 : f32 to vector<16xf32>
    %select_n3A_991 = arith.select %eq3A_986, %broadcast_in_dim3A_989, %broadcast_in_dim3A_990 : vector<16xi1>, vector<16xf32>
    %broadcast_in_dim3A_992 = arith.constant 4 : i32
    %broadcast_in_dim3A_993 = vector.broadcast %broadcast_in_dim3A_992 : i32 to vector<16xi32>
    tpu.vector_store_idx %arg6[%add3A_941, %broadcast_in_dim3A_993], %select_n3A_991 : memref<128x128xf32, #tpu.memory_space<vmem>>[vector<16xi32>, vector<16xi32>], vector<16xf32>,
    %add3A_994 = arith.constant 16 : i32
    %add3A_995 = vector.broadcast %add3A_994 : i32 to vector<16xi32>
    %add3A_996 = arith.addi %add3A_995, %iota3A : vector<16xi32>
    %broadcast_in_dim3A_997 = arith.constant 122 : i32
    %broadcast_in_dim3A_998 = vector.broadcast %broadcast_in_dim3A_997 : i32 to vector<16xi32>
    %gather3A_999 = tpu.vector_load_idx %arg4[%add3A_996, %broadcast_in_dim3A_998] : memref<128x128xf32, #tpu.memory_space<vmem>>[vector<16xi32>, vector<16xi32>], vector<16xf32>,
    %eq3A_1000 = arith.constant 1.000000e+00 : f32
    %eq3A_1001 = vector.broadcast %eq3A_1000 : f32 to vector<16xf32>
    %eq3A_1002 = arith.cmpf oeq, %gather3A_999, %eq3A_1001 : vector<16xf32>
    %jit3A_1003 = arith.constant -1.000000e+09 : f32
    %jit3A_1004 = arith.constant 1.000000e+00 : f32
    %broadcast_in_dim3A_1005 = vector.broadcast %jit3A_1003 : f32 to vector<16xf32>
    %broadcast_in_dim3A_1006 = vector.broadcast %jit3A_1004 : f32 to vector<16xf32>
    %select_n3A_1007 = arith.select %eq3A_1002, %broadcast_in_dim3A_1005, %broadcast_in_dim3A_1006 : vector<16xi1>, vector<16xf32>
    %broadcast_in_dim3A_1008 = arith.constant 1 : i32
    %broadcast_in_dim3A_1009 = vector.broadcast %broadcast_in_dim3A_1008 : i32 to vector<16xi32>
    tpu.vector_store_idx %arg6[%add3A_996, %broadcast_in_dim3A_1009], %select_n3A_1007 : memref<128x128xf32, #tpu.memory_space<vmem>>[vector<16xi32>, vector<16xi32>], vector<16xf32>,
    %broadcast_in_dim3A_1010 = arith.constant 118 : i32
    %broadcast_in_dim3A_1011 = vector.broadcast %broadcast_in_dim3A_1010 : i32 to vector<16xi32>
    %gather3A_1012 = tpu.vector_load_idx %arg4[%add3A_996, %broadcast_in_dim3A_1011] : memref<128x128xf32, #tpu.memory_space<vmem>>[vector<16xi32>, vector<16xi32>], vector<16xf32>,
    %eq3A_1013 = arith.constant 1.000000e+00 : f32
    %eq3A_1014 = vector.broadcast %eq3A_1013 : f32 to vector<16xf32>
    %eq3A_1015 = arith.cmpf oeq, %gather3A_1012, %eq3A_1014 : vector<16xf32>
    %jit3A_1016 = arith.constant -1.000000e+09 : f32
    %jit3A_1017 = arith.constant 1.000000e+00 : f32
    %broadcast_in_dim3A_1018 = vector.broadcast %jit3A_1016 : f32 to vector<16xf32>
    %broadcast_in_dim3A_1019 = vector.broadcast %jit3A_1017 : f32 to vector<16xf32>
    %select_n3A_1020 = arith.select %eq3A_1015, %broadcast_in_dim3A_1018, %broadcast_in_dim3A_1019 : vector<16xi1>, vector<16xf32>
    %broadcast_in_dim3A_1021 = arith.constant 2 : i32
    %broadcast_in_dim3A_1022 = vector.broadcast %broadcast_in_dim3A_1021 : i32 to vector<16xi32>
    tpu.vector_store_idx %arg6[%add3A_996, %broadcast_in_dim3A_1022], %select_n3A_1020 : memref<128x128xf32, #tpu.memory_space<vmem>>[vector<16xi32>, vector<16xi32>], vector<16xf32>,
    %broadcast_in_dim3A_1023 = arith.constant 123 : i32
    %broadcast_in_dim3A_1024 = vector.broadcast %broadcast_in_dim3A_1023 : i32 to vector<16xi32>
    %gather3A_1025 = tpu.vector_load_idx %arg4[%add3A_996, %broadcast_in_dim3A_1024] : memref<128x128xf32, #tpu.memory_space<vmem>>[vector<16xi32>, vector<16xi32>], vector<16xf32>,
    %eq3A_1026 = arith.constant 1.000000e+00 : f32
    %eq3A_1027 = vector.broadcast %eq3A_1026 : f32 to vector<16xf32>
    %eq3A_1028 = arith.cmpf oeq, %gather3A_1025, %eq3A_1027 : vector<16xf32>
    %jit3A_1029 = arith.constant -1.000000e+09 : f32
    %jit3A_1030 = arith.constant 1.000000e+00 : f32
    %broadcast_in_dim3A_1031 = vector.broadcast %jit3A_1029 : f32 to vector<16xf32>
    %broadcast_in_dim3A_1032 = vector.broadcast %jit3A_1030 : f32 to vector<16xf32>
    %select_n3A_1033 = arith.select %eq3A_1028, %broadcast_in_dim3A_1031, %broadcast_in_dim3A_1032 : vector<16xi1>, vector<16xf32>
    %broadcast_in_dim3A_1034 = arith.constant 3 : i32
    %broadcast_in_dim3A_1035 = vector.broadcast %broadcast_in_dim3A_1034 : i32 to vector<16xi32>
    tpu.vector_store_idx %arg6[%add3A_996, %broadcast_in_dim3A_1035], %select_n3A_1033 : memref<128x128xf32, #tpu.memory_space<vmem>>[vector<16xi32>, vector<16xi32>], vector<16xf32>,
    %broadcast_in_dim3A_1036 = arith.constant 127 : i32
    %broadcast_in_dim3A_1037 = vector.broadcast %broadcast_in_dim3A_1036 : i32 to vector<16xi32>
    %gather3A_1038 = tpu.vector_load_idx %arg4[%add3A_996, %broadcast_in_dim3A_1037] : memref<128x128xf32, #tpu.memory_space<vmem>>[vector<16xi32>, vector<16xi32>], vector<16xf32>,
    %eq3A_1039 = arith.constant 1.000000e+00 : f32
    %eq3A_1040 = vector.broadcast %eq3A_1039 : f32 to vector<16xf32>
    %eq3A_1041 = arith.cmpf oeq, %gather3A_1038, %eq3A_1040 : vector<16xf32>
    %jit3A_1042 = arith.constant -1.000000e+09 : f32
    %jit3A_1043 = arith.constant 1.000000e+00 : f32
    %broadcast_in_dim3A_1044 = vector.broadcast %jit3A_1042 : f32 to vector<16xf32>
    %broadcast_in_dim3A_1045 = vector.broadcast %jit3A_1043 : f32 to vector<16xf32>
    %select_n3A_1046 = arith.select %eq3A_1041, %broadcast_in_dim3A_1044, %broadcast_in_dim3A_1045 : vector<16xi1>, vector<16xf32>
    %broadcast_in_dim3A_1047 = arith.constant 4 : i32
    %broadcast_in_dim3A_1048 = vector.broadcast %broadcast_in_dim3A_1047 : i32 to vector<16xi32>
    tpu.vector_store_idx %arg6[%add3A_996, %broadcast_in_dim3A_1048], %select_n3A_1046 : memref<128x128xf32, #tpu.memory_space<vmem>>[vector<16xi32>, vector<16xi32>], vector<16xf32>,
    %add3A_1049 = arith.constant 32 : i32
    %add3A_1050 = vector.broadcast %add3A_1049 : i32 to vector<16xi32>
    %add3A_1051 = arith.addi %add3A_1050, %iota3A : vector<16xi32>
    %broadcast_in_dim3A_1052 = arith.constant 122 : i32
    %broadcast_in_dim3A_1053 = vector.broadcast %broadcast_in_dim3A_1052 : i32 to vector<16xi32>
    %gather3A_1054 = tpu.vector_load_idx %arg4[%add3A_1051, %broadcast_in_dim3A_1053] : memref<128x128xf32, #tpu.memory_space<vmem>>[vector<16xi32>, vector<16xi32>], vector<16xf32>,
    %eq3A_1055 = arith.constant 1.000000e+00 : f32
    %eq3A_1056 = vector.broadcast %eq3A_1055 : f32 to vector<16xf32>
    %eq3A_1057 = arith.cmpf oeq, %gather3A_1054, %eq3A_1056 : vector<16xf32>
    %jit3A_1058 = arith.constant -1.000000e+09 : f32
    %jit3A_1059 = arith.constant 1.000000e+00 : f32
    %broadcast_in_dim3A_1060 = vector.broadcast %jit3A_1058 : f32 to vector<16xf32>
    %broadcast_in_dim3A_1061 = vector.broadcast %jit3A_1059 : f32 to vector<16xf32>
    %select_n3A_1062 = arith.select %eq3A_1057, %broadcast_in_dim3A_1060, %broadcast_in_dim3A_1061 : vector<16xi1>, vector<16xf32>
    %broadcast_in_dim3A_1063 = arith.constant 1 : i32
    %broadcast_in_dim3A_1064 = vector.broadcast %broadcast_in_dim3A_1063 : i32 to vector<16xi32>
    tpu.vector_store_idx %arg6[%add3A_1051, %broadcast_in_dim3A_1064], %select_n3A_1062 : memref<128x128xf32, #tpu.memory_space<vmem>>[vector<16xi32>, vector<16xi32>], vector<16xf32>,
    %broadcast_in_dim3A_1065 = arith.constant 118 : i32
    %broadcast_in_dim3A_1066 = vector.broadcast %broadcast_in_dim3A_1065 : i32 to vector<16xi32>
    %gather3A_1067 = tpu.vector_load_idx %arg4[%add3A_1051, %broadcast_in_dim3A_1066] : memref<128x128xf32, #tpu.memory_space<vmem>>[vector<16xi32>, vector<16xi32>], vector<16xf32>,
    %eq3A_1068 = arith.constant 1.000000e+00 : f32
    %eq3A_1069 = vector.broadcast %eq3A_1068 : f32 to vector<16xf32>
    %eq3A_1070 = arith.cmpf oeq, %gather3A_1067, %eq3A_1069 : vector<16xf32>
    %jit3A_1071 = arith.constant -1.000000e+09 : f32
    %jit3A_1072 = arith.constant 1.000000e+00 : f32
    %broadcast_in_dim3A_1073 = vector.broadcast %jit3A_1071 : f32 to vector<16xf32>
    %broadcast_in_dim3A_1074 = vector.broadcast %jit3A_1072 : f32 to vector<16xf32>
    %select_n3A_1075 = arith.select %eq3A_1070, %broadcast_in_dim3A_1073, %broadcast_in_dim3A_1074 : vector<16xi1>, vector<16xf32>
    %broadcast_in_dim3A_1076 = arith.constant 2 : i32
    %broadcast_in_dim3A_1077 = vector.broadcast %broadcast_in_dim3A_1076 : i32 to vector<16xi32>
    tpu.vector_store_idx %arg6[%add3A_1051, %broadcast_in_dim3A_1077], %select_n3A_1075 : memref<128x128xf32, #tpu.memory_space<vmem>>[vector<16xi32>, vector<16xi32>], vector<16xf32>,
    %broadcast_in_dim3A_1078 = arith.constant 123 : i32
    %broadcast_in_dim3A_1079 = vector.broadcast %broadcast_in_dim3A_1078 : i32 to vector<16xi32>
    %gather3A_1080 = tpu.vector_load_idx %arg4[%add3A_1051, %broadcast_in_dim3A_1079] : memref<128x128xf32, #tpu.memory_space<vmem>>[vector<16xi32>, vector<16xi32>], vector<16xf32>,
    %eq3A_1081 = arith.constant 1.000000e+00 : f32
    %eq3A_1082 = vector.broadcast %eq3A_1081 : f32 to vector<16xf32>
    %eq3A_1083 = arith.cmpf oeq, %gather3A_1080, %eq3A_1082 : vector<16xf32>
    %jit3A_1084 = arith.constant -1.000000e+09 : f32
    %jit3A_1085 = arith.constant 1.000000e+00 : f32
    %broadcast_in_dim3A_1086 = vector.broadcast %jit3A_1084 : f32 to vector<16xf32>
    %broadcast_in_dim3A_1087 = vector.broadcast %jit3A_1085 : f32 to vector<16xf32>
    %select_n3A_1088 = arith.select %eq3A_1083, %broadcast_in_dim3A_1086, %broadcast_in_dim3A_1087 : vector<16xi1>, vector<16xf32>
    %broadcast_in_dim3A_1089 = arith.constant 3 : i32
    %broadcast_in_dim3A_1090 = vector.broadcast %broadcast_in_dim3A_1089 : i32 to vector<16xi32>
    tpu.vector_store_idx %arg6[%add3A_1051, %broadcast_in_dim3A_1090], %select_n3A_1088 : memref<128x128xf32, #tpu.memory_space<vmem>>[vector<16xi32>, vector<16xi32>], vector<16xf32>,
    %broadcast_in_dim3A_1091 = arith.constant 127 : i32
    %broadcast_in_dim3A_1092 = vector.broadcast %broadcast_in_dim3A_1091 : i32 to vector<16xi32>
    %gather3A_1093 = tpu.vector_load_idx %arg4[%add3A_1051, %broadcast_in_dim3A_1092] : memref<128x128xf32, #tpu.memory_space<vmem>>[vector<16xi32>, vector<16xi32>], vector<16xf32>,
    %eq3A_1094 = arith.constant 1.000000e+00 : f32
    %eq3A_1095 = vector.broadcast %eq3A_1094 : f32 to vector<16xf32>
    %eq3A_1096 = arith.cmpf oeq, %gather3A_1093, %eq3A_1095 : vector<16xf32>
    %jit3A_1097 = arith.constant -1.000000e+09 : f32
    %jit3A_1098 = arith.constant 1.000000e+00 : f32
    %broadcast_in_dim3A_1099 = vector.broadcast %jit3A_1097 : f32 to vector<16xf32>
    %broadcast_in_dim3A_1100 = vector.broadcast %jit3A_1098 : f32 to vector<16xf32>
    %select_n3A_1101 = arith.select %eq3A_1096, %broadcast_in_dim3A_1099, %broadcast_in_dim3A_1100 : vector<16xi1>, vector<16xf32>
    %broadcast_in_dim3A_1102 = arith.constant 4 : i32
    %broadcast_in_dim3A_1103 = vector.broadcast %broadcast_in_dim3A_1102 : i32 to vector<16xi32>
    tpu.vector_store_idx %arg6[%add3A_1051, %broadcast_in_dim3A_1103], %select_n3A_1101 : memref<128x128xf32, #tpu.memory_space<vmem>>[vector<16xi32>, vector<16xi32>], vector<16xf32>,
    %add3A_1104 = arith.constant 48 : i32
    %add3A_1105 = vector.broadcast %add3A_1104 : i32 to vector<16xi32>
    %add3A_1106 = arith.addi %add3A_1105, %iota3A : vector<16xi32>
    %broadcast_in_dim3A_1107 = arith.constant 122 : i32
    %broadcast_in_dim3A_1108 = vector.broadcast %broadcast_in_dim3A_1107 : i32 to vector<16xi32>
    %gather3A_1109 = tpu.vector_load_idx %arg4[%add3A_1106, %broadcast_in_dim3A_1108] : memref<128x128xf32, #tpu.memory_space<vmem>>[vector<16xi32>, vector<16xi32>], vector<16xf32>,
    %eq3A_1110 = arith.constant 1.000000e+00 : f32
    %eq3A_1111 = vector.broadcast %eq3A_1110 : f32 to vector<16xf32>
    %eq3A_1112 = arith.cmpf oeq, %gather3A_1109, %eq3A_1111 : vector<16xf32>
    %jit3A_1113 = arith.constant -1.000000e+09 : f32
    %jit3A_1114 = arith.constant 1.000000e+00 : f32
    %broadcast_in_dim3A_1115 = vector.broadcast %jit3A_1113 : f32 to vector<16xf32>
    %broadcast_in_dim3A_1116 = vector.broadcast %jit3A_1114 : f32 to vector<16xf32>
    %select_n3A_1117 = arith.select %eq3A_1112, %broadcast_in_dim3A_1115, %broadcast_in_dim3A_1116 : vector<16xi1>, vector<16xf32>
    %broadcast_in_dim3A_1118 = arith.constant 1 : i32
    %broadcast_in_dim3A_1119 = vector.broadcast %broadcast_in_dim3A_1118 : i32 to vector<16xi32>
    tpu.vector_store_idx %arg6[%add3A_1106, %broadcast_in_dim3A_1119], %select_n3A_1117 : memref<128x128xf32, #tpu.memory_space<vmem>>[vector<16xi32>, vector<16xi32>], vector<16xf32>,
    %broadcast_in_dim3A_1120 = arith.constant 118 : i32
    %broadcast_in_dim3A_1121 = vector.broadcast %broadcast_in_dim3A_1120 : i32 to vector<16xi32>
    %gather3A_1122 = tpu.vector_load_idx %arg4[%add3A_1106, %broadcast_in_dim3A_1121] : memref<128x128xf32, #tpu.memory_space<vmem>>[vector<16xi32>, vector<16xi32>], vector<16xf32>,
    %eq3A_1123 = arith.constant 1.000000e+00 : f32
    %eq3A_1124 = vector.broadcast %eq3A_1123 : f32 to vector<16xf32>
    %eq3A_1125 = arith.cmpf oeq, %gather3A_1122, %eq3A_1124 : vector<16xf32>
    %jit3A_1126 = arith.constant -1.000000e+09 : f32
    %jit3A_1127 = arith.constant 1.000000e+00 : f32
    %broadcast_in_dim3A_1128 = vector.broadcast %jit3A_1126 : f32 to vector<16xf32>
    %broadcast_in_dim3A_1129 = vector.broadcast %jit3A_1127 : f32 to vector<16xf32>
    %select_n3A_1130 = arith.select %eq3A_1125, %broadcast_in_dim3A_1128, %broadcast_in_dim3A_1129 : vector<16xi1>, vector<16xf32>
    %broadcast_in_dim3A_1131 = arith.constant 2 : i32
    %broadcast_in_dim3A_1132 = vector.broadcast %broadcast_in_dim3A_1131 : i32 to vector<16xi32>
    tpu.vector_store_idx %arg6[%add3A_1106, %broadcast_in_dim3A_1132], %select_n3A_1130 : memref<128x128xf32, #tpu.memory_space<vmem>>[vector<16xi32>, vector<16xi32>], vector<16xf32>,
    %broadcast_in_dim3A_1133 = arith.constant 123 : i32
    %broadcast_in_dim3A_1134 = vector.broadcast %broadcast_in_dim3A_1133 : i32 to vector<16xi32>
    %gather3A_1135 = tpu.vector_load_idx %arg4[%add3A_1106, %broadcast_in_dim3A_1134] : memref<128x128xf32, #tpu.memory_space<vmem>>[vector<16xi32>, vector<16xi32>], vector<16xf32>,
    %eq3A_1136 = arith.constant 1.000000e+00 : f32
    %eq3A_1137 = vector.broadcast %eq3A_1136 : f32 to vector<16xf32>
    %eq3A_1138 = arith.cmpf oeq, %gather3A_1135, %eq3A_1137 : vector<16xf32>
    %jit3A_1139 = arith.constant -1.000000e+09 : f32
    %jit3A_1140 = arith.constant 1.000000e+00 : f32
    %broadcast_in_dim3A_1141 = vector.broadcast %jit3A_1139 : f32 to vector<16xf32>
    %broadcast_in_dim3A_1142 = vector.broadcast %jit3A_1140 : f32 to vector<16xf32>
    %select_n3A_1143 = arith.select %eq3A_1138, %broadcast_in_dim3A_1141, %broadcast_in_dim3A_1142 : vector<16xi1>, vector<16xf32>
    %broadcast_in_dim3A_1144 = arith.constant 3 : i32
    %broadcast_in_dim3A_1145 = vector.broadcast %broadcast_in_dim3A_1144 : i32 to vector<16xi32>
    tpu.vector_store_idx %arg6[%add3A_1106, %broadcast_in_dim3A_1145], %select_n3A_1143 : memref<128x128xf32, #tpu.memory_space<vmem>>[vector<16xi32>, vector<16xi32>], vector<16xf32>,
    %broadcast_in_dim3A_1146 = arith.constant 127 : i32
    %broadcast_in_dim3A_1147 = vector.broadcast %broadcast_in_dim3A_1146 : i32 to vector<16xi32>
    %gather3A_1148 = tpu.vector_load_idx %arg4[%add3A_1106, %broadcast_in_dim3A_1147] : memref<128x128xf32, #tpu.memory_space<vmem>>[vector<16xi32>, vector<16xi32>], vector<16xf32>,
    %eq3A_1149 = arith.constant 1.000000e+00 : f32
    %eq3A_1150 = vector.broadcast %eq3A_1149 : f32 to vector<16xf32>
    %eq3A_1151 = arith.cmpf oeq, %gather3A_1148, %eq3A_1150 : vector<16xf32>
    %jit3A_1152 = arith.constant -1.000000e+09 : f32
    %jit3A_1153 = arith.constant 1.000000e+00 : f32
    %broadcast_in_dim3A_1154 = vector.broadcast %jit3A_1152 : f32 to vector<16xf32>
    %broadcast_in_dim3A_1155 = vector.broadcast %jit3A_1153 : f32 to vector<16xf32>
    %select_n3A_1156 = arith.select %eq3A_1151, %broadcast_in_dim3A_1154, %broadcast_in_dim3A_1155 : vector<16xi1>, vector<16xf32>
    %broadcast_in_dim3A_1157 = arith.constant 4 : i32
    %broadcast_in_dim3A_1158 = vector.broadcast %broadcast_in_dim3A_1157 : i32 to vector<16xi32>
    tpu.vector_store_idx %arg6[%add3A_1106, %broadcast_in_dim3A_1158], %select_n3A_1156 : memref<128x128xf32, #tpu.memory_space<vmem>>[vector<16xi32>, vector<16xi32>], vector<16xf32>,
    %add3A_1159 = arith.constant 64 : i32
    %add3A_1160 = vector.broadcast %add3A_1159 : i32 to vector<16xi32>
    %add3A_1161 = arith.addi %add3A_1160, %iota3A : vector<16xi32>
    %broadcast_in_dim3A_1162 = arith.constant 122 : i32
    %broadcast_in_dim3A_1163 = vector.broadcast %broadcast_in_dim3A_1162 : i32 to vector<16xi32>
    %gather3A_1164 = tpu.vector_load_idx %arg4[%add3A_1161, %broadcast_in_dim3A_1163] : memref<128x128xf32, #tpu.memory_space<vmem>>[vector<16xi32>, vector<16xi32>], vector<16xf32>,
    %eq3A_1165 = arith.constant 1.000000e+00 : f32
    %eq3A_1166 = vector.broadcast %eq3A_1165 : f32 to vector<16xf32>
    %eq3A_1167 = arith.cmpf oeq, %gather3A_1164, %eq3A_1166 : vector<16xf32>
    %jit3A_1168 = arith.constant -1.000000e+09 : f32
    %jit3A_1169 = arith.constant 1.000000e+00 : f32
    %broadcast_in_dim3A_1170 = vector.broadcast %jit3A_1168 : f32 to vector<16xf32>
    %broadcast_in_dim3A_1171 = vector.broadcast %jit3A_1169 : f32 to vector<16xf32>
    %select_n3A_1172 = arith.select %eq3A_1167, %broadcast_in_dim3A_1170, %broadcast_in_dim3A_1171 : vector<16xi1>, vector<16xf32>
    %broadcast_in_dim3A_1173 = arith.constant 1 : i32
    %broadcast_in_dim3A_1174 = vector.broadcast %broadcast_in_dim3A_1173 : i32 to vector<16xi32>
    tpu.vector_store_idx %arg6[%add3A_1161, %broadcast_in_dim3A_1174], %select_n3A_1172 : memref<128x128xf32, #tpu.memory_space<vmem>>[vector<16xi32>, vector<16xi32>], vector<16xf32>,
    %broadcast_in_dim3A_1175 = arith.constant 118 : i32
    %broadcast_in_dim3A_1176 = vector.broadcast %broadcast_in_dim3A_1175 : i32 to vector<16xi32>
    %gather3A_1177 = tpu.vector_load_idx %arg4[%add3A_1161, %broadcast_in_dim3A_1176] : memref<128x128xf32, #tpu.memory_space<vmem>>[vector<16xi32>, vector<16xi32>], vector<16xf32>,
    %eq3A_1178 = arith.constant 1.000000e+00 : f32
    %eq3A_1179 = vector.broadcast %eq3A_1178 : f32 to vector<16xf32>
    %eq3A_1180 = arith.cmpf oeq, %gather3A_1177, %eq3A_1179 : vector<16xf32>
    %jit3A_1181 = arith.constant -1.000000e+09 : f32
    %jit3A_1182 = arith.constant 1.000000e+00 : f32
    %broadcast_in_dim3A_1183 = vector.broadcast %jit3A_1181 : f32 to vector<16xf32>
    %broadcast_in_dim3A_1184 = vector.broadcast %jit3A_1182 : f32 to vector<16xf32>
    %select_n3A_1185 = arith.select %eq3A_1180, %broadcast_in_dim3A_1183, %broadcast_in_dim3A_1184 : vector<16xi1>, vector<16xf32>
    %broadcast_in_dim3A_1186 = arith.constant 2 : i32
    %broadcast_in_dim3A_1187 = vector.broadcast %broadcast_in_dim3A_1186 : i32 to vector<16xi32>
    tpu.vector_store_idx %arg6[%add3A_1161, %broadcast_in_dim3A_1187], %select_n3A_1185 : memref<128x128xf32, #tpu.memory_space<vmem>>[vector<16xi32>, vector<16xi32>], vector<16xf32>,
    %broadcast_in_dim3A_1188 = arith.constant 123 : i32
    %broadcast_in_dim3A_1189 = vector.broadcast %broadcast_in_dim3A_1188 : i32 to vector<16xi32>
    %gather3A_1190 = tpu.vector_load_idx %arg4[%add3A_1161, %broadcast_in_dim3A_1189] : memref<128x128xf32, #tpu.memory_space<vmem>>[vector<16xi32>, vector<16xi32>], vector<16xf32>,
    %eq3A_1191 = arith.constant 1.000000e+00 : f32
    %eq3A_1192 = vector.broadcast %eq3A_1191 : f32 to vector<16xf32>
    %eq3A_1193 = arith.cmpf oeq, %gather3A_1190, %eq3A_1192 : vector<16xf32>
    %jit3A_1194 = arith.constant -1.000000e+09 : f32
    %jit3A_1195 = arith.constant 1.000000e+00 : f32
    %broadcast_in_dim3A_1196 = vector.broadcast %jit3A_1194 : f32 to vector<16xf32>
    %broadcast_in_dim3A_1197 = vector.broadcast %jit3A_1195 : f32 to vector<16xf32>
    %select_n3A_1198 = arith.select %eq3A_1193, %broadcast_in_dim3A_1196, %broadcast_in_dim3A_1197 : vector<16xi1>, vector<16xf32>
    %broadcast_in_dim3A_1199 = arith.constant 3 : i32
    %broadcast_in_dim3A_1200 = vector.broadcast %broadcast_in_dim3A_1199 : i32 to vector<16xi32>
    tpu.vector_store_idx %arg6[%add3A_1161, %broadcast_in_dim3A_1200], %select_n3A_1198 : memref<128x128xf32, #tpu.memory_space<vmem>>[vector<16xi32>, vector<16xi32>], vector<16xf32>,
    %broadcast_in_dim3A_1201 = arith.constant 127 : i32
    %broadcast_in_dim3A_1202 = vector.broadcast %broadcast_in_dim3A_1201 : i32 to vector<16xi32>
    %gather3A_1203 = tpu.vector_load_idx %arg4[%add3A_1161, %broadcast_in_dim3A_1202] : memref<128x128xf32, #tpu.memory_space<vmem>>[vector<16xi32>, vector<16xi32>], vector<16xf32>,
    %eq3A_1204 = arith.constant 1.000000e+00 : f32
    %eq3A_1205 = vector.broadcast %eq3A_1204 : f32 to vector<16xf32>
    %eq3A_1206 = arith.cmpf oeq, %gather3A_1203, %eq3A_1205 : vector<16xf32>
    %jit3A_1207 = arith.constant -1.000000e+09 : f32
    %jit3A_1208 = arith.constant 1.000000e+00 : f32
    %broadcast_in_dim3A_1209 = vector.broadcast %jit3A_1207 : f32 to vector<16xf32>
    %broadcast_in_dim3A_1210 = vector.broadcast %jit3A_1208 : f32 to vector<16xf32>
    %select_n3A_1211 = arith.select %eq3A_1206, %broadcast_in_dim3A_1209, %broadcast_in_dim3A_1210 : vector<16xi1>, vector<16xf32>
    %broadcast_in_dim3A_1212 = arith.constant 4 : i32
    %broadcast_in_dim3A_1213 = vector.broadcast %broadcast_in_dim3A_1212 : i32 to vector<16xi32>
    tpu.vector_store_idx %arg6[%add3A_1161, %broadcast_in_dim3A_1213], %select_n3A_1211 : memref<128x128xf32, #tpu.memory_space<vmem>>[vector<16xi32>, vector<16xi32>], vector<16xf32>,
    %add3A_1214 = arith.constant 80 : i32
    %add3A_1215 = vector.broadcast %add3A_1214 : i32 to vector<16xi32>
    %add3A_1216 = arith.addi %add3A_1215, %iota3A : vector<16xi32>
    %broadcast_in_dim3A_1217 = arith.constant 122 : i32
    %broadcast_in_dim3A_1218 = vector.broadcast %broadcast_in_dim3A_1217 : i32 to vector<16xi32>
    %gather3A_1219 = tpu.vector_load_idx %arg4[%add3A_1216, %broadcast_in_dim3A_1218] : memref<128x128xf32, #tpu.memory_space<vmem>>[vector<16xi32>, vector<16xi32>], vector<16xf32>,
    %eq3A_1220 = arith.constant 1.000000e+00 : f32
    %eq3A_1221 = vector.broadcast %eq3A_1220 : f32 to vector<16xf32>
    %eq3A_1222 = arith.cmpf oeq, %gather3A_1219, %eq3A_1221 : vector<16xf32>
    %jit3A_1223 = arith.constant -1.000000e+09 : f32
    %jit3A_1224 = arith.constant 1.000000e+00 : f32
    %broadcast_in_dim3A_1225 = vector.broadcast %jit3A_1223 : f32 to vector<16xf32>
    %broadcast_in_dim3A_1226 = vector.broadcast %jit3A_1224 : f32 to vector<16xf32>
    %select_n3A_1227 = arith.select %eq3A_1222, %broadcast_in_dim3A_1225, %broadcast_in_dim3A_1226 : vector<16xi1>, vector<16xf32>
    %broadcast_in_dim3A_1228 = arith.constant 1 : i32
    %broadcast_in_dim3A_1229 = vector.broadcast %broadcast_in_dim3A_1228 : i32 to vector<16xi32>
    tpu.vector_store_idx %arg6[%add3A_1216, %broadcast_in_dim3A_1229], %select_n3A_1227 : memref<128x128xf32, #tpu.memory_space<vmem>>[vector<16xi32>, vector<16xi32>], vector<16xf32>,
    %broadcast_in_dim3A_1230 = arith.constant 118 : i32
    %broadcast_in_dim3A_1231 = vector.broadcast %broadcast_in_dim3A_1230 : i32 to vector<16xi32>
    %gather3A_1232 = tpu.vector_load_idx %arg4[%add3A_1216, %broadcast_in_dim3A_1231] : memref<128x128xf32, #tpu.memory_space<vmem>>[vector<16xi32>, vector<16xi32>], vector<16xf32>,
    %eq3A_1233 = arith.constant 1.000000e+00 : f32
    %eq3A_1234 = vector.broadcast %eq3A_1233 : f32 to vector<16xf32>
    %eq3A_1235 = arith.cmpf oeq, %gather3A_1232, %eq3A_1234 : vector<16xf32>
    %jit3A_1236 = arith.constant -1.000000e+09 : f32
    %jit3A_1237 = arith.constant 1.000000e+00 : f32
    %broadcast_in_dim3A_1238 = vector.broadcast %jit3A_1236 : f32 to vector<16xf32>
    %broadcast_in_dim3A_1239 = vector.broadcast %jit3A_1237 : f32 to vector<16xf32>
    %select_n3A_1240 = arith.select %eq3A_1235, %broadcast_in_dim3A_1238, %broadcast_in_dim3A_1239 : vector<16xi1>, vector<16xf32>
    %broadcast_in_dim3A_1241 = arith.constant 2 : i32
    %broadcast_in_dim3A_1242 = vector.broadcast %broadcast_in_dim3A_1241 : i32 to vector<16xi32>
    tpu.vector_store_idx %arg6[%add3A_1216, %broadcast_in_dim3A_1242], %select_n3A_1240 : memref<128x128xf32, #tpu.memory_space<vmem>>[vector<16xi32>, vector<16xi32>], vector<16xf32>,
    %broadcast_in_dim3A_1243 = arith.constant 123 : i32
    %broadcast_in_dim3A_1244 = vector.broadcast %broadcast_in_dim3A_1243 : i32 to vector<16xi32>
    %gather3A_1245 = tpu.vector_load_idx %arg4[%add3A_1216, %broadcast_in_dim3A_1244] : memref<128x128xf32, #tpu.memory_space<vmem>>[vector<16xi32>, vector<16xi32>], vector<16xf32>,
    %eq3A_1246 = arith.constant 1.000000e+00 : f32
    %eq3A_1247 = vector.broadcast %eq3A_1246 : f32 to vector<16xf32>
    %eq3A_1248 = arith.cmpf oeq, %gather3A_1245, %eq3A_1247 : vector<16xf32>
    %jit3A_1249 = arith.constant -1.000000e+09 : f32
    %jit3A_1250 = arith.constant 1.000000e+00 : f32
    %broadcast_in_dim3A_1251 = vector.broadcast %jit3A_1249 : f32 to vector<16xf32>
    %broadcast_in_dim3A_1252 = vector.broadcast %jit3A_1250 : f32 to vector<16xf32>
    %select_n3A_1253 = arith.select %eq3A_1248, %broadcast_in_dim3A_1251, %broadcast_in_dim3A_1252 : vector<16xi1>, vector<16xf32>
    %broadcast_in_dim3A_1254 = arith.constant 3 : i32
    %broadcast_in_dim3A_1255 = vector.broadcast %broadcast_in_dim3A_1254 : i32 to vector<16xi32>
    tpu.vector_store_idx %arg6[%add3A_1216, %broadcast_in_dim3A_1255], %select_n3A_1253 : memref<128x128xf32, #tpu.memory_space<vmem>>[vector<16xi32>, vector<16xi32>], vector<16xf32>,
    %broadcast_in_dim3A_1256 = arith.constant 127 : i32
    %broadcast_in_dim3A_1257 = vector.broadcast %broadcast_in_dim3A_1256 : i32 to vector<16xi32>
    %gather3A_1258 = tpu.vector_load_idx %arg4[%add3A_1216, %broadcast_in_dim3A_1257] : memref<128x128xf32, #tpu.memory_space<vmem>>[vector<16xi32>, vector<16xi32>], vector<16xf32>,
    %eq3A_1259 = arith.constant 1.000000e+00 : f32
    %eq3A_1260 = vector.broadcast %eq3A_1259 : f32 to vector<16xf32>
    %eq3A_1261 = arith.cmpf oeq, %gather3A_1258, %eq3A_1260 : vector<16xf32>
    %jit3A_1262 = arith.constant -1.000000e+09 : f32
    %jit3A_1263 = arith.constant 1.000000e+00 : f32
    %broadcast_in_dim3A_1264 = vector.broadcast %jit3A_1262 : f32 to vector<16xf32>
    %broadcast_in_dim3A_1265 = vector.broadcast %jit3A_1263 : f32 to vector<16xf32>
    %select_n3A_1266 = arith.select %eq3A_1261, %broadcast_in_dim3A_1264, %broadcast_in_dim3A_1265 : vector<16xi1>, vector<16xf32>
    %broadcast_in_dim3A_1267 = arith.constant 4 : i32
    %broadcast_in_dim3A_1268 = vector.broadcast %broadcast_in_dim3A_1267 : i32 to vector<16xi32>
    tpu.vector_store_idx %arg6[%add3A_1216, %broadcast_in_dim3A_1268], %select_n3A_1266 : memref<128x128xf32, #tpu.memory_space<vmem>>[vector<16xi32>, vector<16xi32>], vector<16xf32>,
    %add3A_1269 = arith.constant 96 : i32
    %add3A_1270 = vector.broadcast %add3A_1269 : i32 to vector<16xi32>
    %add3A_1271 = arith.addi %add3A_1270, %iota3A : vector<16xi32>
    %broadcast_in_dim3A_1272 = arith.constant 122 : i32
    %broadcast_in_dim3A_1273 = vector.broadcast %broadcast_in_dim3A_1272 : i32 to vector<16xi32>
    %gather3A_1274 = tpu.vector_load_idx %arg4[%add3A_1271, %broadcast_in_dim3A_1273] : memref<128x128xf32, #tpu.memory_space<vmem>>[vector<16xi32>, vector<16xi32>], vector<16xf32>,
    %eq3A_1275 = arith.constant 1.000000e+00 : f32
    %eq3A_1276 = vector.broadcast %eq3A_1275 : f32 to vector<16xf32>
    %eq3A_1277 = arith.cmpf oeq, %gather3A_1274, %eq3A_1276 : vector<16xf32>
    %jit3A_1278 = arith.constant -1.000000e+09 : f32
    %jit3A_1279 = arith.constant 1.000000e+00 : f32
    %broadcast_in_dim3A_1280 = vector.broadcast %jit3A_1278 : f32 to vector<16xf32>
    %broadcast_in_dim3A_1281 = vector.broadcast %jit3A_1279 : f32 to vector<16xf32>
    %select_n3A_1282 = arith.select %eq3A_1277, %broadcast_in_dim3A_1280, %broadcast_in_dim3A_1281 : vector<16xi1>, vector<16xf32>
    %broadcast_in_dim3A_1283 = arith.constant 1 : i32
    %broadcast_in_dim3A_1284 = vector.broadcast %broadcast_in_dim3A_1283 : i32 to vector<16xi32>
    tpu.vector_store_idx %arg6[%add3A_1271, %broadcast_in_dim3A_1284], %select_n3A_1282 : memref<128x128xf32, #tpu.memory_space<vmem>>[vector<16xi32>, vector<16xi32>], vector<16xf32>,
    %broadcast_in_dim3A_1285 = arith.constant 118 : i32
    %broadcast_in_dim3A_1286 = vector.broadcast %broadcast_in_dim3A_1285 : i32 to vector<16xi32>
    %gather3A_1287 = tpu.vector_load_idx %arg4[%add3A_1271, %broadcast_in_dim3A_1286] : memref<128x128xf32, #tpu.memory_space<vmem>>[vector<16xi32>, vector<16xi32>], vector<16xf32>,
    %eq3A_1288 = arith.constant 1.000000e+00 : f32
    %eq3A_1289 = vector.broadcast %eq3A_1288 : f32 to vector<16xf32>
    %eq3A_1290 = arith.cmpf oeq, %gather3A_1287, %eq3A_1289 : vector<16xf32>
    %jit3A_1291 = arith.constant -1.000000e+09 : f32
    %jit3A_1292 = arith.constant 1.000000e+00 : f32
    %broadcast_in_dim3A_1293 = vector.broadcast %jit3A_1291 : f32 to vector<16xf32>
    %broadcast_in_dim3A_1294 = vector.broadcast %jit3A_1292 : f32 to vector<16xf32>
    %select_n3A_1295 = arith.select %eq3A_1290, %broadcast_in_dim3A_1293, %broadcast_in_dim3A_1294 : vector<16xi1>, vector<16xf32>
    %broadcast_in_dim3A_1296 = arith.constant 2 : i32
    %broadcast_in_dim3A_1297 = vector.broadcast %broadcast_in_dim3A_1296 : i32 to vector<16xi32>
    tpu.vector_store_idx %arg6[%add3A_1271, %broadcast_in_dim3A_1297], %select_n3A_1295 : memref<128x128xf32, #tpu.memory_space<vmem>>[vector<16xi32>, vector<16xi32>], vector<16xf32>,
    %broadcast_in_dim3A_1298 = arith.constant 123 : i32
    %broadcast_in_dim3A_1299 = vector.broadcast %broadcast_in_dim3A_1298 : i32 to vector<16xi32>
    %gather3A_1300 = tpu.vector_load_idx %arg4[%add3A_1271, %broadcast_in_dim3A_1299] : memref<128x128xf32, #tpu.memory_space<vmem>>[vector<16xi32>, vector<16xi32>], vector<16xf32>,
    %eq3A_1301 = arith.constant 1.000000e+00 : f32
    %eq3A_1302 = vector.broadcast %eq3A_1301 : f32 to vector<16xf32>
    %eq3A_1303 = arith.cmpf oeq, %gather3A_1300, %eq3A_1302 : vector<16xf32>
    %jit3A_1304 = arith.constant -1.000000e+09 : f32
    %jit3A_1305 = arith.constant 1.000000e+00 : f32
    %broadcast_in_dim3A_1306 = vector.broadcast %jit3A_1304 : f32 to vector<16xf32>
    %broadcast_in_dim3A_1307 = vector.broadcast %jit3A_1305 : f32 to vector<16xf32>
    %select_n3A_1308 = arith.select %eq3A_1303, %broadcast_in_dim3A_1306, %broadcast_in_dim3A_1307 : vector<16xi1>, vector<16xf32>
    %broadcast_in_dim3A_1309 = arith.constant 3 : i32
    %broadcast_in_dim3A_1310 = vector.broadcast %broadcast_in_dim3A_1309 : i32 to vector<16xi32>
    tpu.vector_store_idx %arg6[%add3A_1271, %broadcast_in_dim3A_1310], %select_n3A_1308 : memref<128x128xf32, #tpu.memory_space<vmem>>[vector<16xi32>, vector<16xi32>], vector<16xf32>,
    %broadcast_in_dim3A_1311 = arith.constant 127 : i32
    %broadcast_in_dim3A_1312 = vector.broadcast %broadcast_in_dim3A_1311 : i32 to vector<16xi32>
    %gather3A_1313 = tpu.vector_load_idx %arg4[%add3A_1271, %broadcast_in_dim3A_1312] : memref<128x128xf32, #tpu.memory_space<vmem>>[vector<16xi32>, vector<16xi32>], vector<16xf32>,
    %eq3A_1314 = arith.constant 1.000000e+00 : f32
    %eq3A_1315 = vector.broadcast %eq3A_1314 : f32 to vector<16xf32>
    %eq3A_1316 = arith.cmpf oeq, %gather3A_1313, %eq3A_1315 : vector<16xf32>
    %jit3A_1317 = arith.constant -1.000000e+09 : f32
    %jit3A_1318 = arith.constant 1.000000e+00 : f32
    %broadcast_in_dim3A_1319 = vector.broadcast %jit3A_1317 : f32 to vector<16xf32>
    %broadcast_in_dim3A_1320 = vector.broadcast %jit3A_1318 : f32 to vector<16xf32>
    %select_n3A_1321 = arith.select %eq3A_1316, %broadcast_in_dim3A_1319, %broadcast_in_dim3A_1320 : vector<16xi1>, vector<16xf32>
    %broadcast_in_dim3A_1322 = arith.constant 4 : i32
    %broadcast_in_dim3A_1323 = vector.broadcast %broadcast_in_dim3A_1322 : i32 to vector<16xi32>
    tpu.vector_store_idx %arg6[%add3A_1271, %broadcast_in_dim3A_1323], %select_n3A_1321 : memref<128x128xf32, #tpu.memory_space<vmem>>[vector<16xi32>, vector<16xi32>], vector<16xf32>,
    %add3A_1324 = arith.constant 112 : i32
    %add3A_1325 = vector.broadcast %add3A_1324 : i32 to vector<16xi32>
    %add3A_1326 = arith.addi %add3A_1325, %iota3A : vector<16xi32>
    %broadcast_in_dim3A_1327 = arith.constant 122 : i32
    %broadcast_in_dim3A_1328 = vector.broadcast %broadcast_in_dim3A_1327 : i32 to vector<16xi32>
    %gather3A_1329 = tpu.vector_load_idx %arg4[%add3A_1326, %broadcast_in_dim3A_1328] : memref<128x128xf32, #tpu.memory_space<vmem>>[vector<16xi32>, vector<16xi32>], vector<16xf32>,
    %eq3A_1330 = arith.constant 1.000000e+00 : f32
    %eq3A_1331 = vector.broadcast %eq3A_1330 : f32 to vector<16xf32>
    %eq3A_1332 = arith.cmpf oeq, %gather3A_1329, %eq3A_1331 : vector<16xf32>
    %jit3A_1333 = arith.constant -1.000000e+09 : f32
    %jit3A_1334 = arith.constant 1.000000e+00 : f32
    %broadcast_in_dim3A_1335 = vector.broadcast %jit3A_1333 : f32 to vector<16xf32>
    %broadcast_in_dim3A_1336 = vector.broadcast %jit3A_1334 : f32 to vector<16xf32>
    %select_n3A_1337 = arith.select %eq3A_1332, %broadcast_in_dim3A_1335, %broadcast_in_dim3A_1336 : vector<16xi1>, vector<16xf32>
    %broadcast_in_dim3A_1338 = arith.constant 1 : i32
    %broadcast_in_dim3A_1339 = vector.broadcast %broadcast_in_dim3A_1338 : i32 to vector<16xi32>
    tpu.vector_store_idx %arg6[%add3A_1326, %broadcast_in_dim3A_1339], %select_n3A_1337 : memref<128x128xf32, #tpu.memory_space<vmem>>[vector<16xi32>, vector<16xi32>], vector<16xf32>,
    %broadcast_in_dim3A_1340 = arith.constant 118 : i32
    %broadcast_in_dim3A_1341 = vector.broadcast %broadcast_in_dim3A_1340 : i32 to vector<16xi32>
    %gather3A_1342 = tpu.vector_load_idx %arg4[%add3A_1326, %broadcast_in_dim3A_1341] : memref<128x128xf32, #tpu.memory_space<vmem>>[vector<16xi32>, vector<16xi32>], vector<16xf32>,
    %eq3A_1343 = arith.constant 1.000000e+00 : f32
    %eq3A_1344 = vector.broadcast %eq3A_1343 : f32 to vector<16xf32>
    %eq3A_1345 = arith.cmpf oeq, %gather3A_1342, %eq3A_1344 : vector<16xf32>
    %jit3A_1346 = arith.constant -1.000000e+09 : f32
    %jit3A_1347 = arith.constant 1.000000e+00 : f32
    %broadcast_in_dim3A_1348 = vector.broadcast %jit3A_1346 : f32 to vector<16xf32>
    %broadcast_in_dim3A_1349 = vector.broadcast %jit3A_1347 : f32 to vector<16xf32>
    %select_n3A_1350 = arith.select %eq3A_1345, %broadcast_in_dim3A_1348, %broadcast_in_dim3A_1349 : vector<16xi1>, vector<16xf32>
    %broadcast_in_dim3A_1351 = arith.constant 2 : i32
    %broadcast_in_dim3A_1352 = vector.broadcast %broadcast_in_dim3A_1351 : i32 to vector<16xi32>
    tpu.vector_store_idx %arg6[%add3A_1326, %broadcast_in_dim3A_1352], %select_n3A_1350 : memref<128x128xf32, #tpu.memory_space<vmem>>[vector<16xi32>, vector<16xi32>], vector<16xf32>,
    %broadcast_in_dim3A_1353 = arith.constant 123 : i32
    %broadcast_in_dim3A_1354 = vector.broadcast %broadcast_in_dim3A_1353 : i32 to vector<16xi32>
    %gather3A_1355 = tpu.vector_load_idx %arg4[%add3A_1326, %broadcast_in_dim3A_1354] : memref<128x128xf32, #tpu.memory_space<vmem>>[vector<16xi32>, vector<16xi32>], vector<16xf32>,
    %eq3A_1356 = arith.constant 1.000000e+00 : f32
    %eq3A_1357 = vector.broadcast %eq3A_1356 : f32 to vector<16xf32>
    %eq3A_1358 = arith.cmpf oeq, %gather3A_1355, %eq3A_1357 : vector<16xf32>
    %jit3A_1359 = arith.constant -1.000000e+09 : f32
    %jit3A_1360 = arith.constant 1.000000e+00 : f32
    %broadcast_in_dim3A_1361 = vector.broadcast %jit3A_1359 : f32 to vector<16xf32>
    %broadcast_in_dim3A_1362 = vector.broadcast %jit3A_1360 : f32 to vector<16xf32>
    %select_n3A_1363 = arith.select %eq3A_1358, %broadcast_in_dim3A_1361, %broadcast_in_dim3A_1362 : vector<16xi1>, vector<16xf32>
    %broadcast_in_dim3A_1364 = arith.constant 3 : i32
    %broadcast_in_dim3A_1365 = vector.broadcast %broadcast_in_dim3A_1364 : i32 to vector<16xi32>
    tpu.vector_store_idx %arg6[%add3A_1326, %broadcast_in_dim3A_1365], %select_n3A_1363 : memref<128x128xf32, #tpu.memory_space<vmem>>[vector<16xi32>, vector<16xi32>], vector<16xf32>,
    %broadcast_in_dim3A_1366 = arith.constant 127 : i32
    %broadcast_in_dim3A_1367 = vector.broadcast %broadcast_in_dim3A_1366 : i32 to vector<16xi32>
    %gather3A_1368 = tpu.vector_load_idx %arg4[%add3A_1326, %broadcast_in_dim3A_1367] : memref<128x128xf32, #tpu.memory_space<vmem>>[vector<16xi32>, vector<16xi32>], vector<16xf32>,
    %eq3A_1369 = arith.constant 1.000000e+00 : f32
    %eq3A_1370 = vector.broadcast %eq3A_1369 : f32 to vector<16xf32>
    %eq3A_1371 = arith.cmpf oeq, %gather3A_1368, %eq3A_1370 : vector<16xf32>
    %jit3A_1372 = arith.constant -1.000000e+09 : f32
    %jit3A_1373 = arith.constant 1.000000e+00 : f32
    %broadcast_in_dim3A_1374 = vector.broadcast %jit3A_1372 : f32 to vector<16xf32>
    %broadcast_in_dim3A_1375 = vector.broadcast %jit3A_1373 : f32 to vector<16xf32>
    %select_n3A_1376 = arith.select %eq3A_1371, %broadcast_in_dim3A_1374, %broadcast_in_dim3A_1375 : vector<16xi1>, vector<16xf32>
    %broadcast_in_dim3A_1377 = arith.constant 4 : i32
    %broadcast_in_dim3A_1378 = vector.broadcast %broadcast_in_dim3A_1377 : i32 to vector<16xi32>
    tpu.vector_store_idx %arg6[%add3A_1326, %broadcast_in_dim3A_1378], %select_n3A_1376 : memref<128x128xf32, #tpu.memory_space<vmem>>[vector<16xi32>, vector<16xi32>], vector<16xf32>,
    %dma_start3A_1379 = arith.constant 0 : i32
    %dma_start3A_1380 = tpu.memref_slice %arg3[%add3A_16, %dma_start3A_1379] : memref<16384x128xf32, #tpu.memory_space<hbm>> -> memref<128x128xf32, #tpu.memory_space<hbm>>
    %dma_start3A_1381 = arith.constant 0 : i32
    %dma_start3A_1382 = tpu.memref_slice %arg3[%add3A_16, %dma_start3A_1381] : memref<16384x128xf32, #tpu.memory_space<hbm>> -> memref<128x128xf32, #tpu.memory_space<hbm>>
    tpu.enqueue_dma source(%arg6 : memref<128x128xf32, #tpu.memory_space<vmem>>) target(%dma_start3A_1382 : memref<128x128xf32, #tpu.memory_space<hbm>>) target_semaphore(%arg10 : memref<!tpu.dma_semaphore, #tpu.memory_space<semaphore_mem>>)
    %dma_wait3A_1383 = arith.constant 0 : i32
    %dma_wait3A_1384 = tpu.memref_slice %arg3[%add3A_14, %dma_wait3A_1383] : memref<16384x128xf32, #tpu.memory_space<hbm>> -> memref<128x128xf32, #tpu.memory_space<hbm>>
    %dma_wait3A_1385 = arith.constant 0 : i32
    %dma_wait3A_1386 = tpu.memref_slice %arg3[%add3A_14, %dma_wait3A_1385] : memref<16384x128xf32, #tpu.memory_space<hbm>> -> memref<128x128xf32, #tpu.memory_space<hbm>>
    tpu.wait_dma2 semaphore(%arg11 : memref<!tpu.dma_semaphore, #tpu.memory_space<semaphore_mem>>) src(%arg7 : memref<128x128xf32, #tpu.memory_space<vmem>>) dst(%dma_wait3A_1386 : memref<128x128xf32, #tpu.memory_space<hbm>>)
    %dma_wait3A_1387 = arith.constant 128 : i32
    %dma_wait3A_1388 = tpu.memref_slice %arg2[%add3A_10, %dma_wait3A_1387] : memref<16384x256xf32, #tpu.memory_space<hbm>> -> memref<128x128xf32, #tpu.memory_space<hbm>>
    %dma_wait3A_1389 = arith.constant 128 : i32
    %dma_wait3A_1390 = tpu.memref_slice %arg2[%add3A_10, %dma_wait3A_1389] : memref<16384x256xf32, #tpu.memory_space<hbm>> -> memref<128x128xf32, #tpu.memory_space<hbm>>
    tpu.wait_dma2 semaphore(%arg9 : memref<!tpu.dma_semaphore, #tpu.memory_space<semaphore_mem>>) src(%dma_wait3A_1390 : memref<128x128xf32, #tpu.memory_space<hbm>>) dst(%arg5 : memref<128x128xf32, #tpu.memory_space<vmem>>)
    %add3A_1391 = arith.constant 0 : i32
    %add3A_1392 = vector.broadcast %add3A_1391 : i32 to vector<16xi32>
    %add3A_1393 = arith.addi %add3A_1392, %iota3A : vector<16xi32>
    %broadcast_in_dim3A_1394 = arith.constant 122 : i32
    %broadcast_in_dim3A_1395 = vector.broadcast %broadcast_in_dim3A_1394 : i32 to vector<16xi32>
    %gather3A_1396 = tpu.vector_load_idx %arg5[%add3A_1393, %broadcast_in_dim3A_1395] : memref<128x128xf32, #tpu.memory_space<vmem>>[vector<16xi32>, vector<16xi32>], vector<16xf32>,
    %eq3A_1397 = arith.constant 1.000000e+00 : f32
    %eq3A_1398 = vector.broadcast %eq3A_1397 : f32 to vector<16xf32>
    %eq3A_1399 = arith.cmpf oeq, %gather3A_1396, %eq3A_1398 : vector<16xf32>
    %jit3A_1400 = arith.constant -1.000000e+09 : f32
    %jit3A_1401 = arith.constant 1.000000e+00 : f32
    %broadcast_in_dim3A_1402 = vector.broadcast %jit3A_1400 : f32 to vector<16xf32>
    %broadcast_in_dim3A_1403 = vector.broadcast %jit3A_1401 : f32 to vector<16xf32>
    %select_n3A_1404 = arith.select %eq3A_1399, %broadcast_in_dim3A_1402, %broadcast_in_dim3A_1403 : vector<16xi1>, vector<16xf32>
    %broadcast_in_dim3A_1405 = arith.constant 1 : i32
    %broadcast_in_dim3A_1406 = vector.broadcast %broadcast_in_dim3A_1405 : i32 to vector<16xi32>
    tpu.vector_store_idx %arg7[%add3A_1393, %broadcast_in_dim3A_1406], %select_n3A_1404 : memref<128x128xf32, #tpu.memory_space<vmem>>[vector<16xi32>, vector<16xi32>], vector<16xf32>,
    %broadcast_in_dim3A_1407 = arith.constant 118 : i32
    %broadcast_in_dim3A_1408 = vector.broadcast %broadcast_in_dim3A_1407 : i32 to vector<16xi32>
    %gather3A_1409 = tpu.vector_load_idx %arg5[%add3A_1393, %broadcast_in_dim3A_1408] : memref<128x128xf32, #tpu.memory_space<vmem>>[vector<16xi32>, vector<16xi32>], vector<16xf32>,
    %eq3A_1410 = arith.constant 1.000000e+00 : f32
    %eq3A_1411 = vector.broadcast %eq3A_1410 : f32 to vector<16xf32>
    %eq3A_1412 = arith.cmpf oeq, %gather3A_1409, %eq3A_1411 : vector<16xf32>
    %jit3A_1413 = arith.constant -1.000000e+09 : f32
    %jit3A_1414 = arith.constant 1.000000e+00 : f32
    %broadcast_in_dim3A_1415 = vector.broadcast %jit3A_1413 : f32 to vector<16xf32>
    %broadcast_in_dim3A_1416 = vector.broadcast %jit3A_1414 : f32 to vector<16xf32>
    %select_n3A_1417 = arith.select %eq3A_1412, %broadcast_in_dim3A_1415, %broadcast_in_dim3A_1416 : vector<16xi1>, vector<16xf32>
    %broadcast_in_dim3A_1418 = arith.constant 2 : i32
    %broadcast_in_dim3A_1419 = vector.broadcast %broadcast_in_dim3A_1418 : i32 to vector<16xi32>
    tpu.vector_store_idx %arg7[%add3A_1393, %broadcast_in_dim3A_1419], %select_n3A_1417 : memref<128x128xf32, #tpu.memory_space<vmem>>[vector<16xi32>, vector<16xi32>], vector<16xf32>,
    %broadcast_in_dim3A_1420 = arith.constant 123 : i32
    %broadcast_in_dim3A_1421 = vector.broadcast %broadcast_in_dim3A_1420 : i32 to vector<16xi32>
    %gather3A_1422 = tpu.vector_load_idx %arg5[%add3A_1393, %broadcast_in_dim3A_1421] : memref<128x128xf32, #tpu.memory_space<vmem>>[vector<16xi32>, vector<16xi32>], vector<16xf32>,
    %eq3A_1423 = arith.constant 1.000000e+00 : f32
    %eq3A_1424 = vector.broadcast %eq3A_1423 : f32 to vector<16xf32>
    %eq3A_1425 = arith.cmpf oeq, %gather3A_1422, %eq3A_1424 : vector<16xf32>
    %jit3A_1426 = arith.constant -1.000000e+09 : f32
    %jit3A_1427 = arith.constant 1.000000e+00 : f32
    %broadcast_in_dim3A_1428 = vector.broadcast %jit3A_1426 : f32 to vector<16xf32>
    %broadcast_in_dim3A_1429 = vector.broadcast %jit3A_1427 : f32 to vector<16xf32>
    %select_n3A_1430 = arith.select %eq3A_1425, %broadcast_in_dim3A_1428, %broadcast_in_dim3A_1429 : vector<16xi1>, vector<16xf32>
    %broadcast_in_dim3A_1431 = arith.constant 3 : i32
    %broadcast_in_dim3A_1432 = vector.broadcast %broadcast_in_dim3A_1431 : i32 to vector<16xi32>
    tpu.vector_store_idx %arg7[%add3A_1393, %broadcast_in_dim3A_1432], %select_n3A_1430 : memref<128x128xf32, #tpu.memory_space<vmem>>[vector<16xi32>, vector<16xi32>], vector<16xf32>,
    %broadcast_in_dim3A_1433 = arith.constant 127 : i32
    %broadcast_in_dim3A_1434 = vector.broadcast %broadcast_in_dim3A_1433 : i32 to vector<16xi32>
    %gather3A_1435 = tpu.vector_load_idx %arg5[%add3A_1393, %broadcast_in_dim3A_1434] : memref<128x128xf32, #tpu.memory_space<vmem>>[vector<16xi32>, vector<16xi32>], vector<16xf32>,
    %eq3A_1436 = arith.constant 1.000000e+00 : f32
    %eq3A_1437 = vector.broadcast %eq3A_1436 : f32 to vector<16xf32>
    %eq3A_1438 = arith.cmpf oeq, %gather3A_1435, %eq3A_1437 : vector<16xf32>
    %jit3A_1439 = arith.constant -1.000000e+09 : f32
    %jit3A_1440 = arith.constant 1.000000e+00 : f32
    %broadcast_in_dim3A_1441 = vector.broadcast %jit3A_1439 : f32 to vector<16xf32>
    %broadcast_in_dim3A_1442 = vector.broadcast %jit3A_1440 : f32 to vector<16xf32>
    %select_n3A_1443 = arith.select %eq3A_1438, %broadcast_in_dim3A_1441, %broadcast_in_dim3A_1442 : vector<16xi1>, vector<16xf32>
    %broadcast_in_dim3A_1444 = arith.constant 4 : i32
    %broadcast_in_dim3A_1445 = vector.broadcast %broadcast_in_dim3A_1444 : i32 to vector<16xi32>
    tpu.vector_store_idx %arg7[%add3A_1393, %broadcast_in_dim3A_1445], %select_n3A_1443 : memref<128x128xf32, #tpu.memory_space<vmem>>[vector<16xi32>, vector<16xi32>], vector<16xf32>,
    %add3A_1446 = arith.constant 16 : i32
    %add3A_1447 = vector.broadcast %add3A_1446 : i32 to vector<16xi32>
    %add3A_1448 = arith.addi %add3A_1447, %iota3A : vector<16xi32>
    %broadcast_in_dim3A_1449 = arith.constant 122 : i32
    %broadcast_in_dim3A_1450 = vector.broadcast %broadcast_in_dim3A_1449 : i32 to vector<16xi32>
    %gather3A_1451 = tpu.vector_load_idx %arg5[%add3A_1448, %broadcast_in_dim3A_1450] : memref<128x128xf32, #tpu.memory_space<vmem>>[vector<16xi32>, vector<16xi32>], vector<16xf32>,
    %eq3A_1452 = arith.constant 1.000000e+00 : f32
    %eq3A_1453 = vector.broadcast %eq3A_1452 : f32 to vector<16xf32>
    %eq3A_1454 = arith.cmpf oeq, %gather3A_1451, %eq3A_1453 : vector<16xf32>
    %jit3A_1455 = arith.constant -1.000000e+09 : f32
    %jit3A_1456 = arith.constant 1.000000e+00 : f32
    %broadcast_in_dim3A_1457 = vector.broadcast %jit3A_1455 : f32 to vector<16xf32>
    %broadcast_in_dim3A_1458 = vector.broadcast %jit3A_1456 : f32 to vector<16xf32>
    %select_n3A_1459 = arith.select %eq3A_1454, %broadcast_in_dim3A_1457, %broadcast_in_dim3A_1458 : vector<16xi1>, vector<16xf32>
    %broadcast_in_dim3A_1460 = arith.constant 1 : i32
    %broadcast_in_dim3A_1461 = vector.broadcast %broadcast_in_dim3A_1460 : i32 to vector<16xi32>
    tpu.vector_store_idx %arg7[%add3A_1448, %broadcast_in_dim3A_1461], %select_n3A_1459 : memref<128x128xf32, #tpu.memory_space<vmem>>[vector<16xi32>, vector<16xi32>], vector<16xf32>,
    %broadcast_in_dim3A_1462 = arith.constant 118 : i32
    %broadcast_in_dim3A_1463 = vector.broadcast %broadcast_in_dim3A_1462 : i32 to vector<16xi32>
    %gather3A_1464 = tpu.vector_load_idx %arg5[%add3A_1448, %broadcast_in_dim3A_1463] : memref<128x128xf32, #tpu.memory_space<vmem>>[vector<16xi32>, vector<16xi32>], vector<16xf32>,
    %eq3A_1465 = arith.constant 1.000000e+00 : f32
    %eq3A_1466 = vector.broadcast %eq3A_1465 : f32 to vector<16xf32>
    %eq3A_1467 = arith.cmpf oeq, %gather3A_1464, %eq3A_1466 : vector<16xf32>
    %jit3A_1468 = arith.constant -1.000000e+09 : f32
    %jit3A_1469 = arith.constant 1.000000e+00 : f32
    %broadcast_in_dim3A_1470 = vector.broadcast %jit3A_1468 : f32 to vector<16xf32>
    %broadcast_in_dim3A_1471 = vector.broadcast %jit3A_1469 : f32 to vector<16xf32>
    %select_n3A_1472 = arith.select %eq3A_1467, %broadcast_in_dim3A_1470, %broadcast_in_dim3A_1471 : vector<16xi1>, vector<16xf32>
    %broadcast_in_dim3A_1473 = arith.constant 2 : i32
    %broadcast_in_dim3A_1474 = vector.broadcast %broadcast_in_dim3A_1473 : i32 to vector<16xi32>
    tpu.vector_store_idx %arg7[%add3A_1448, %broadcast_in_dim3A_1474], %select_n3A_1472 : memref<128x128xf32, #tpu.memory_space<vmem>>[vector<16xi32>, vector<16xi32>], vector<16xf32>,
    %broadcast_in_dim3A_1475 = arith.constant 123 : i32
    %broadcast_in_dim3A_1476 = vector.broadcast %broadcast_in_dim3A_1475 : i32 to vector<16xi32>
    %gather3A_1477 = tpu.vector_load_idx %arg5[%add3A_1448, %broadcast_in_dim3A_1476] : memref<128x128xf32, #tpu.memory_space<vmem>>[vector<16xi32>, vector<16xi32>], vector<16xf32>,
    %eq3A_1478 = arith.constant 1.000000e+00 : f32
    %eq3A_1479 = vector.broadcast %eq3A_1478 : f32 to vector<16xf32>
    %eq3A_1480 = arith.cmpf oeq, %gather3A_1477, %eq3A_1479 : vector<16xf32>
    %jit3A_1481 = arith.constant -1.000000e+09 : f32
    %jit3A_1482 = arith.constant 1.000000e+00 : f32
    %broadcast_in_dim3A_1483 = vector.broadcast %jit3A_1481 : f32 to vector<16xf32>
    %broadcast_in_dim3A_1484 = vector.broadcast %jit3A_1482 : f32 to vector<16xf32>
    %select_n3A_1485 = arith.select %eq3A_1480, %broadcast_in_dim3A_1483, %broadcast_in_dim3A_1484 : vector<16xi1>, vector<16xf32>
    %broadcast_in_dim3A_1486 = arith.constant 3 : i32
    %broadcast_in_dim3A_1487 = vector.broadcast %broadcast_in_dim3A_1486 : i32 to vector<16xi32>
    tpu.vector_store_idx %arg7[%add3A_1448, %broadcast_in_dim3A_1487], %select_n3A_1485 : memref<128x128xf32, #tpu.memory_space<vmem>>[vector<16xi32>, vector<16xi32>], vector<16xf32>,
    %broadcast_in_dim3A_1488 = arith.constant 127 : i32
    %broadcast_in_dim3A_1489 = vector.broadcast %broadcast_in_dim3A_1488 : i32 to vector<16xi32>
    %gather3A_1490 = tpu.vector_load_idx %arg5[%add3A_1448, %broadcast_in_dim3A_1489] : memref<128x128xf32, #tpu.memory_space<vmem>>[vector<16xi32>, vector<16xi32>], vector<16xf32>,
    %eq3A_1491 = arith.constant 1.000000e+00 : f32
    %eq3A_1492 = vector.broadcast %eq3A_1491 : f32 to vector<16xf32>
    %eq3A_1493 = arith.cmpf oeq, %gather3A_1490, %eq3A_1492 : vector<16xf32>
    %jit3A_1494 = arith.constant -1.000000e+09 : f32
    %jit3A_1495 = arith.constant 1.000000e+00 : f32
    %broadcast_in_dim3A_1496 = vector.broadcast %jit3A_1494 : f32 to vector<16xf32>
    %broadcast_in_dim3A_1497 = vector.broadcast %jit3A_1495 : f32 to vector<16xf32>
    %select_n3A_1498 = arith.select %eq3A_1493, %broadcast_in_dim3A_1496, %broadcast_in_dim3A_1497 : vector<16xi1>, vector<16xf32>
    %broadcast_in_dim3A_1499 = arith.constant 4 : i32
    %broadcast_in_dim3A_1500 = vector.broadcast %broadcast_in_dim3A_1499 : i32 to vector<16xi32>
    tpu.vector_store_idx %arg7[%add3A_1448, %broadcast_in_dim3A_1500], %select_n3A_1498 : memref<128x128xf32, #tpu.memory_space<vmem>>[vector<16xi32>, vector<16xi32>], vector<16xf32>,
    %add3A_1501 = arith.constant 32 : i32
    %add3A_1502 = vector.broadcast %add3A_1501 : i32 to vector<16xi32>
    %add3A_1503 = arith.addi %add3A_1502, %iota3A : vector<16xi32>
    %broadcast_in_dim3A_1504 = arith.constant 122 : i32
    %broadcast_in_dim3A_1505 = vector.broadcast %broadcast_in_dim3A_1504 : i32 to vector<16xi32>
    %gather3A_1506 = tpu.vector_load_idx %arg5[%add3A_1503, %broadcast_in_dim3A_1505] : memref<128x128xf32, #tpu.memory_space<vmem>>[vector<16xi32>, vector<16xi32>], vector<16xf32>,
    %eq3A_1507 = arith.constant 1.000000e+00 : f32
    %eq3A_1508 = vector.broadcast %eq3A_1507 : f32 to vector<16xf32>
    %eq3A_1509 = arith.cmpf oeq, %gather3A_1506, %eq3A_1508 : vector<16xf32>
    %jit3A_1510 = arith.constant -1.000000e+09 : f32
    %jit3A_1511 = arith.constant 1.000000e+00 : f32
    %broadcast_in_dim3A_1512 = vector.broadcast %jit3A_1510 : f32 to vector<16xf32>
    %broadcast_in_dim3A_1513 = vector.broadcast %jit3A_1511 : f32 to vector<16xf32>
    %select_n3A_1514 = arith.select %eq3A_1509, %broadcast_in_dim3A_1512, %broadcast_in_dim3A_1513 : vector<16xi1>, vector<16xf32>
    %broadcast_in_dim3A_1515 = arith.constant 1 : i32
    %broadcast_in_dim3A_1516 = vector.broadcast %broadcast_in_dim3A_1515 : i32 to vector<16xi32>
    tpu.vector_store_idx %arg7[%add3A_1503, %broadcast_in_dim3A_1516], %select_n3A_1514 : memref<128x128xf32, #tpu.memory_space<vmem>>[vector<16xi32>, vector<16xi32>], vector<16xf32>,
    %broadcast_in_dim3A_1517 = arith.constant 118 : i32
    %broadcast_in_dim3A_1518 = vector.broadcast %broadcast_in_dim3A_1517 : i32 to vector<16xi32>
    %gather3A_1519 = tpu.vector_load_idx %arg5[%add3A_1503, %broadcast_in_dim3A_1518] : memref<128x128xf32, #tpu.memory_space<vmem>>[vector<16xi32>, vector<16xi32>], vector<16xf32>,
    %eq3A_1520 = arith.constant 1.000000e+00 : f32
    %eq3A_1521 = vector.broadcast %eq3A_1520 : f32 to vector<16xf32>
    %eq3A_1522 = arith.cmpf oeq, %gather3A_1519, %eq3A_1521 : vector<16xf32>
    %jit3A_1523 = arith.constant -1.000000e+09 : f32
    %jit3A_1524 = arith.constant 1.000000e+00 : f32
    %broadcast_in_dim3A_1525 = vector.broadcast %jit3A_1523 : f32 to vector<16xf32>
    %broadcast_in_dim3A_1526 = vector.broadcast %jit3A_1524 : f32 to vector<16xf32>
    %select_n3A_1527 = arith.select %eq3A_1522, %broadcast_in_dim3A_1525, %broadcast_in_dim3A_1526 : vector<16xi1>, vector<16xf32>
    %broadcast_in_dim3A_1528 = arith.constant 2 : i32
    %broadcast_in_dim3A_1529 = vector.broadcast %broadcast_in_dim3A_1528 : i32 to vector<16xi32>
    tpu.vector_store_idx %arg7[%add3A_1503, %broadcast_in_dim3A_1529], %select_n3A_1527 : memref<128x128xf32, #tpu.memory_space<vmem>>[vector<16xi32>, vector<16xi32>], vector<16xf32>,
    %broadcast_in_dim3A_1530 = arith.constant 123 : i32
    %broadcast_in_dim3A_1531 = vector.broadcast %broadcast_in_dim3A_1530 : i32 to vector<16xi32>
    %gather3A_1532 = tpu.vector_load_idx %arg5[%add3A_1503, %broadcast_in_dim3A_1531] : memref<128x128xf32, #tpu.memory_space<vmem>>[vector<16xi32>, vector<16xi32>], vector<16xf32>,
    %eq3A_1533 = arith.constant 1.000000e+00 : f32
    %eq3A_1534 = vector.broadcast %eq3A_1533 : f32 to vector<16xf32>
    %eq3A_1535 = arith.cmpf oeq, %gather3A_1532, %eq3A_1534 : vector<16xf32>
    %jit3A_1536 = arith.constant -1.000000e+09 : f32
    %jit3A_1537 = arith.constant 1.000000e+00 : f32
    %broadcast_in_dim3A_1538 = vector.broadcast %jit3A_1536 : f32 to vector<16xf32>
    %broadcast_in_dim3A_1539 = vector.broadcast %jit3A_1537 : f32 to vector<16xf32>
    %select_n3A_1540 = arith.select %eq3A_1535, %broadcast_in_dim3A_1538, %broadcast_in_dim3A_1539 : vector<16xi1>, vector<16xf32>
    %broadcast_in_dim3A_1541 = arith.constant 3 : i32
    %broadcast_in_dim3A_1542 = vector.broadcast %broadcast_in_dim3A_1541 : i32 to vector<16xi32>
    tpu.vector_store_idx %arg7[%add3A_1503, %broadcast_in_dim3A_1542], %select_n3A_1540 : memref<128x128xf32, #tpu.memory_space<vmem>>[vector<16xi32>, vector<16xi32>], vector<16xf32>,
    %broadcast_in_dim3A_1543 = arith.constant 127 : i32
    %broadcast_in_dim3A_1544 = vector.broadcast %broadcast_in_dim3A_1543 : i32 to vector<16xi32>
    %gather3A_1545 = tpu.vector_load_idx %arg5[%add3A_1503, %broadcast_in_dim3A_1544] : memref<128x128xf32, #tpu.memory_space<vmem>>[vector<16xi32>, vector<16xi32>], vector<16xf32>,
    %eq3A_1546 = arith.constant 1.000000e+00 : f32
    %eq3A_1547 = vector.broadcast %eq3A_1546 : f32 to vector<16xf32>
    %eq3A_1548 = arith.cmpf oeq, %gather3A_1545, %eq3A_1547 : vector<16xf32>
    %jit3A_1549 = arith.constant -1.000000e+09 : f32
    %jit3A_1550 = arith.constant 1.000000e+00 : f32
    %broadcast_in_dim3A_1551 = vector.broadcast %jit3A_1549 : f32 to vector<16xf32>
    %broadcast_in_dim3A_1552 = vector.broadcast %jit3A_1550 : f32 to vector<16xf32>
    %select_n3A_1553 = arith.select %eq3A_1548, %broadcast_in_dim3A_1551, %broadcast_in_dim3A_1552 : vector<16xi1>, vector<16xf32>
    %broadcast_in_dim3A_1554 = arith.constant 4 : i32
    %broadcast_in_dim3A_1555 = vector.broadcast %broadcast_in_dim3A_1554 : i32 to vector<16xi32>
    tpu.vector_store_idx %arg7[%add3A_1503, %broadcast_in_dim3A_1555], %select_n3A_1553 : memref<128x128xf32, #tpu.memory_space<vmem>>[vector<16xi32>, vector<16xi32>], vector<16xf32>,
    %add3A_1556 = arith.constant 48 : i32
    %add3A_1557 = vector.broadcast %add3A_1556 : i32 to vector<16xi32>
    %add3A_1558 = arith.addi %add3A_1557, %iota3A : vector<16xi32>
    %broadcast_in_dim3A_1559 = arith.constant 122 : i32
    %broadcast_in_dim3A_1560 = vector.broadcast %broadcast_in_dim3A_1559 : i32 to vector<16xi32>
    %gather3A_1561 = tpu.vector_load_idx %arg5[%add3A_1558, %broadcast_in_dim3A_1560] : memref<128x128xf32, #tpu.memory_space<vmem>>[vector<16xi32>, vector<16xi32>], vector<16xf32>,
    %eq3A_1562 = arith.constant 1.000000e+00 : f32
    %eq3A_1563 = vector.broadcast %eq3A_1562 : f32 to vector<16xf32>
    %eq3A_1564 = arith.cmpf oeq, %gather3A_1561, %eq3A_1563 : vector<16xf32>
    %jit3A_1565 = arith.constant -1.000000e+09 : f32
    %jit3A_1566 = arith.constant 1.000000e+00 : f32
    %broadcast_in_dim3A_1567 = vector.broadcast %jit3A_1565 : f32 to vector<16xf32>
    %broadcast_in_dim3A_1568 = vector.broadcast %jit3A_1566 : f32 to vector<16xf32>
    %select_n3A_1569 = arith.select %eq3A_1564, %broadcast_in_dim3A_1567, %broadcast_in_dim3A_1568 : vector<16xi1>, vector<16xf32>
    %broadcast_in_dim3A_1570 = arith.constant 1 : i32
    %broadcast_in_dim3A_1571 = vector.broadcast %broadcast_in_dim3A_1570 : i32 to vector<16xi32>
    tpu.vector_store_idx %arg7[%add3A_1558, %broadcast_in_dim3A_1571], %select_n3A_1569 : memref<128x128xf32, #tpu.memory_space<vmem>>[vector<16xi32>, vector<16xi32>], vector<16xf32>,
    %broadcast_in_dim3A_1572 = arith.constant 118 : i32
    %broadcast_in_dim3A_1573 = vector.broadcast %broadcast_in_dim3A_1572 : i32 to vector<16xi32>
    %gather3A_1574 = tpu.vector_load_idx %arg5[%add3A_1558, %broadcast_in_dim3A_1573] : memref<128x128xf32, #tpu.memory_space<vmem>>[vector<16xi32>, vector<16xi32>], vector<16xf32>,
    %eq3A_1575 = arith.constant 1.000000e+00 : f32
    %eq3A_1576 = vector.broadcast %eq3A_1575 : f32 to vector<16xf32>
    %eq3A_1577 = arith.cmpf oeq, %gather3A_1574, %eq3A_1576 : vector<16xf32>
    %jit3A_1578 = arith.constant -1.000000e+09 : f32
    %jit3A_1579 = arith.constant 1.000000e+00 : f32
    %broadcast_in_dim3A_1580 = vector.broadcast %jit3A_1578 : f32 to vector<16xf32>
    %broadcast_in_dim3A_1581 = vector.broadcast %jit3A_1579 : f32 to vector<16xf32>
    %select_n3A_1582 = arith.select %eq3A_1577, %broadcast_in_dim3A_1580, %broadcast_in_dim3A_1581 : vector<16xi1>, vector<16xf32>
    %broadcast_in_dim3A_1583 = arith.constant 2 : i32
    %broadcast_in_dim3A_1584 = vector.broadcast %broadcast_in_dim3A_1583 : i32 to vector<16xi32>
    tpu.vector_store_idx %arg7[%add3A_1558, %broadcast_in_dim3A_1584], %select_n3A_1582 : memref<128x128xf32, #tpu.memory_space<vmem>>[vector<16xi32>, vector<16xi32>], vector<16xf32>,
    %broadcast_in_dim3A_1585 = arith.constant 123 : i32
    %broadcast_in_dim3A_1586 = vector.broadcast %broadcast_in_dim3A_1585 : i32 to vector<16xi32>
    %gather3A_1587 = tpu.vector_load_idx %arg5[%add3A_1558, %broadcast_in_dim3A_1586] : memref<128x128xf32, #tpu.memory_space<vmem>>[vector<16xi32>, vector<16xi32>], vector<16xf32>,
    %eq3A_1588 = arith.constant 1.000000e+00 : f32
    %eq3A_1589 = vector.broadcast %eq3A_1588 : f32 to vector<16xf32>
    %eq3A_1590 = arith.cmpf oeq, %gather3A_1587, %eq3A_1589 : vector<16xf32>
    %jit3A_1591 = arith.constant -1.000000e+09 : f32
    %jit3A_1592 = arith.constant 1.000000e+00 : f32
    %broadcast_in_dim3A_1593 = vector.broadcast %jit3A_1591 : f32 to vector<16xf32>
    %broadcast_in_dim3A_1594 = vector.broadcast %jit3A_1592 : f32 to vector<16xf32>
    %select_n3A_1595 = arith.select %eq3A_1590, %broadcast_in_dim3A_1593, %broadcast_in_dim3A_1594 : vector<16xi1>, vector<16xf32>
    %broadcast_in_dim3A_1596 = arith.constant 3 : i32
    %broadcast_in_dim3A_1597 = vector.broadcast %broadcast_in_dim3A_1596 : i32 to vector<16xi32>
    tpu.vector_store_idx %arg7[%add3A_1558, %broadcast_in_dim3A_1597], %select_n3A_1595 : memref<128x128xf32, #tpu.memory_space<vmem>>[vector<16xi32>, vector<16xi32>], vector<16xf32>,
    %broadcast_in_dim3A_1598 = arith.constant 127 : i32
    %broadcast_in_dim3A_1599 = vector.broadcast %broadcast_in_dim3A_1598 : i32 to vector<16xi32>
    %gather3A_1600 = tpu.vector_load_idx %arg5[%add3A_1558, %broadcast_in_dim3A_1599] : memref<128x128xf32, #tpu.memory_space<vmem>>[vector<16xi32>, vector<16xi32>], vector<16xf32>,
    %eq3A_1601 = arith.constant 1.000000e+00 : f32
    %eq3A_1602 = vector.broadcast %eq3A_1601 : f32 to vector<16xf32>
    %eq3A_1603 = arith.cmpf oeq, %gather3A_1600, %eq3A_1602 : vector<16xf32>
    %jit3A_1604 = arith.constant -1.000000e+09 : f32
    %jit3A_1605 = arith.constant 1.000000e+00 : f32
    %broadcast_in_dim3A_1606 = vector.broadcast %jit3A_1604 : f32 to vector<16xf32>
    %broadcast_in_dim3A_1607 = vector.broadcast %jit3A_1605 : f32 to vector<16xf32>
    %select_n3A_1608 = arith.select %eq3A_1603, %broadcast_in_dim3A_1606, %broadcast_in_dim3A_1607 : vector<16xi1>, vector<16xf32>
    %broadcast_in_dim3A_1609 = arith.constant 4 : i32
    %broadcast_in_dim3A_1610 = vector.broadcast %broadcast_in_dim3A_1609 : i32 to vector<16xi32>
    tpu.vector_store_idx %arg7[%add3A_1558, %broadcast_in_dim3A_1610], %select_n3A_1608 : memref<128x128xf32, #tpu.memory_space<vmem>>[vector<16xi32>, vector<16xi32>], vector<16xf32>,
    %add3A_1611 = arith.constant 64 : i32
    %add3A_1612 = vector.broadcast %add3A_1611 : i32 to vector<16xi32>
    %add3A_1613 = arith.addi %add3A_1612, %iota3A : vector<16xi32>
    %broadcast_in_dim3A_1614 = arith.constant 122 : i32
    %broadcast_in_dim3A_1615 = vector.broadcast %broadcast_in_dim3A_1614 : i32 to vector<16xi32>
    %gather3A_1616 = tpu.vector_load_idx %arg5[%add3A_1613, %broadcast_in_dim3A_1615] : memref<128x128xf32, #tpu.memory_space<vmem>>[vector<16xi32>, vector<16xi32>], vector<16xf32>,
    %eq3A_1617 = arith.constant 1.000000e+00 : f32
    %eq3A_1618 = vector.broadcast %eq3A_1617 : f32 to vector<16xf32>
    %eq3A_1619 = arith.cmpf oeq, %gather3A_1616, %eq3A_1618 : vector<16xf32>
    %jit3A_1620 = arith.constant -1.000000e+09 : f32
    %jit3A_1621 = arith.constant 1.000000e+00 : f32
    %broadcast_in_dim3A_1622 = vector.broadcast %jit3A_1620 : f32 to vector<16xf32>
    %broadcast_in_dim3A_1623 = vector.broadcast %jit3A_1621 : f32 to vector<16xf32>
    %select_n3A_1624 = arith.select %eq3A_1619, %broadcast_in_dim3A_1622, %broadcast_in_dim3A_1623 : vector<16xi1>, vector<16xf32>
    %broadcast_in_dim3A_1625 = arith.constant 1 : i32
    %broadcast_in_dim3A_1626 = vector.broadcast %broadcast_in_dim3A_1625 : i32 to vector<16xi32>
    tpu.vector_store_idx %arg7[%add3A_1613, %broadcast_in_dim3A_1626], %select_n3A_1624 : memref<128x128xf32, #tpu.memory_space<vmem>>[vector<16xi32>, vector<16xi32>], vector<16xf32>,
    %broadcast_in_dim3A_1627 = arith.constant 118 : i32
    %broadcast_in_dim3A_1628 = vector.broadcast %broadcast_in_dim3A_1627 : i32 to vector<16xi32>
    %gather3A_1629 = tpu.vector_load_idx %arg5[%add3A_1613, %broadcast_in_dim3A_1628] : memref<128x128xf32, #tpu.memory_space<vmem>>[vector<16xi32>, vector<16xi32>], vector<16xf32>,
    %eq3A_1630 = arith.constant 1.000000e+00 : f32
    %eq3A_1631 = vector.broadcast %eq3A_1630 : f32 to vector<16xf32>
    %eq3A_1632 = arith.cmpf oeq, %gather3A_1629, %eq3A_1631 : vector<16xf32>
    %jit3A_1633 = arith.constant -1.000000e+09 : f32
    %jit3A_1634 = arith.constant 1.000000e+00 : f32
    %broadcast_in_dim3A_1635 = vector.broadcast %jit3A_1633 : f32 to vector<16xf32>
    %broadcast_in_dim3A_1636 = vector.broadcast %jit3A_1634 : f32 to vector<16xf32>
    %select_n3A_1637 = arith.select %eq3A_1632, %broadcast_in_dim3A_1635, %broadcast_in_dim3A_1636 : vector<16xi1>, vector<16xf32>
    %broadcast_in_dim3A_1638 = arith.constant 2 : i32
    %broadcast_in_dim3A_1639 = vector.broadcast %broadcast_in_dim3A_1638 : i32 to vector<16xi32>
    tpu.vector_store_idx %arg7[%add3A_1613, %broadcast_in_dim3A_1639], %select_n3A_1637 : memref<128x128xf32, #tpu.memory_space<vmem>>[vector<16xi32>, vector<16xi32>], vector<16xf32>,
    %broadcast_in_dim3A_1640 = arith.constant 123 : i32
    %broadcast_in_dim3A_1641 = vector.broadcast %broadcast_in_dim3A_1640 : i32 to vector<16xi32>
    %gather3A_1642 = tpu.vector_load_idx %arg5[%add3A_1613, %broadcast_in_dim3A_1641] : memref<128x128xf32, #tpu.memory_space<vmem>>[vector<16xi32>, vector<16xi32>], vector<16xf32>,
    %eq3A_1643 = arith.constant 1.000000e+00 : f32
    %eq3A_1644 = vector.broadcast %eq3A_1643 : f32 to vector<16xf32>
    %eq3A_1645 = arith.cmpf oeq, %gather3A_1642, %eq3A_1644 : vector<16xf32>
    %jit3A_1646 = arith.constant -1.000000e+09 : f32
    %jit3A_1647 = arith.constant 1.000000e+00 : f32
    %broadcast_in_dim3A_1648 = vector.broadcast %jit3A_1646 : f32 to vector<16xf32>
    %broadcast_in_dim3A_1649 = vector.broadcast %jit3A_1647 : f32 to vector<16xf32>
    %select_n3A_1650 = arith.select %eq3A_1645, %broadcast_in_dim3A_1648, %broadcast_in_dim3A_1649 : vector<16xi1>, vector<16xf32>
    %broadcast_in_dim3A_1651 = arith.constant 3 : i32
    %broadcast_in_dim3A_1652 = vector.broadcast %broadcast_in_dim3A_1651 : i32 to vector<16xi32>
    tpu.vector_store_idx %arg7[%add3A_1613, %broadcast_in_dim3A_1652], %select_n3A_1650 : memref<128x128xf32, #tpu.memory_space<vmem>>[vector<16xi32>, vector<16xi32>], vector<16xf32>,
    %broadcast_in_dim3A_1653 = arith.constant 127 : i32
    %broadcast_in_dim3A_1654 = vector.broadcast %broadcast_in_dim3A_1653 : i32 to vector<16xi32>
    %gather3A_1655 = tpu.vector_load_idx %arg5[%add3A_1613, %broadcast_in_dim3A_1654] : memref<128x128xf32, #tpu.memory_space<vmem>>[vector<16xi32>, vector<16xi32>], vector<16xf32>,
    %eq3A_1656 = arith.constant 1.000000e+00 : f32
    %eq3A_1657 = vector.broadcast %eq3A_1656 : f32 to vector<16xf32>
    %eq3A_1658 = arith.cmpf oeq, %gather3A_1655, %eq3A_1657 : vector<16xf32>
    %jit3A_1659 = arith.constant -1.000000e+09 : f32
    %jit3A_1660 = arith.constant 1.000000e+00 : f32
    %broadcast_in_dim3A_1661 = vector.broadcast %jit3A_1659 : f32 to vector<16xf32>
    %broadcast_in_dim3A_1662 = vector.broadcast %jit3A_1660 : f32 to vector<16xf32>
    %select_n3A_1663 = arith.select %eq3A_1658, %broadcast_in_dim3A_1661, %broadcast_in_dim3A_1662 : vector<16xi1>, vector<16xf32>
    %broadcast_in_dim3A_1664 = arith.constant 4 : i32
    %broadcast_in_dim3A_1665 = vector.broadcast %broadcast_in_dim3A_1664 : i32 to vector<16xi32>
    tpu.vector_store_idx %arg7[%add3A_1613, %broadcast_in_dim3A_1665], %select_n3A_1663 : memref<128x128xf32, #tpu.memory_space<vmem>>[vector<16xi32>, vector<16xi32>], vector<16xf32>,
    %add3A_1666 = arith.constant 80 : i32
    %add3A_1667 = vector.broadcast %add3A_1666 : i32 to vector<16xi32>
    %add3A_1668 = arith.addi %add3A_1667, %iota3A : vector<16xi32>
    %broadcast_in_dim3A_1669 = arith.constant 122 : i32
    %broadcast_in_dim3A_1670 = vector.broadcast %broadcast_in_dim3A_1669 : i32 to vector<16xi32>
    %gather3A_1671 = tpu.vector_load_idx %arg5[%add3A_1668, %broadcast_in_dim3A_1670] : memref<128x128xf32, #tpu.memory_space<vmem>>[vector<16xi32>, vector<16xi32>], vector<16xf32>,
    %eq3A_1672 = arith.constant 1.000000e+00 : f32
    %eq3A_1673 = vector.broadcast %eq3A_1672 : f32 to vector<16xf32>
    %eq3A_1674 = arith.cmpf oeq, %gather3A_1671, %eq3A_1673 : vector<16xf32>
    %jit3A_1675 = arith.constant -1.000000e+09 : f32
    %jit3A_1676 = arith.constant 1.000000e+00 : f32
    %broadcast_in_dim3A_1677 = vector.broadcast %jit3A_1675 : f32 to vector<16xf32>
    %broadcast_in_dim3A_1678 = vector.broadcast %jit3A_1676 : f32 to vector<16xf32>
    %select_n3A_1679 = arith.select %eq3A_1674, %broadcast_in_dim3A_1677, %broadcast_in_dim3A_1678 : vector<16xi1>, vector<16xf32>
    %broadcast_in_dim3A_1680 = arith.constant 1 : i32
    %broadcast_in_dim3A_1681 = vector.broadcast %broadcast_in_dim3A_1680 : i32 to vector<16xi32>
    tpu.vector_store_idx %arg7[%add3A_1668, %broadcast_in_dim3A_1681], %select_n3A_1679 : memref<128x128xf32, #tpu.memory_space<vmem>>[vector<16xi32>, vector<16xi32>], vector<16xf32>,
    %broadcast_in_dim3A_1682 = arith.constant 118 : i32
    %broadcast_in_dim3A_1683 = vector.broadcast %broadcast_in_dim3A_1682 : i32 to vector<16xi32>
    %gather3A_1684 = tpu.vector_load_idx %arg5[%add3A_1668, %broadcast_in_dim3A_1683] : memref<128x128xf32, #tpu.memory_space<vmem>>[vector<16xi32>, vector<16xi32>], vector<16xf32>,
    %eq3A_1685 = arith.constant 1.000000e+00 : f32
    %eq3A_1686 = vector.broadcast %eq3A_1685 : f32 to vector<16xf32>
    %eq3A_1687 = arith.cmpf oeq, %gather3A_1684, %eq3A_1686 : vector<16xf32>
    %jit3A_1688 = arith.constant -1.000000e+09 : f32
    %jit3A_1689 = arith.constant 1.000000e+00 : f32
    %broadcast_in_dim3A_1690 = vector.broadcast %jit3A_1688 : f32 to vector<16xf32>
    %broadcast_in_dim3A_1691 = vector.broadcast %jit3A_1689 : f32 to vector<16xf32>
    %select_n3A_1692 = arith.select %eq3A_1687, %broadcast_in_dim3A_1690, %broadcast_in_dim3A_1691 : vector<16xi1>, vector<16xf32>
    %broadcast_in_dim3A_1693 = arith.constant 2 : i32
    %broadcast_in_dim3A_1694 = vector.broadcast %broadcast_in_dim3A_1693 : i32 to vector<16xi32>
    tpu.vector_store_idx %arg7[%add3A_1668, %broadcast_in_dim3A_1694], %select_n3A_1692 : memref<128x128xf32, #tpu.memory_space<vmem>>[vector<16xi32>, vector<16xi32>], vector<16xf32>,
    %broadcast_in_dim3A_1695 = arith.constant 123 : i32
    %broadcast_in_dim3A_1696 = vector.broadcast %broadcast_in_dim3A_1695 : i32 to vector<16xi32>
    %gather3A_1697 = tpu.vector_load_idx %arg5[%add3A_1668, %broadcast_in_dim3A_1696] : memref<128x128xf32, #tpu.memory_space<vmem>>[vector<16xi32>, vector<16xi32>], vector<16xf32>,
    %eq3A_1698 = arith.constant 1.000000e+00 : f32
    %eq3A_1699 = vector.broadcast %eq3A_1698 : f32 to vector<16xf32>
    %eq3A_1700 = arith.cmpf oeq, %gather3A_1697, %eq3A_1699 : vector<16xf32>
    %jit3A_1701 = arith.constant -1.000000e+09 : f32
    %jit3A_1702 = arith.constant 1.000000e+00 : f32
    %broadcast_in_dim3A_1703 = vector.broadcast %jit3A_1701 : f32 to vector<16xf32>
    %broadcast_in_dim3A_1704 = vector.broadcast %jit3A_1702 : f32 to vector<16xf32>
    %select_n3A_1705 = arith.select %eq3A_1700, %broadcast_in_dim3A_1703, %broadcast_in_dim3A_1704 : vector<16xi1>, vector<16xf32>
    %broadcast_in_dim3A_1706 = arith.constant 3 : i32
    %broadcast_in_dim3A_1707 = vector.broadcast %broadcast_in_dim3A_1706 : i32 to vector<16xi32>
    tpu.vector_store_idx %arg7[%add3A_1668, %broadcast_in_dim3A_1707], %select_n3A_1705 : memref<128x128xf32, #tpu.memory_space<vmem>>[vector<16xi32>, vector<16xi32>], vector<16xf32>,
    %broadcast_in_dim3A_1708 = arith.constant 127 : i32
    %broadcast_in_dim3A_1709 = vector.broadcast %broadcast_in_dim3A_1708 : i32 to vector<16xi32>
    %gather3A_1710 = tpu.vector_load_idx %arg5[%add3A_1668, %broadcast_in_dim3A_1709] : memref<128x128xf32, #tpu.memory_space<vmem>>[vector<16xi32>, vector<16xi32>], vector<16xf32>,
    %eq3A_1711 = arith.constant 1.000000e+00 : f32
    %eq3A_1712 = vector.broadcast %eq3A_1711 : f32 to vector<16xf32>
    %eq3A_1713 = arith.cmpf oeq, %gather3A_1710, %eq3A_1712 : vector<16xf32>
    %jit3A_1714 = arith.constant -1.000000e+09 : f32
    %jit3A_1715 = arith.constant 1.000000e+00 : f32
    %broadcast_in_dim3A_1716 = vector.broadcast %jit3A_1714 : f32 to vector<16xf32>
    %broadcast_in_dim3A_1717 = vector.broadcast %jit3A_1715 : f32 to vector<16xf32>
    %select_n3A_1718 = arith.select %eq3A_1713, %broadcast_in_dim3A_1716, %broadcast_in_dim3A_1717 : vector<16xi1>, vector<16xf32>
    %broadcast_in_dim3A_1719 = arith.constant 4 : i32
    %broadcast_in_dim3A_1720 = vector.broadcast %broadcast_in_dim3A_1719 : i32 to vector<16xi32>
    tpu.vector_store_idx %arg7[%add3A_1668, %broadcast_in_dim3A_1720], %select_n3A_1718 : memref<128x128xf32, #tpu.memory_space<vmem>>[vector<16xi32>, vector<16xi32>], vector<16xf32>,
    %add3A_1721 = arith.constant 96 : i32
    %add3A_1722 = vector.broadcast %add3A_1721 : i32 to vector<16xi32>
    %add3A_1723 = arith.addi %add3A_1722, %iota3A : vector<16xi32>
    %broadcast_in_dim3A_1724 = arith.constant 122 : i32
    %broadcast_in_dim3A_1725 = vector.broadcast %broadcast_in_dim3A_1724 : i32 to vector<16xi32>
    %gather3A_1726 = tpu.vector_load_idx %arg5[%add3A_1723, %broadcast_in_dim3A_1725] : memref<128x128xf32, #tpu.memory_space<vmem>>[vector<16xi32>, vector<16xi32>], vector<16xf32>,
    %eq3A_1727 = arith.constant 1.000000e+00 : f32
    %eq3A_1728 = vector.broadcast %eq3A_1727 : f32 to vector<16xf32>
    %eq3A_1729 = arith.cmpf oeq, %gather3A_1726, %eq3A_1728 : vector<16xf32>
    %jit3A_1730 = arith.constant -1.000000e+09 : f32
    %jit3A_1731 = arith.constant 1.000000e+00 : f32
    %broadcast_in_dim3A_1732 = vector.broadcast %jit3A_1730 : f32 to vector<16xf32>
    %broadcast_in_dim3A_1733 = vector.broadcast %jit3A_1731 : f32 to vector<16xf32>
    %select_n3A_1734 = arith.select %eq3A_1729, %broadcast_in_dim3A_1732, %broadcast_in_dim3A_1733 : vector<16xi1>, vector<16xf32>
    %broadcast_in_dim3A_1735 = arith.constant 1 : i32
    %broadcast_in_dim3A_1736 = vector.broadcast %broadcast_in_dim3A_1735 : i32 to vector<16xi32>
    tpu.vector_store_idx %arg7[%add3A_1723, %broadcast_in_dim3A_1736], %select_n3A_1734 : memref<128x128xf32, #tpu.memory_space<vmem>>[vector<16xi32>, vector<16xi32>], vector<16xf32>,
    %broadcast_in_dim3A_1737 = arith.constant 118 : i32
    %broadcast_in_dim3A_1738 = vector.broadcast %broadcast_in_dim3A_1737 : i32 to vector<16xi32>
    %gather3A_1739 = tpu.vector_load_idx %arg5[%add3A_1723, %broadcast_in_dim3A_1738] : memref<128x128xf32, #tpu.memory_space<vmem>>[vector<16xi32>, vector<16xi32>], vector<16xf32>,
    %eq3A_1740 = arith.constant 1.000000e+00 : f32
    %eq3A_1741 = vector.broadcast %eq3A_1740 : f32 to vector<16xf32>
    %eq3A_1742 = arith.cmpf oeq, %gather3A_1739, %eq3A_1741 : vector<16xf32>
    %jit3A_1743 = arith.constant -1.000000e+09 : f32
    %jit3A_1744 = arith.constant 1.000000e+00 : f32
    %broadcast_in_dim3A_1745 = vector.broadcast %jit3A_1743 : f32 to vector<16xf32>
    %broadcast_in_dim3A_1746 = vector.broadcast %jit3A_1744 : f32 to vector<16xf32>
    %select_n3A_1747 = arith.select %eq3A_1742, %broadcast_in_dim3A_1745, %broadcast_in_dim3A_1746 : vector<16xi1>, vector<16xf32>
    %broadcast_in_dim3A_1748 = arith.constant 2 : i32
    %broadcast_in_dim3A_1749 = vector.broadcast %broadcast_in_dim3A_1748 : i32 to vector<16xi32>
    tpu.vector_store_idx %arg7[%add3A_1723, %broadcast_in_dim3A_1749], %select_n3A_1747 : memref<128x128xf32, #tpu.memory_space<vmem>>[vector<16xi32>, vector<16xi32>], vector<16xf32>,
    %broadcast_in_dim3A_1750 = arith.constant 123 : i32
    %broadcast_in_dim3A_1751 = vector.broadcast %broadcast_in_dim3A_1750 : i32 to vector<16xi32>
    %gather3A_1752 = tpu.vector_load_idx %arg5[%add3A_1723, %broadcast_in_dim3A_1751] : memref<128x128xf32, #tpu.memory_space<vmem>>[vector<16xi32>, vector<16xi32>], vector<16xf32>,
    %eq3A_1753 = arith.constant 1.000000e+00 : f32
    %eq3A_1754 = vector.broadcast %eq3A_1753 : f32 to vector<16xf32>
    %eq3A_1755 = arith.cmpf oeq, %gather3A_1752, %eq3A_1754 : vector<16xf32>
    %jit3A_1756 = arith.constant -1.000000e+09 : f32
    %jit3A_1757 = arith.constant 1.000000e+00 : f32
    %broadcast_in_dim3A_1758 = vector.broadcast %jit3A_1756 : f32 to vector<16xf32>
    %broadcast_in_dim3A_1759 = vector.broadcast %jit3A_1757 : f32 to vector<16xf32>
    %select_n3A_1760 = arith.select %eq3A_1755, %broadcast_in_dim3A_1758, %broadcast_in_dim3A_1759 : vector<16xi1>, vector<16xf32>
    %broadcast_in_dim3A_1761 = arith.constant 3 : i32
    %broadcast_in_dim3A_1762 = vector.broadcast %broadcast_in_dim3A_1761 : i32 to vector<16xi32>
    tpu.vector_store_idx %arg7[%add3A_1723, %broadcast_in_dim3A_1762], %select_n3A_1760 : memref<128x128xf32, #tpu.memory_space<vmem>>[vector<16xi32>, vector<16xi32>], vector<16xf32>,
    %broadcast_in_dim3A_1763 = arith.constant 127 : i32
    %broadcast_in_dim3A_1764 = vector.broadcast %broadcast_in_dim3A_1763 : i32 to vector<16xi32>
    %gather3A_1765 = tpu.vector_load_idx %arg5[%add3A_1723, %broadcast_in_dim3A_1764] : memref<128x128xf32, #tpu.memory_space<vmem>>[vector<16xi32>, vector<16xi32>], vector<16xf32>,
    %eq3A_1766 = arith.constant 1.000000e+00 : f32
    %eq3A_1767 = vector.broadcast %eq3A_1766 : f32 to vector<16xf32>
    %eq3A_1768 = arith.cmpf oeq, %gather3A_1765, %eq3A_1767 : vector<16xf32>
    %jit3A_1769 = arith.constant -1.000000e+09 : f32
    %jit3A_1770 = arith.constant 1.000000e+00 : f32
    %broadcast_in_dim3A_1771 = vector.broadcast %jit3A_1769 : f32 to vector<16xf32>
    %broadcast_in_dim3A_1772 = vector.broadcast %jit3A_1770 : f32 to vector<16xf32>
    %select_n3A_1773 = arith.select %eq3A_1768, %broadcast_in_dim3A_1771, %broadcast_in_dim3A_1772 : vector<16xi1>, vector<16xf32>
    %broadcast_in_dim3A_1774 = arith.constant 4 : i32
    %broadcast_in_dim3A_1775 = vector.broadcast %broadcast_in_dim3A_1774 : i32 to vector<16xi32>
    tpu.vector_store_idx %arg7[%add3A_1723, %broadcast_in_dim3A_1775], %select_n3A_1773 : memref<128x128xf32, #tpu.memory_space<vmem>>[vector<16xi32>, vector<16xi32>], vector<16xf32>,
    %add3A_1776 = arith.constant 112 : i32
    %add3A_1777 = vector.broadcast %add3A_1776 : i32 to vector<16xi32>
    %add3A_1778 = arith.addi %add3A_1777, %iota3A : vector<16xi32>
    %broadcast_in_dim3A_1779 = arith.constant 122 : i32
    %broadcast_in_dim3A_1780 = vector.broadcast %broadcast_in_dim3A_1779 : i32 to vector<16xi32>
    %gather3A_1781 = tpu.vector_load_idx %arg5[%add3A_1778, %broadcast_in_dim3A_1780] : memref<128x128xf32, #tpu.memory_space<vmem>>[vector<16xi32>, vector<16xi32>], vector<16xf32>,
    %eq3A_1782 = arith.constant 1.000000e+00 : f32
    %eq3A_1783 = vector.broadcast %eq3A_1782 : f32 to vector<16xf32>
    %eq3A_1784 = arith.cmpf oeq, %gather3A_1781, %eq3A_1783 : vector<16xf32>
    %jit3A_1785 = arith.constant -1.000000e+09 : f32
    %jit3A_1786 = arith.constant 1.000000e+00 : f32
    %broadcast_in_dim3A_1787 = vector.broadcast %jit3A_1785 : f32 to vector<16xf32>
    %broadcast_in_dim3A_1788 = vector.broadcast %jit3A_1786 : f32 to vector<16xf32>
    %select_n3A_1789 = arith.select %eq3A_1784, %broadcast_in_dim3A_1787, %broadcast_in_dim3A_1788 : vector<16xi1>, vector<16xf32>
    %broadcast_in_dim3A_1790 = arith.constant 1 : i32
    %broadcast_in_dim3A_1791 = vector.broadcast %broadcast_in_dim3A_1790 : i32 to vector<16xi32>
    tpu.vector_store_idx %arg7[%add3A_1778, %broadcast_in_dim3A_1791], %select_n3A_1789 : memref<128x128xf32, #tpu.memory_space<vmem>>[vector<16xi32>, vector<16xi32>], vector<16xf32>,
    %broadcast_in_dim3A_1792 = arith.constant 118 : i32
    %broadcast_in_dim3A_1793 = vector.broadcast %broadcast_in_dim3A_1792 : i32 to vector<16xi32>
    %gather3A_1794 = tpu.vector_load_idx %arg5[%add3A_1778, %broadcast_in_dim3A_1793] : memref<128x128xf32, #tpu.memory_space<vmem>>[vector<16xi32>, vector<16xi32>], vector<16xf32>,
    %eq3A_1795 = arith.constant 1.000000e+00 : f32
    %eq3A_1796 = vector.broadcast %eq3A_1795 : f32 to vector<16xf32>
    %eq3A_1797 = arith.cmpf oeq, %gather3A_1794, %eq3A_1796 : vector<16xf32>
    %jit3A_1798 = arith.constant -1.000000e+09 : f32
    %jit3A_1799 = arith.constant 1.000000e+00 : f32
    %broadcast_in_dim3A_1800 = vector.broadcast %jit3A_1798 : f32 to vector<16xf32>
    %broadcast_in_dim3A_1801 = vector.broadcast %jit3A_1799 : f32 to vector<16xf32>
    %select_n3A_1802 = arith.select %eq3A_1797, %broadcast_in_dim3A_1800, %broadcast_in_dim3A_1801 : vector<16xi1>, vector<16xf32>
    %broadcast_in_dim3A_1803 = arith.constant 2 : i32
    %broadcast_in_dim3A_1804 = vector.broadcast %broadcast_in_dim3A_1803 : i32 to vector<16xi32>
    tpu.vector_store_idx %arg7[%add3A_1778, %broadcast_in_dim3A_1804], %select_n3A_1802 : memref<128x128xf32, #tpu.memory_space<vmem>>[vector<16xi32>, vector<16xi32>], vector<16xf32>,
    %broadcast_in_dim3A_1805 = arith.constant 123 : i32
    %broadcast_in_dim3A_1806 = vector.broadcast %broadcast_in_dim3A_1805 : i32 to vector<16xi32>
    %gather3A_1807 = tpu.vector_load_idx %arg5[%add3A_1778, %broadcast_in_dim3A_1806] : memref<128x128xf32, #tpu.memory_space<vmem>>[vector<16xi32>, vector<16xi32>], vector<16xf32>,
    %eq3A_1808 = arith.constant 1.000000e+00 : f32
    %eq3A_1809 = vector.broadcast %eq3A_1808 : f32 to vector<16xf32>
    %eq3A_1810 = arith.cmpf oeq, %gather3A_1807, %eq3A_1809 : vector<16xf32>
    %jit3A_1811 = arith.constant -1.000000e+09 : f32
    %jit3A_1812 = arith.constant 1.000000e+00 : f32
    %broadcast_in_dim3A_1813 = vector.broadcast %jit3A_1811 : f32 to vector<16xf32>
    %broadcast_in_dim3A_1814 = vector.broadcast %jit3A_1812 : f32 to vector<16xf32>
    %select_n3A_1815 = arith.select %eq3A_1810, %broadcast_in_dim3A_1813, %broadcast_in_dim3A_1814 : vector<16xi1>, vector<16xf32>
    %broadcast_in_dim3A_1816 = arith.constant 3 : i32
    %broadcast_in_dim3A_1817 = vector.broadcast %broadcast_in_dim3A_1816 : i32 to vector<16xi32>
    tpu.vector_store_idx %arg7[%add3A_1778, %broadcast_in_dim3A_1817], %select_n3A_1815 : memref<128x128xf32, #tpu.memory_space<vmem>>[vector<16xi32>, vector<16xi32>], vector<16xf32>,
    %broadcast_in_dim3A_1818 = arith.constant 127 : i32
    %broadcast_in_dim3A_1819 = vector.broadcast %broadcast_in_dim3A_1818 : i32 to vector<16xi32>
    %gather3A_1820 = tpu.vector_load_idx %arg5[%add3A_1778, %broadcast_in_dim3A_1819] : memref<128x128xf32, #tpu.memory_space<vmem>>[vector<16xi32>, vector<16xi32>], vector<16xf32>,
    %eq3A_1821 = arith.constant 1.000000e+00 : f32
    %eq3A_1822 = vector.broadcast %eq3A_1821 : f32 to vector<16xf32>
    %eq3A_1823 = arith.cmpf oeq, %gather3A_1820, %eq3A_1822 : vector<16xf32>
    %jit3A_1824 = arith.constant -1.000000e+09 : f32
    %jit3A_1825 = arith.constant 1.000000e+00 : f32
    %broadcast_in_dim3A_1826 = vector.broadcast %jit3A_1824 : f32 to vector<16xf32>
    %broadcast_in_dim3A_1827 = vector.broadcast %jit3A_1825 : f32 to vector<16xf32>
    %select_n3A_1828 = arith.select %eq3A_1823, %broadcast_in_dim3A_1826, %broadcast_in_dim3A_1827 : vector<16xi1>, vector<16xf32>
    %broadcast_in_dim3A_1829 = arith.constant 4 : i32
    %broadcast_in_dim3A_1830 = vector.broadcast %broadcast_in_dim3A_1829 : i32 to vector<16xi32>
    tpu.vector_store_idx %arg7[%add3A_1778, %broadcast_in_dim3A_1830], %select_n3A_1828 : memref<128x128xf32, #tpu.memory_space<vmem>>[vector<16xi32>, vector<16xi32>], vector<16xf32>,
    %dma_start3A_1831 = arith.constant 0 : i32
    %dma_start3A_1832 = tpu.memref_slice %arg3[%add3A_18, %dma_start3A_1831] : memref<16384x128xf32, #tpu.memory_space<hbm>> -> memref<128x128xf32, #tpu.memory_space<hbm>>
    %dma_start3A_1833 = arith.constant 0 : i32
    %dma_start3A_1834 = tpu.memref_slice %arg3[%add3A_18, %dma_start3A_1833] : memref<16384x128xf32, #tpu.memory_space<hbm>> -> memref<128x128xf32, #tpu.memory_space<hbm>>
    tpu.enqueue_dma source(%arg7 : memref<128x128xf32, #tpu.memory_space<vmem>>) target(%dma_start3A_1834 : memref<128x128xf32, #tpu.memory_space<hbm>>) target_semaphore(%arg11 : memref<!tpu.dma_semaphore, #tpu.memory_space<semaphore_mem>>)
    %dma_wait3A_1835 = arith.constant 0 : i32
    %dma_wait3A_1836 = tpu.memref_slice %arg3[%add3A_16, %dma_wait3A_1835] : memref<16384x128xf32, #tpu.memory_space<hbm>> -> memref<128x128xf32, #tpu.memory_space<hbm>>
    %dma_wait3A_1837 = arith.constant 0 : i32
    %dma_wait3A_1838 = tpu.memref_slice %arg3[%add3A_16, %dma_wait3A_1837] : memref<16384x128xf32, #tpu.memory_space<hbm>> -> memref<128x128xf32, #tpu.memory_space<hbm>>
    tpu.wait_dma2 semaphore(%arg10 : memref<!tpu.dma_semaphore, #tpu.memory_space<semaphore_mem>>) src(%arg6 : memref<128x128xf32, #tpu.memory_space<vmem>>) dst(%dma_wait3A_1838 : memref<128x128xf32, #tpu.memory_space<hbm>>)
    %dma_wait3A_1839 = arith.constant 0 : i32
    %dma_wait3A_1840 = tpu.memref_slice %arg3[%add3A_18, %dma_wait3A_1839] : memref<16384x128xf32, #tpu.memory_space<hbm>> -> memref<128x128xf32, #tpu.memory_space<hbm>>
    %dma_wait3A_1841 = arith.constant 0 : i32
    %dma_wait3A_1842 = tpu.memref_slice %arg3[%add3A_18, %dma_wait3A_1841] : memref<16384x128xf32, #tpu.memory_space<hbm>> -> memref<128x128xf32, #tpu.memory_space<hbm>>
    tpu.wait_dma2 semaphore(%arg11 : memref<!tpu.dma_semaphore, #tpu.memory_space<semaphore_mem>>) src(%arg7 : memref<128x128xf32, #tpu.memory_space<vmem>>) dst(%dma_wait3A_1842 : memref<128x128xf32, #tpu.memory_space<hbm>>)
    return
  }
}

</mosaic_0001>

<sc_bundles>
// kernel: kernel.3.cloned.1.call-start
scs
__scs_entry_jumppad:
0x0: {  	(pc) =	sbr.rel $0x88, $3  }
0x1: {  	(tag) =	ssettag $0x0;
	lr =	simm.s32 $0x1  }
0x2: {  	[smem:$0x3FA0] =	sst lr;
	_ =	strace $0xD0000000  }
0x3: {  	_ = 	snop  }
0x4: {  	_ = 	snop  }
0x5: {  	_ = 	snop  }
0x6: {  	_ = 	snop  }
0x7: {  	_ = 	snop  }
__scs_overlays_trampoline_lowered:
0x8: {  	[smem:$0x3FAF] =	sst s0  }
0x9: {  	[smem:$0x3FB0] =	sst s1  }
0xa: {  	[smem:$0x3FB1] =	sst s2  }
0xb: {  	[smem:$0x3FB2] =	sst s3  }
0xc: {  	[smem:$0x3FB3] =	sst s4  }
0xd: {  	[smem:$0x3FB4] =	sst s5  }
0xe: {  	[smem:$0x3FB5] =	sst s6  }
0xf: {  	[smem:$0x3FB6] =	sst s7  }
0x10: {  	[smem:$0x3FB7] =	sst s8  }
0x11: {  	[smem:$0x3FB8] =	sst s9;
	s0 =	simm.s32 @!p0 $0x0  }
0x12: {  	s1 =	sld [smem:$0x3F9E];
	s0 =	simm.s32 @p0 $0x1  }
0x13: {  	[smem:$0x3FB9] =	sst s0;
	s0 =	simm.s32 @!p1 $0x0  }
0x14: {  	s2 =	sld [smem:$0x3F9D];
	s0 =	simm.s32 @p1 $0x1  }
0x15: {  	[smem:$0x3FBA] =	sst s0;
	s0 =	simm.s32 @!p2 $0x0  }
0x16: {  	s3 =	sld [smem:$0x3FDB];
	s0 =	simm.s32 @p2 $0x1  }
0x17: {  	s4 =	simm.s32 $0x1BF5;
	[smem:$0x3FBC] =	sst s0  }
0x18: {  	s0 =	sld [smem:$0x3F9F];
	_ =	swait.ge [sflag:s4], $0x0  }
0x19: {  	s7 =	sld [smem:$0x3FA0]  }
0x1a: {  	s8 =	sadd.s32 $0xFFFFE003, lr  }
0x1b: {  	s9 =	sadd.s32 $0xFFFFFEF7, lr;
	s5 =	simm.s32 $0xFFFFFFFF;
	p2 =	slt.u32 s8, $0xFFFFF086  }
0x1c: {  	p1 =	slt.u32 s9, $0xF7A;
	s5 =	simm.s32 @!p2 $0x0  }
0x1d: {  	s5 =	simm.s32 @p1 $0x1;
	p0 =	seq.s32 s7, s2  }
0x1e: {  	s7 =	smul.u32 @!p0 $0xF7A, s2;
	p2 =	seq.s32 @!p0 s5, $0x0  }
0x1f: {  	s9 =	smul.u32 $0xF7A, s1;
	s8 =	simm.s32 @!p0 $0x1BF5;
	p2 =	por !p2, p0  }
0x20: {  	[sflag:s8] =	ssyncset.s32 @!p0 $0xFFFFF086;
	s6 =	sadd.s32 @!p0 s3, s7;
	s7 =	simm.s32 @!p0 $0x108  }
0x21: {  	s3 =	sadd.s32 s3, s9;
	s6 =	sadd.s32 @!p0 $0x88, s6;
	s7 =	simm.s32 @p2 $0x1082  }
0x22: {  	[simem:s7], [sflag:s8] =	dma.local @!p0 [hbm:s6], $0xF7A  }
0x23: {  	s9 =	sor.u32 $0xD0000000, s2;
	s6 =	simm.s32 $0x108;
	_ =	swait.ge @!p0 [sflag:s8], $0x0  }
0x24: {  	s3 =	sadd.s32 $0x88, s3;
	s6 =	simm.s32 @!p1 $0x1082;
	[sflag:s4] =	ssyncset.s32 $0xFFFFF086  }
0x25: {  	[simem:s6], [sflag:s4] =	dma.local [hbm:s3], $0xF7A  }
0x26: {  	[smem:$0x3FA0] =	sst s1;
	(tag) =	ssettag s2;
	_ =	strace s9  }
0x27: {  	s1 =	sld [smem:$0x3FB0]  }
0x28: {  	s2 =	sld [smem:$0x3FB1]  }
0x29: {  	s4 =	sld [smem:$0x3FB3]  }
0x2a: {  	p0 =	seq.s32 s5, $0x0;
	s5 =	sld [smem:$0x3FB4]  }
0x2b: {  	s6 =	sld [smem:$0x3FB5]  }
0x2c: {  	s7 =	sld [smem:$0x3FB6]  }
0x2d: {  	s3 =	simm.s32 $0x108;
	s8 =	sld [smem:$0x3FB7]  }
0x2e: {  	s3 =	simm.s32 @!p0 $0x1082;
	s9 =	sld [smem:$0x3FB8]  }
0x2f: {  	lr =	sadd.s32 s0, s3;
	s0 =	sld [smem:$0x3FAF]  }
0x30: {  	s3 =	sld [smem:$0x3FB2]  }
0x31: {  	[smem:$0x3FBB] =	sst s10  }
0x32: {  	s10 =	sld [smem:$0x3FB9];
	_ =	sdelay $0x3  }
0x33: {  	p0 =	seq.s32 s10, $0x1;
	s10 =	sld [smem:$0x3FBB];
	_ =	sdelay $0x3  }
0x34: {  	[smem:$0x3FBB] =	sst s10  }
0x35: {  	s10 =	sld [smem:$0x3FBA];
	_ =	sdelay $0x3  }
0x36: {  	p1 =	seq.s32 s10, $0x1;
	s10 =	sld [smem:$0x3FBB];
	_ =	sdelay $0x3  }
0x37: {  	[smem:$0x3FBB] =	sst s10  }
0x38: {  	s10 =	sld [smem:$0x3FBC]  }
0x39: {  	_ = 	snop;
	(pc) =	sbr.ind lr, $3  }
0x3a: {  	_ = 	snop  }
0x3b: {  	_ = 	snop  }
0x3c: {  	p2 =	seq.s32 s10, $0x1;
	s10 =	sld [smem:$0x3FBB]  }
0x3d: {  	_ =	shalt  }
0x3e: {  	_ =	shalt  }
0x3f: {  	_ =	shalt  }
0x40: {  	_ =	shalt  }
0x41: {  	_ =	shalt  }
0x42: {  	_ =	shalt  }
0x43: {  	_ =	shalt  }
0x44: {  	_ =	shalt  }
0x45: {  	_ =	shalt  }
0x46: {  	_ =	shalt  }
0x47: {  	_ =	shalt  }
0x48: {  	_ =	shalt  }
0x49: {  	_ =	shalt  }
0x4a: {  	_ =	shalt  }
0x4b: {  	_ =	shalt  }
0x4c: {  	_ =	shalt  }
0x4d: {  	_ =	shalt  }
0x4e: {  	_ =	shalt  }
0x4f: {  	_ =	shalt  }
0x50: {  	_ =	shalt  }
0x51: {  	_ =	shalt  }
0x52: {  	_ =	shalt  }
0x53: {  	_ =	shalt  }
0x54: {  	_ =	shalt  }
0x55: {  	_ =	shalt  }
0x56: {  	_ =	shalt  }
0x57: {  	_ =	shalt  }
0x58: {  	_ =	shalt  }
0x59: {  	_ =	shalt  }
0x5a: {  	_ =	shalt  }
0x5b: {  	_ =	shalt  }
0x5c: {  	_ =	shalt  }
0x5d: {  	_ =	shalt  }
0x5e: {  	_ =	shalt  }
0x5f: {  	_ =	shalt  }
0x60: {  	_ =	shalt  }
0x61: {  	_ =	shalt  }
0x62: {  	_ =	shalt  }
0x63: {  	_ =	shalt  }
0x64: {  	_ =	shalt  }
0x65: {  	_ =	shalt  }
0x66: {  	_ =	shalt  }
0x67: {  	_ =	shalt  }
0x68: {  	_ =	shalt  }
0x69: {  	_ =	shalt  }
0x6a: {  	_ =	shalt  }
0x6b: {  	_ =	shalt  }
0x6c: {  	_ =	shalt  }
0x6d: {  	_ =	shalt  }
0x6e: {  	_ =	shalt  }
0x6f: {  	_ =	shalt  }
0x70: {  	_ =	shalt  }
0x71: {  	_ =	shalt  }
0x72: {  	_ =	shalt  }
0x73: {  	_ =	shalt  }
0x74: {  	_ =	shalt  }
0x75: {  	_ =	shalt  }
0x76: {  	_ =	shalt  }
0x77: {  	_ =	shalt  }
0x78: {  	_ =	shalt  }
0x79: {  	_ =	shalt  }
0x7a: {  	_ =	shalt  }
0x7b: {  	_ =	shalt  }
0x7c: {  	_ =	shalt  }
0x7d: {  	_ =	shalt  }
0x7e: {  	_ =	shalt  }
0x7f: {  	_ =	shalt  }
0x80: {  	_ =	shalt  }
0x81: {  	_ =	shalt  }
0x82: {  	_ =	shalt  }
0x83: {  	_ =	shalt  }
0x84: {  	_ =	shalt  }
0x85: {  	_ =	shalt  }
0x86: {  	_ =	shalt  }
0x87: {  	_ =	shalt  }
.Lfunc_end0:
.L_simem_size_0:
called_computation_lowered:
.L_overlay_start_0:
0x88: {  	s2 =	sld [smem:$0x3FD9]  }
0x89: {  	s3 =	sld [smem:$0x3FFE];
	_ =	sdelay $0x1  }
0x8a: {  	s1 =	srdreg.scid  }
0x8b: {  	s0 =	sand.u32 $0x1, s1  }
0x8c: {  	s18 =	sshll.u32 s0, $0xA;
	s2 =	sadd.s32 s3, s2  }
0x8d: {  	s2 =	sadd.s32 s2, s18  }
0x8e: {  	[smem:$0x3FC7] =	sst s2  }
0x8f: {  	_ = 	snop  }
0x90: {  	s2 =	sld [smem:$0x3FC9]  }
0x91: {  	s19 =	sld [smem:$0x3FD0];
	(tm) =	ssettm $0x1  }
0x92: {  	s4 =	sld [smem:$0x3FFB];
	_ =	sdelay $0x3  }
0x93: {  	_ =	strace s4  }
0x94: {  	s4 =	sld [smem:$0x3FFC];
	_ =	sdelay $0x3  }
0x95: {  	_ =	strace s4  }
0x96: {  	s4 =	sld [smem:$0x3FFD];
	_ =	sdelay $0x3  }
0x97: {  	_ =	strace s4  }
0x98: {  	_ =	strace $0x8FFFFFFF  }
0x99: {  	s20 =	sld [smem:$0x3FDB];
	_ =	sdelay $0x1  }
0x9a: {  	s5 =	simm.s32 $_scs_section_size  }
0x9b: {  	s6 =	simm.s32 $_size__tile_overlayer_lowered;
	s7 =	simm.s32 $_tile_overlayer_lowered  }
0x9c: {  	s23 =	simm.s32 $0x1BFF;
	s22 =	sshll.u32 s7, $0x1;
	s4 =	sadd.s32 s5, s20  }
0x9d: {  	s8 =	simm.s32 $0x0;
	s21 =	sshll.u32 s6, $0x1;
	s6 =	sadd.s32 s22, s4  }
0x9e: {  	[timem:s8], [sflag:s23] =	dma.local [hbm:s6], s21  }
0x9f: {  	_ =	swait.ge [sflag:s23], s21  }
0xa0: {  	s5 =	ssub.s32 $0x0, s21;
	[sflag:s23] =	ssyncset.done $0x0  }
0xa1: {  	[sflag:s23] =	ssyncadd.s32 s5;
	_ =	sdelay $0x1  }
0xa2: {  	s24 =	simm.s32 $0x1B8B  }
0xa3: {  	_ =	swait.ge [sflag:s24], $0x1  }
0xa4: {  	[sflag:s24] =	ssyncset.done $0x0  }
0xa5: {  	s25 =	simm.s32 $0x1B8E;
	[sflag:s24] =	ssyncadd.s32 $0xFFFFFFFF  }
0xa6: {  	s26 =	simm.s32 $execute0_lowered;
	[smem:$0x3FD2] =	sst s25  }
0xa7: {  	s5 =	sshll.u32 s26, $0x1;
	_ =	strace $0x80000046;
	[dreg:$0x1] =	wrdreg $0xFFFFFFFF  }
0xa8: {  	s28 =	simm.s32 $_size_execute0_lowered;
	s4 =	sadd.s32 s4, s5;
	[dreg:$0x0] =	wrdreg $0x0  }
0xa9: {  	s5 =	sshll.u32 s28, $0x1;
	[dreg:$0x2] =	wrdreg s4  }
0xaa: {  	[dreg:$0x3] =	wrdreg s5  }
0xab: {  	[dreg:$0x4] =	wrdreg $0xC0  }
0xac: {  	_ =	task [dreg:s8], $0x5FFFF  }
0xad: {  	[dreg:$0x1] =	wrdreg $0xFFFFFFFF  }
0xae: {  	[dreg:$0x0] =	wrdreg $0x60  }
0xaf: {  	[dreg:$0x2] =	wrdreg s2  }
0xb0: {  	[dreg:$0x3] =	wrdreg s19  }
0xb1: {  	[dreg:$0x4] =	wrdreg $0x9  }
0xb2: {  	_ =	task.clear_ibuf [dreg:s8], $0x5FFFF;
	_ =	strace $0x90000046  }
0xb3: {  	s29 =	simm.s32 $0x9;
	_ =	strace $0x80000048  }
0xb4: {  	_ =	swait.ge [sflag:s29], $0x1  }
0xb5: {  	[sflag:s29] =	ssyncadd.s32 $0xFFFFFFFF  }
0xb6: {  	_ =	strace $0x90000048  }
0xb7: {  	_ =	sfence  }
0xb8: {  	s30 =	sld [smem:$0x0];
	_ =	sdelay $0x2  }
0xb9: {  	s31 =	sshll.u32 s1, $0xD;
	s1 =	sshrl.u32 s1, $0x2  }
0xba: {  	s3 =	sand.u32 $0x4000, s31;
	s1 =	sadd.s32 s1, s30  }
0xbb: {  	s0 =	sor.u32 s3, s0;
	s1 =	sshll.u32 s1, $0x11  }
0xbc: {  	s0 =	sor.u32 s1, s0  }
0xbd: {  	s0 =	sadd.s32 $0x8F2B, s0  }
0xbe: {  	[sflag:s0] =	ssyncadd.remote.s32 $0x1  }
0xbf: {  	_ =	sfence.sel $0xFFFF  }
0xc0: {  	[dreg:$0x0] =	wrdreg $0xFFFFFFFF;
	(pc) =	sbr.abs _section_cstart, $3  }
0xc1: {  	[dreg:$0x1] =	wrdreg $0xFFFFFFFF  }
0xc2: {  	_ =	task.clear_ibuf [dreg:s8], $0x2FFFF;
	_ =	strace $0x9FFFFFFF  }
0xc3: {  	(tm) =	ssettm $0x7FFFFFFF  }
tec
execute0_lowered:
.L_overlay_start_1:
0x0: {  	(tag) =	ssettag $0x1  }
0x1: {  	v0 =	vlaneseq.u32  }
0x2: {  	v0 =	vmul.u32 $0x80, v0;
	_ =	sdelay $0x1  }
0x3: {  	v2 =	vor.u32 $0x7A, v0  }
0x4: {  	[tilespmem:$0x1FC10] =	vst v2;
	v2 =	vor.u32 $0x1, v0  }
0x5: {  	[tilespmem:$0x1FC20] =	vst v2;
	v2 =	vor.u32 $0x76, v0  }
0x6: {  	[tilespmem:$0x1FC30] =	vst v2;
	v2 =	vor.u32 $0x2, v0  }
0x7: {  	[tilespmem:$0x1FC40] =	vst v2;
	v2 =	vor.u32 $0x7B, v0  }
0x8: {  	[tilespmem:$0x1FC50] =	vst v2;
	v2 =	vor.u32 $0x3, v0  }
0x9: {  	[tilespmem:$0x1FC60] =	vst v2;
	v2 =	vor.u32 $0x7F, v0  }
0xa: {  	[tilespmem:$0x1FC70] =	vst v2;
	v2 =	vor.u32 $0x4, v0  }
0xb: {  	[tilespmem:$0x1FC80] =	vst v2;
	v2 =	vor.u32 $0x87A, v0  }
0xc: {  	[tilespmem:$0x1FC90] =	vst v2;
	v2 =	vor.u32 $0x801, v0  }
0xd: {  	[tilespmem:$0x1FCA0] =	vst v2;
	v2 =	vor.u32 $0x876, v0  }
0xe: {  	[tilespmem:$0x1FCB0] =	vst v2;
	v2 =	vor.u32 $0x802, v0  }
0xf: {  	[tilespmem:$0x1FCC0] =	vst v2;
	v2 =	vor.u32 $0x87B, v0  }
0x10: {  	[tilespmem:$0x1FCD0] =	vst v2;
	v2 =	vor.u32 $0x803, v0  }
0x11: {  	[tilespmem:$0x1FCE0] =	vst v2;
	v2 =	vor.u32 $0x87F, v0  }
0x12: {  	[tilespmem:$0x1FCF0] =	vst v2;
	v2 =	vor.u32 $0x804, v0  }
0x13: {  	[tilespmem:$0x1FD00] =	vst v2;
	v2 =	vor.u32 $0x107A, v0  }
0x14: {  	[tilespmem:$0x1FD10] =	vst v2;
	v2 =	vor.u32 $0x1001, v0  }
0x15: {  	[tilespmem:$0x1FD20] =	vst v2;
	v2 =	vor.u32 $0x1076, v0  }
0x16: {  	[tilespmem:$0x1FD30] =	vst v2;
	v2 =	vor.u32 $0x1002, v0  }
0x17: {  	[tilespmem:$0x1FD40] =	vst v2;
	v2 =	vor.u32 $0x107B, v0  }
0x18: {  	[tilespmem:$0x1FD50] =	vst v2;
	v2 =	vor.u32 $0x1003, v0  }
0x19: {  	[tilespmem:$0x1FD60] =	vst v2;
	v2 =	vor.u32 $0x107F, v0  }
0x1a: {  	[tilespmem:$0x1FD70] =	vst v2;
	v2 =	vor.u32 $0x1004, v0  }
0x1b: {  	s3 =	rddreg [dreg:$0x0];
	[tilespmem:$0x1FD80] =	vst v2;
	v2 =	vor.u32 $0x187A, v0  }
0x1c: {  	s10 =	rddreg [dreg:$0x1];
	s1 =	simm.s32 $0x0;
	[tilespmem:$0x1FD90] =	vst v2;
	v2 =	vor.u32 $0x1801, v0  }
0x1d: {  	[smem:$0x7FF] =	sst s1;
	[tilespmem:$0x1FDA0] =	vst v2;
	v2 =	vor.u32 $0x1876, v0  }
0x1e: {  	s0 =	rddreg [dreg:$0x2];
	_ =	strace $0x80000047;
	[tilespmem:$0x1FDB0] =	vst v2  }
0x1f: {  	v2 =	vor.u32 $0x1802, v0;
	[tilespmem:$0x1FFE0] =	vst v0  }
0x20: {  	[tilespmem:$0x1FDC0] =	vst v2;
	v2 =	vor.u32 $0x187B, v0  }
0x21: {  	[tilespmem:$0x1FDD0] =	vst v2;
	v2 =	vor.u32 $0x1803, v0  }
0x22: {  	[tilespmem:$0x1FDE0] =	vst v2;
	v2 =	vor.u32 $0x187F, v0  }
0x23: {  	[tilespmem:$0x1FDF0] =	vst v2;
	v2 =	vor.u32 $0x1804, v0  }
0x24: {  	[tilespmem:$0x1FE00] =	vst v2;
	v2 =	vor.u32 $0x207A, v0  }
0x25: {  	[tilespmem:$0x1FE10] =	vst v2;
	v2 =	vor.u32 $0x2001, v0  }
0x26: {  	[tilespmem:$0x1FE20] =	vst v2;
	v2 =	vor.u32 $0x2076, v0  }
0x27: {  	[tilespmem:$0x1FE30] =	vst v2;
	v2 =	vor.u32 $0x2002, v0  }
0x28: {  	[tilespmem:$0x1FE40] =	vst v2;
	v2 =	vor.u32 $0x207B, v0  }
0x29: {  	[tilespmem:$0x1FE50] =	vst v2;
	v2 =	vor.u32 $0x2003, v0  }
0x2a: {  	[tilespmem:$0x1FE60] =	vst v2;
	v2 =	vor.u32 $0x207F, v0  }
0x2b: {  	[tilespmem:$0x1FE70] =	vst v2;
	v2 =	vor.u32 $0x2004, v0  }
0x2c: {  	[tilespmem:$0x1FE80] =	vst v2;
	v2 =	vor.u32 $0x287A, v0  }
0x2d: {  	[tilespmem:$0x1FE90] =	vst v2;
	v2 =	vor.u32 $0x2801, v0  }
0x2e: {  	[tilespmem:$0x1FEA0] =	vst v2;
	v2 =	vor.u32 $0x2876, v0  }
0x2f: {  	[tilespmem:$0x1FEB0] =	vst v2;
	v2 =	vor.u32 $0x2802, v0  }
0x30: {  	[tilespmem:$0x1FEC0] =	vst v2;
	v2 =	vor.u32 $0x287B, v0  }
0x31: {  	[tilespmem:$0x1FED0] =	vst v2;
	v2 =	vor.u32 $0x2803, v0  }
0x32: {  	[tilespmem:$0x1FEE0] =	vst v2;
	v2 =	vor.u32 $0x287F, v0  }
0x33: {  	[tilespmem:$0x1FEF0] =	vst v2;
	v2 =	vor.u32 $0x2804, v0  }
0x34: {  	[tilespmem:$0x1FF00] =	vst v2;
	v2 =	vor.u32 $0x307A, v0  }
0x35: {  	s4 =	srdreg.scid;
	s2 =	stileid.u32;
	[tilespmem:$0x1FF10] =	vst v2;
	v2 =	vor.u32 $0x3001, v0  }
0x36: {  	s14 =	simm.s32 $0x4000;
	s15 =	simm.s32 $0x1;
	s16 =	simm.s32 $0x8000;
	[tilespmem:$0x1FF20] =	vst v2;
	v2 =	vor.u32 $0x3076, v0  }
0x37: {  	s17 =	simm.s32 $0x2;
	s18 =	simm.s32 $0xC000;
	s19 =	simm.s32 $0x3;
	[tilespmem:$0x1FF30] =	vst v2;
	v2 =	vor.u32 $0x3002, v0  }
0x38: {  	s20 =	simm.s32 $0x4;
	s21 =	simm.s32 $0x0;
	s4 =	sand.u32 $0x1, s4;
	[tilespmem:$0x1FF40] =	vst v2;
	v2 =	vor.u32 $0x307B, v0  }
0x39: {  	s6 =	sshll.u32 s2, $0xA;
	s5 =	ssub.s32 $0x2, s4;
	s4 =	sshll.u32 s4, $0x9;
	[tilespmem:$0x1FF50] =	vst v2;
	v2 =	vor.u32 $0x3003, v0  }
0x3a: {  	s8 =	sadd.s32 $0x80, s3;
	s7 =	sshrl.u32 s5, $0x1;
	s4 =	sor.u32 s4, s6;
	[tilespmem:$0x1FF60] =	vst v2;
	v2 =	vor.u32 $0x307F, v0  }
0x3b: {  	s6 =	sshll.u32 s4, $0x5;
	s9 =	sshrl.u32 s4, $0x3;
	s11 =	ssub.s32 s5, s7;
	[tilespmem:$0x1FF70] =	vst v2;
	v2 =	vor.u32 $0x3004, v0  }
0x3c: {  	s29 =	sshll.u32 s4, $0x4;
	s3 =	sadd.s32 s6, s8;
	s26 =	sor.u32 $0x10, s9;
	[tilespmem:$0x1FF80] =	vst v2;
	v2 =	vor.u32 $0x387A, v0  }
0x3d: {  	s12 =	sor.u32 $0x20, s9;
	s5 =	sadd.s32 s10, s29;
	s13 =	sor.u32 $0x30, s9;
	[tilespmem:$0x1FF90] =	vst v2;
	v2 =	vor.u32 $0x3801, v0  }
0x3e: {  	s11 =	smax.u32 s11, $0x1;
	s28 =	sshll.u32 s26, $0x8;
	s30 =	sshll.u32 s12, $0x8;
	[tilespmem:$0x1FFA0] =	vst v2;
	v2 =	vor.u32 $0x3876, v0  }
0x3f: {  	s7 =	sshll.u32 s26, $0x7;
	s9 =	sshll.u32 s13, $0x8;
	s12 =	sshll.u32 s12, $0x7;
	[tilespmem:$0x1FFB0] =	vst v2;
	v2 =	vor.u32 $0x3802, v0  }
0x40: {  	s31 =	sshll.u32 s13, $0x7;
	s13 =	simm.s32 $0x800;
	s4 =	sadd.s32 s28, s8;
	[tilespmem:$0x1FFC0] =	vst v2;
	v2 =	vor.u32 $0x387B, v0  }
0x41: {  	s6 =	sadd.s32 s30, s8;
	s7 =	sadd.s32 s10, s7;
	s8 =	sadd.s32 s9, s8;
	v0 =	vor.u32 $0x3803, v0;
	[tilespmem:$0x1FFD0] =	vst v2  }
0x42: {  	v1 =	vimm.f32 $1.000000000e+00;
	s9 =	sadd.s32 s10, s12;
	s10 =	sadd.s32 s10, s31;
	s12 =	simm.s32 $0x400;
	[tilespmem:$0x1FFF0] =	vst v0  }
.LBB2_1:
0x43: {  	[tilespmem:s1], [sflag:$0x1] =	stream.strided.gather [hbm4b:s3+s12], $0x4000, s13, s12, $0x38;
	[tilespmem:$0x10000] =	vst v63  }
0x44: {  	s22 =	simm.s32 $0x0;
	s23 =	simm.s32 $0x200  }
0x45: {  	[tilespmem:s14], [sflag:$0x2] =	stream.strided.gather [hbm4b:s4+s12], $0x4000, s13, s12, $0x38;
	[tilespmem:$0x10000] =	vst v63  }
.LBB2_2:
0x46: {  	p0 =	sne.s32 s23, $0xFE00;
	[tilespmem:s22+$0xC070] =	vst v1  }
0x47: {  	[tilespmem:s22+$0x8000] =	vst v1  }
0x48: {  	[tilespmem:s22+$0xC000] =	vst v1  }
0x49: {  	[tilespmem:s22+$0x8010] =	vst v1  }
0x4a: {  	[tilespmem:s22+$0xC010] =	vst v1  }
0x4b: {  	[tilespmem:s22+$0x8020] =	vst v1  }
0x4c: {  	[tilespmem:s22+$0xC020] =	vst v1  }
0x4d: {  	[tilespmem:s22+$0x8030] =	vst v1  }
0x4e: {  	[tilespmem:s22+$0xC030] =	vst v1  }
0x4f: {  	[tilespmem:s22+$0x8040] =	vst v1  }
0x50: {  	[tilespmem:s22+$0xC040] =	vst v1  }
.Ltmp0:
0x51: {  	[tilespmem:s22+$0x8050] =	vst v1;
	(pc) =	sbr.rel @p0 .LBB2_2-.Ltmp0, $4  }
0x52: {  	[tilespmem:s22+$0xC050] =	vst v1  }
0x53: {  	[tilespmem:s22+$0x8060] =	vst v1  }
0x54: {  	[tilespmem:s22+$0xC060] =	vst v1  }
0x55: {  	[tilespmem:s22+$0x8070] =	vst v1;
	s22 =	sshra.s32 s23, $0x2;
	s23 =	sadd.s32 $0x200, s23  }
0x56: {  	[tilespmem:s22+$0xC070] =	vst v1  }
0x57: {  	[tilespmem:s22+$0x8000] =	vst v1  }
0x58: {  	[tilespmem:s22+$0xC000] =	vst v1  }
0x59: {  	[tilespmem:s22+$0x8010] =	vst v1  }
0x5a: {  	[tilespmem:s22+$0xC010] =	vst v1  }
0x5b: {  	[tilespmem:s22+$0x8020] =	vst v1  }
0x5c: {  	[tilespmem:s22+$0xC020] =	vst v1  }
0x5d: {  	[tilespmem:s22+$0x8030] =	vst v1  }
0x5e: {  	[tilespmem:s22+$0xC030] =	vst v1  }
0x5f: {  	[tilespmem:s22+$0x8040] =	vst v1  }
0x60: {  	[tilespmem:s22+$0xC040] =	vst v1  }
0x61: {  	[tilespmem:s22+$0x8050] =	vst v1  }
0x62: {  	[tilespmem:s22+$0xC050] =	vst v1  }
0x63: {  	[tilespmem:s22+$0x8060] =	vst v1  }
0x64: {  	[tilespmem:s22+$0xC060] =	vst v1  }
0x65: {  	[tilespmem:s22+$0x8070] =	vst v1  }
0x66: {  	_ =	swait.ge [sflag:s15], $0x4000  }
0x67: {  	v5 =	vld [tilespmem:$0x1FC10];
	_ =	sdelay $0x5  }
0x68: {  	[sflag:s15] =	ssyncset.done $0x0;
	v7 =	vld [tilespmem:$0x1FC20]  }
0x69: {  	v6 =	vld [tilespmem:$0x1FC30];
	[sflag:s15] =	ssyncadd.s32 $0xFFFFC000  }
0x6a: {  	v0 =	vld.idx.msk [tilespmem:v5+s1+$0x0], $0xffff;
	_ =	sdelay $0x4  }
0x6b: {  	vm0 =	veq.f32 v0, $1.000000000e+00  }
0x6c: {  	v8 =	vld [tilespmem:$0x1FC40];
	v0 =	vsel vm0, $0xCE6E6B28, v1  }
0x6d: {  	v9 =	vld [tilespmem:$0x1FC50];
	[tilespmem:v7+s16+$0x0] =	vst.idx.msk $0xffff, v0  }
0x6e: {  	v0 =	vld.idx.msk [tilespmem:v6+s1+$0x0], $0xffff;
	_ =	sdelay $0x4  }
0x6f: {  	vm9 =	veq.f32 v0, $1.000000000e+00  }
0x70: {  	v10 =	vld [tilespmem:$0x1FC60];
	v0 =	vsel vm9, $0xCE6E6B28, v1  }
0x71: {  	v11 =	vld [tilespmem:$0x1FC70];
	[tilespmem:v8+s16+$0x0] =	vst.idx.msk $0xffff, v0  }
0x72: {  	v0 =	vld.idx.msk [tilespmem:v9+s1+$0x0], $0xffff;
	_ =	sdelay $0x4  }
0x73: {  	vm10 =	veq.f32 v0, $1.000000000e+00  }
0x74: {  	v12 =	vld [tilespmem:$0x1FC80];
	v0 =	vsel vm10, $0xCE6E6B28, v1  }
0x75: {  	v13 =	vld [tilespmem:$0x1FC90];
	[tilespmem:v10+s16+$0x0] =	vst.idx.msk $0xffff, v0  }
0x76: {  	v0 =	vld.idx.msk [tilespmem:v11+s1+$0x0], $0xffff;
	_ =	sdelay $0x4  }
0x77: {  	vm11 =	veq.f32 v0, $1.000000000e+00  }
0x78: {  	v14 =	vld [tilespmem:$0x1FCA0];
	v0 =	vsel vm11, $0xCE6E6B28, v1  }
0x79: {  	v15 =	vld [tilespmem:$0x1FCB0];
	[tilespmem:v12+s16+$0x0] =	vst.idx.msk $0xffff, v0  }
0x7a: {  	v0 =	vld.idx.msk [tilespmem:v13+s1+$0x0], $0xffff;
	_ =	sdelay $0x4  }
0x7b: {  	vm12 =	veq.f32 v0, $1.000000000e+00  }
0x7c: {  	v16 =	vld [tilespmem:$0x1FCC0];
	v0 =	vsel vm12, $0xCE6E6B28, v1  }
0x7d: {  	v17 =	vld [tilespmem:$0x1FCD0];
	[tilespmem:v14+s16+$0x0] =	vst.idx.msk $0xffff, v0  }
0x7e: {  	v0 =	vld.idx.msk [tilespmem:v15+s1+$0x0], $0xffff;
	_ =	sdelay $0x4  }
0x7f: {  	vm13 =	veq.f32 v0, $1.000000000e+00  }
0x80: {  	v18 =	vld [tilespmem:$0x1FCE0];
	v0 =	vsel vm13, $0xCE6E6B28, v1  }
0x81: {  	v19 =	vld [tilespmem:$0x1FCF0];
	[tilespmem:v16+s16+$0x0] =	vst.idx.msk $0xffff, v0  }
0x82: {  	v0 =	vld.idx.msk [tilespmem:v17+s1+$0x0], $0xffff;
	_ =	sdelay $0x4  }
0x83: {  	vm14 =	veq.f32 v0, $1.000000000e+00  }
0x84: {  	v20 =	vld [tilespmem:$0x1FD00];
	v0 =	vsel vm14, $0xCE6E6B28, v1  }
0x85: {  	v21 =	vld [tilespmem:$0x1FD10];
	[tilespmem:v18+s16+$0x0] =	vst.idx.msk $0xffff, v0  }
0x86: {  	v0 =	vld.idx.msk [tilespmem:v19+s1+$0x0], $0xffff;
	_ =	sdelay $0x4  }
0x87: {  	vm15 =	veq.f32 v0, $1.000000000e+00  }
0x88: {  	v22 =	vld [tilespmem:$0x1FD20];
	v0 =	vsel vm15, $0xCE6E6B28, v1  }
0x89: {  	v23 =	vld [tilespmem:$0x1FD30];
	[tilespmem:v20+s16+$0x0] =	vst.idx.msk $0xffff, v0  }
0x8a: {  	v0 =	vld.idx.msk [tilespmem:v21+s1+$0x0], $0xffff;
	_ =	sdelay $0x4  }
0x8b: {  	vm4 =	veq.f32 v0, $1.000000000e+00  }
0x8c: {  	v24 =	vld [tilespmem:$0x1FD40];
	v0 =	vsel vm4, $0xCE6E6B28, v1  }
0x8d: {  	v25 =	vld [tilespmem:$0x1FD50];
	[tilespmem:v22+s16+$0x0] =	vst.idx.msk $0xffff, v0  }
0x8e: {  	v0 =	vld.idx.msk [tilespmem:v23+s1+$0x0], $0xffff;
	_ =	sdelay $0x4  }
0x8f: {  	vm5 =	veq.f32 v0, $1.000000000e+00  }
0x90: {  	v26 =	vld [tilespmem:$0x1FD60];
	v0 =	vsel vm5, $0xCE6E6B28, v1  }
0x91: {  	v27 =	vld [tilespmem:$0x1FD70];
	[tilespmem:v24+s16+$0x0] =	vst.idx.msk $0xffff, v0  }
0x92: {  	v0 =	vld.idx.msk [tilespmem:v25+s1+$0x0], $0xffff;
	_ =	sdelay $0x4  }
0x93: {  	vm6 =	veq.f32 v0, $1.000000000e+00  }
0x94: {  	v28 =	vld [tilespmem:$0x1FD80];
	v0 =	vsel vm6, $0xCE6E6B28, v1  }
0x95: {  	v29 =	vld [tilespmem:$0x1FD90];
	[tilespmem:v26+s16+$0x0] =	vst.idx.msk $0xffff, v0  }
0x96: {  	v0 =	vld.idx.msk [tilespmem:v27+s1+$0x0], $0xffff;
	_ =	sdelay $0x4  }
0x97: {  	vm7 =	veq.f32 v0, $1.000000000e+00  }
0x98: {  	v30 =	vld [tilespmem:$0x1FDA0];
	v0 =	vsel vm7, $0xCE6E6B28, v1  }
0x99: {  	v31 =	vld [tilespmem:$0x1FDB0];
	[tilespmem:v28+s16+$0x0] =	vst.idx.msk $0xffff, v0  }
0x9a: {  	v0 =	vld.idx.msk [tilespmem:v29+s1+$0x0], $0xffff;
	_ =	sdelay $0x4  }
0x9b: {  	vm8 =	veq.f32 v0, $1.000000000e+00  }
0x9c: {  	v32 =	vld [tilespmem:$0x1FDC0];
	v0 =	vsel vm8, $0xCE6E6B28, v1  }
0x9d: {  	v33 =	vld [tilespmem:$0x1FDD0];
	[tilespmem:v30+s16+$0x0] =	vst.idx.msk $0xffff, v0  }
0x9e: {  	v0 =	vld.idx.msk [tilespmem:v31+s1+$0x0], $0xffff;
	_ =	sdelay $0x4  }
0x9f: {  	vm9 =	veq.f32 v0, $1.000000000e+00  }
0xa0: {  	v34 =	vld [tilespmem:$0x1FDE0];
	v0 =	vsel vm9, $0xCE6E6B28, v1  }
0xa1: {  	v35 =	vld [tilespmem:$0x1FDF0];
	[tilespmem:v32+s16+$0x0] =	vst.idx.msk $0xffff, v0  }
0xa2: {  	v0 =	vld.idx.msk [tilespmem:v33+s1+$0x0], $0xffff;
	_ =	sdelay $0x4  }
0xa3: {  	vm10 =	veq.f32 v0, $1.000000000e+00  }
0xa4: {  	v36 =	vld [tilespmem:$0x1FE00];
	v0 =	vsel vm10, $0xCE6E6B28, v1  }
0xa5: {  	v37 =	vld [tilespmem:$0x1FE10];
	[tilespmem:v34+s16+$0x0] =	vst.idx.msk $0xffff, v0  }
0xa6: {  	v0 =	vld.idx.msk [tilespmem:v35+s1+$0x0], $0xffff;
	_ =	sdelay $0x4  }
0xa7: {  	vm11 =	veq.f32 v0, $1.000000000e+00  }
0xa8: {  	v38 =	vld [tilespmem:$0x1FE20];
	v0 =	vsel vm11, $0xCE6E6B28, v1  }
0xa9: {  	v39 =	vld [tilespmem:$0x1FE30];
	[tilespmem:v36+s16+$0x0] =	vst.idx.msk $0xffff, v0  }
0xaa: {  	v0 =	vld.idx.msk [tilespmem:v37+s1+$0x0], $0xffff;
	_ =	sdelay $0x4  }
0xab: {  	vm12 =	veq.f32 v0, $1.000000000e+00  }
0xac: {  	v40 =	vld [tilespmem:$0x1FE40];
	v0 =	vsel vm12, $0xCE6E6B28, v1  }
0xad: {  	v41 =	vld [tilespmem:$0x1FE50];
	[tilespmem:v38+s16+$0x0] =	vst.idx.msk $0xffff, v0  }
0xae: {  	v0 =	vld.idx.msk [tilespmem:v39+s1+$0x0], $0xffff;
	_ =	sdelay $0x4  }
0xaf: {  	vm13 =	veq.f32 v0, $1.000000000e+00  }
0xb0: {  	v42 =	vld [tilespmem:$0x1FE60];
	v0 =	vsel vm13, $0xCE6E6B28, v1  }
0xb1: {  	v43 =	vld [tilespmem:$0x1FE70];
	[tilespmem:v40+s16+$0x0] =	vst.idx.msk $0xffff, v0  }
0xb2: {  	v0 =	vld.idx.msk [tilespmem:v41+s1+$0x0], $0xffff;
	_ =	sdelay $0x4  }
0xb3: {  	vm14 =	veq.f32 v0, $1.000000000e+00  }
0xb4: {  	v44 =	vld [tilespmem:$0x1FE80];
	v0 =	vsel vm14, $0xCE6E6B28, v1  }
0xb5: {  	v45 =	vld [tilespmem:$0x1FE90];
	[tilespmem:v42+s16+$0x0] =	vst.idx.msk $0xffff, v0  }
0xb6: {  	v0 =	vld.idx.msk [tilespmem:v43+s1+$0x0], $0xffff;
	_ =	sdelay $0x4  }
0xb7: {  	vm15 =	veq.f32 v0, $1.000000000e+00  }
0xb8: {  	v46 =	vld [tilespmem:$0x1FEA0];
	v0 =	vsel vm15, $0xCE6E6B28, v1  }
0xb9: {  	v47 =	vld [tilespmem:$0x1FEB0];
	[tilespmem:v44+s16+$0x0] =	vst.idx.msk $0xffff, v0  }
0xba: {  	v0 =	vld.idx.msk [tilespmem:v45+s1+$0x0], $0xffff;
	_ =	sdelay $0x4  }
0xbb: {  	vm4 =	veq.f32 v0, $1.000000000e+00  }
0xbc: {  	v48 =	vld [tilespmem:$0x1FEC0];
	v0 =	vsel vm4, $0xCE6E6B28, v1  }
0xbd: {  	v49 =	vld [tilespmem:$0x1FED0];
	[tilespmem:v46+s16+$0x0] =	vst.idx.msk $0xffff, v0  }
0xbe: {  	v0 =	vld.idx.msk [tilespmem:v47+s1+$0x0], $0xffff;
	_ =	sdelay $0x4  }
0xbf: {  	vm5 =	veq.f32 v0, $1.000000000e+00  }
0xc0: {  	v50 =	vld [tilespmem:$0x1FEE0];
	v0 =	vsel vm5, $0xCE6E6B28, v1  }
0xc1: {  	v51 =	vld [tilespmem:$0x1FEF0];
	[tilespmem:v48+s16+$0x0] =	vst.idx.msk $0xffff, v0  }
0xc2: {  	v0 =	vld.idx.msk [tilespmem:v49+s1+$0x0], $0xffff;
	_ =	sdelay $0x4  }
0xc3: {  	vm6 =	veq.f32 v0, $1.000000000e+00  }
0xc4: {  	v52 =	vld [tilespmem:$0x1FF00];
	v0 =	vsel vm6, $0xCE6E6B28, v1  }
0xc5: {  	v53 =	vld [tilespmem:$0x1FF10];
	[tilespmem:v50+s16+$0x0] =	vst.idx.msk $0xffff, v0  }
0xc6: {  	v0 =	vld.idx.msk [tilespmem:v51+s1+$0x0], $0xffff;
	_ =	sdelay $0x4  }
0xc7: {  	vm7 =	veq.f32 v0, $1.000000000e+00  }
0xc8: {  	v54 =	vld [tilespmem:$0x1FF20];
	v0 =	vsel vm7, $0xCE6E6B28, v1  }
0xc9: {  	v55 =	vld [tilespmem:$0x1FF30];
	[tilespmem:v52+s16+$0x0] =	vst.idx.msk $0xffff, v0  }
0xca: {  	v0 =	vld.idx.msk [tilespmem:v53+s1+$0x0], $0xffff;
	_ =	sdelay $0x4  }
0xcb: {  	vm8 =	veq.f32 v0, $1.000000000e+00  }
0xcc: {  	v56 =	vld [tilespmem:$0x1FF40];
	v0 =	vsel vm8, $0xCE6E6B28, v1  }
0xcd: {  	v57 =	vld [tilespmem:$0x1FF50];
	[tilespmem:v54+s16+$0x0] =	vst.idx.msk $0xffff, v0  }
0xce: {  	v0 =	vld.idx.msk [tilespmem:v55+s1+$0x0], $0xffff;
	_ =	sdelay $0x4  }
0xcf: {  	vm9 =	veq.f32 v0, $1.000000000e+00  }
0xd0: {  	v58 =	vld [tilespmem:$0x1FF60];
	v0 =	vsel vm9, $0xCE6E6B28, v1  }
0xd1: {  	v59 =	vld [tilespmem:$0x1FF70];
	[tilespmem:v56+s16+$0x0] =	vst.idx.msk $0xffff, v0  }
0xd2: {  	v0 =	vld.idx.msk [tilespmem:v57+s1+$0x0], $0xffff;
	_ =	sdelay $0x4  }
0xd3: {  	vm10 =	veq.f32 v0, $1.000000000e+00  }
0xd4: {  	v60 =	vld [tilespmem:$0x1FF80];
	v0 =	vsel vm10, $0xCE6E6B28, v1  }
0xd5: {  	v61 =	vld [tilespmem:$0x1FF90];
	[tilespmem:v58+s16+$0x0] =	vst.idx.msk $0xffff, v0  }
0xd6: {  	v0 =	vld.idx.msk [tilespmem:v59+s1+$0x0], $0xffff;
	_ =	sdelay $0x4  }
0xd7: {  	vm11 =	veq.f32 v0, $1.000000000e+00  }
0xd8: {  	v62 =	vld [tilespmem:$0x1FFA0];
	v0 =	vsel vm11, $0xCE6E6B28, v1  }
0xd9: {  	v63 =	vld [tilespmem:$0x1FFB0];
	[tilespmem:v60+s16+$0x0] =	vst.idx.msk $0xffff, v0  }
0xda: {  	v0 =	vld.idx.msk [tilespmem:v61+s1+$0x0], $0xffff;
	_ =	sdelay $0x4  }
0xdb: {  	vm12 =	veq.f32 v0, $1.000000000e+00  }
0xdc: {  	v0 =	vsel vm12, $0xCE6E6B28, v1  }
0xdd: {  	v2 =	vld [tilespmem:$0x1FFC0];
	[tilespmem:v62+s16+$0x0] =	vst.idx.msk $0xffff, v0  }
0xde: {  	v0 =	vld.idx.msk [tilespmem:v63+s1+$0x0], $0xffff;
	_ =	sdelay $0x4  }
0xdf: {  	vm13 =	veq.f32 v0, $1.000000000e+00  }
0xe0: {  	v0 =	vsel vm13, $0xCE6E6B28, v1  }
0xe1: {  	[tilespmem:v2+s16+$0x0] =	vst.idx.msk $0xffff, v0;
	v0 =	vld [tilespmem:$0x1FFD0];
	_ =	sdelay $0x5  }
0xe2: {  	v4 =	vld [tilespmem:$0x1FFE0]  }
0xe3: {  	v3 =	vld [tilespmem:$0x1FFF0]  }
0xe4: {  	v2 =	vld.idx.msk [tilespmem:v0+s1+$0x0], $0xffff;
	_ =	sdelay $0x2  }
0xe5: {  	v0 =	vor.u32 $0x387F, v4;
	_ =	sdelay $0x1  }
0xe6: {  	vm14 =	veq.f32 v2, $1.000000000e+00  }
0xe7: {  	v2 =	vsel vm14, $0xCE6E6B28, v1  }
0xe8: {  	[tilespmem:v3+s16+$0x0] =	vst.idx.msk $0xffff, v2  }
0xe9: {  	v3 =	vld.idx.msk [tilespmem:v0+s1+$0x0], $0xffff;
	_ =	sdelay $0x1  }
0xea: {  	[tilespmem:$0x1FC00] =	vst v0;
	v0 =	vor.u32 $0x3804, v4;
	_ =	sdelay $0x2  }
0xeb: {  	vm15 =	veq.f32 v3, $1.000000000e+00  }
0xec: {  	v3 =	vsel vm15, $0xCE6E6B28, v1  }
0xed: {  	[tilespmem:v0+s16+$0x0] =	vst.idx.msk $0xffff, v3  }
0xee: {  	[hbm4b:s5+s1] =	stream.linear.scatter [tilespmem:s16], [sflag:$0x3], $0x4000, $0x38;
	[tilespmem:$0x10000] =	vst v63  }
0xef: {  	[tilespmem:$0x1FBF0] =	vst v0  }
0xf0: {  	[tilespmem:s1], [sflag:$0x1] =	stream.strided.gather [hbm4b:s6+s12], $0x4000, s13, s12, $0x38;
	[tilespmem:$0x10000] =	vst v63  }
0xf1: {  	_ =	swait.ge [sflag:s17], $0x4000  }
0xf2: {  	[sflag:s17] =	ssyncset.done $0x0  }
0xf3: {  	[sflag:s17] =	ssyncadd.s32 $0xFFFFC000  }
0xf4: {  	v3 =	vld.idx.msk [tilespmem:v5+s14+$0x0], $0xffff;
	_ =	sdelay $0x4  }
0xf5: {  	vm4 =	veq.f32 v3, $1.000000000e+00  }
0xf6: {  	v3 =	vsel vm4, $0xCE6E6B28, v1  }
0xf7: {  	[tilespmem:v7+s18+$0x0] =	vst.idx.msk $0xffff, v3  }
0xf8: {  	v3 =	vld.idx.msk [tilespmem:v6+s14+$0x0], $0xffff;
	_ =	sdelay $0x4  }
0xf9: {  	vm5 =	veq.f32 v3, $1.000000000e+00  }
0xfa: {  	v3 =	vsel vm5, $0xCE6E6B28, v1  }
0xfb: {  	[tilespmem:v8+s18+$0x0] =	vst.idx.msk $0xffff, v3  }
0xfc: {  	v3 =	vld.idx.msk [tilespmem:v9+s14+$0x0], $0xffff;
	_ =	sdelay $0x4  }
0xfd: {  	vm6 =	veq.f32 v3, $1.000000000e+00  }
0xfe: {  	v3 =	vsel vm6, $0xCE6E6B28, v1  }
0xff: {  	[tilespmem:v10+s18+$0x0] =	vst.idx.msk $0xffff, v3  }
0x100: {  	v3 =	vld.idx.msk [tilespmem:v11+s14+$0x0], $0xffff;
	_ =	sdelay $0x4  }
0x101: {  	vm7 =	veq.f32 v3, $1.000000000e+00  }
0x102: {  	v3 =	vsel vm7, $0xCE6E6B28, v1  }
0x103: {  	[tilespmem:v12+s18+$0x0] =	vst.idx.msk $0xffff, v3  }
0x104: {  	v3 =	vld.idx.msk [tilespmem:v13+s14+$0x0], $0xffff;
	_ =	sdelay $0x4  }
0x105: {  	vm8 =	veq.f32 v3, $1.000000000e+00  }
0x106: {  	v3 =	vsel vm8, $0xCE6E6B28, v1  }
0x107: {  	[tilespmem:v14+s18+$0x0] =	vst.idx.msk $0xffff, v3  }
0x108: {  	v3 =	vld.idx.msk [tilespmem:v15+s14+$0x0], $0xffff;
	_ =	sdelay $0x4  }
0x109: {  	vm9 =	veq.f32 v3, $1.000000000e+00  }
0x10a: {  	v3 =	vsel vm9, $0xCE6E6B28, v1  }
0x10b: {  	[tilespmem:v16+s18+$0x0] =	vst.idx.msk $0xffff, v3  }
0x10c: {  	v3 =	vld.idx.msk [tilespmem:v17+s14+$0x0], $0xffff;
	_ =	sdelay $0x4  }
0x10d: {  	vm10 =	veq.f32 v3, $1.000000000e+00  }
0x10e: {  	v3 =	vsel vm10, $0xCE6E6B28, v1  }
0x10f: {  	[tilespmem:v18+s18+$0x0] =	vst.idx.msk $0xffff, v3  }
0x110: {  	v3 =	vld.idx.msk [tilespmem:v19+s14+$0x0], $0xffff;
	_ =	sdelay $0x4  }
0x111: {  	vm11 =	veq.f32 v3, $1.000000000e+00  }
0x112: {  	v3 =	vsel vm11, $0xCE6E6B28, v1  }
0x113: {  	[tilespmem:v20+s18+$0x0] =	vst.idx.msk $0xffff, v3  }
0x114: {  	v3 =	vld.idx.msk [tilespmem:v21+s14+$0x0], $0xffff;
	_ =	sdelay $0x4  }
0x115: {  	vm12 =	veq.f32 v3, $1.000000000e+00  }
0x116: {  	v3 =	vsel vm12, $0xCE6E6B28, v1  }
0x117: {  	[tilespmem:v22+s18+$0x0] =	vst.idx.msk $0xffff, v3  }
0x118: {  	v3 =	vld.idx.msk [tilespmem:v23+s14+$0x0], $0xffff;
	_ =	sdelay $0x4  }
0x119: {  	vm13 =	veq.f32 v3, $1.000000000e+00  }
0x11a: {  	v3 =	vsel vm13, $0xCE6E6B28, v1  }
0x11b: {  	[tilespmem:v24+s18+$0x0] =	vst.idx.msk $0xffff, v3  }
0x11c: {  	v3 =	vld.idx.msk [tilespmem:v25+s14+$0x0], $0xffff;
	_ =	sdelay $0x4  }
0x11d: {  	vm14 =	veq.f32 v3, $1.000000000e+00  }
0x11e: {  	v3 =	vsel vm14, $0xCE6E6B28, v1  }
0x11f: {  	[tilespmem:v26+s18+$0x0] =	vst.idx.msk $0xffff, v3  }
0x120: {  	v3 =	vld.idx.msk [tilespmem:v27+s14+$0x0], $0xffff;
	_ =	sdelay $0x4  }
0x121: {  	vm15 =	veq.f32 v3, $1.000000000e+00  }
0x122: {  	v3 =	vsel vm15, $0xCE6E6B28, v1  }
0x123: {  	[tilespmem:v28+s18+$0x0] =	vst.idx.msk $0xffff, v3  }
0x124: {  	v3 =	vld.idx.msk [tilespmem:v29+s14+$0x0], $0xffff;
	_ =	sdelay $0x4  }
0x125: {  	vm4 =	veq.f32 v3, $1.000000000e+00  }
0x126: {  	v3 =	vsel vm4, $0xCE6E6B28, v1  }
0x127: {  	[tilespmem:v30+s18+$0x0] =	vst.idx.msk $0xffff, v3  }
0x128: {  	v3 =	vld.idx.msk [tilespmem:v31+s14+$0x0], $0xffff;
	_ =	sdelay $0x4  }
0x129: {  	vm5 =	veq.f32 v3, $1.000000000e+00  }
0x12a: {  	v3 =	vsel vm5, $0xCE6E6B28, v1  }
0x12b: {  	[tilespmem:v32+s18+$0x0] =	vst.idx.msk $0xffff, v3  }
0x12c: {  	v3 =	vld.idx.msk [tilespmem:v33+s14+$0x0], $0xffff;
	_ =	sdelay $0x4  }
0x12d: {  	vm6 =	veq.f32 v3, $1.000000000e+00  }
0x12e: {  	v3 =	vsel vm6, $0xCE6E6B28, v1  }
0x12f: {  	[tilespmem:v34+s18+$0x0] =	vst.idx.msk $0xffff, v3  }
0x130: {  	v3 =	vld.idx.msk [tilespmem:v35+s14+$0x0], $0xffff;
	_ =	sdelay $0x4  }
0x131: {  	vm7 =	veq.f32 v3, $1.000000000e+00  }
0x132: {  	v3 =	vsel vm7, $0xCE6E6B28, v1  }
0x133: {  	[tilespmem:v36+s18+$0x0] =	vst.idx.msk $0xffff, v3  }
0x134: {  	v3 =	vld.idx.msk [tilespmem:v37+s14+$0x0], $0xffff;
	_ =	sdelay $0x4  }
0x135: {  	vm8 =	veq.f32 v3, $1.000000000e+00  }
0x136: {  	v3 =	vsel vm8, $0xCE6E6B28, v1  }
0x137: {  	[tilespmem:v38+s18+$0x0] =	vst.idx.msk $0xffff, v3  }
0x138: {  	v3 =	vld.idx.msk [tilespmem:v39+s14+$0x0], $0xffff;
	_ =	sdelay $0x4  }
0x139: {  	vm9 =	veq.f32 v3, $1.000000000e+00  }
0x13a: {  	v3 =	vsel vm9, $0xCE6E6B28, v1  }
0x13b: {  	[tilespmem:v40+s18+$0x0] =	vst.idx.msk $0xffff, v3  }
0x13c: {  	v3 =	vld.idx.msk [tilespmem:v41+s14+$0x0], $0xffff;
	_ =	sdelay $0x4  }
0x13d: {  	vm10 =	veq.f32 v3, $1.000000000e+00  }
0x13e: {  	v3 =	vsel vm10, $0xCE6E6B28, v1  }
0x13f: {  	[tilespmem:v42+s18+$0x0] =	vst.idx.msk $0xffff, v3  }
0x140: {  	v3 =	vld.idx.msk [tilespmem:v43+s14+$0x0], $0xffff;
	_ =	sdelay $0x4  }
0x141: {  	vm11 =	veq.f32 v3, $1.000000000e+00  }
0x142: {  	v3 =	vsel vm11, $0xCE6E6B28, v1  }
0x143: {  	[tilespmem:v44+s18+$0x0] =	vst.idx.msk $0xffff, v3  }
0x144: {  	v3 =	vld.idx.msk [tilespmem:v45+s14+$0x0], $0xffff;
	_ =	sdelay $0x4  }
0x145: {  	vm12 =	veq.f32 v3, $1.000000000e+00  }
0x146: {  	v3 =	vsel vm12, $0xCE6E6B28, v1  }
0x147: {  	[tilespmem:v46+s18+$0x0] =	vst.idx.msk $0xffff, v3  }
0x148: {  	v3 =	vld.idx.msk [tilespmem:v47+s14+$0x0], $0xffff;
	_ =	sdelay $0x4  }
0x149: {  	vm13 =	veq.f32 v3, $1.000000000e+00  }
0x14a: {  	v3 =	vsel vm13, $0xCE6E6B28, v1  }
0x14b: {  	[tilespmem:v48+s18+$0x0] =	vst.idx.msk $0xffff, v3  }
0x14c: {  	v3 =	vld.idx.msk [tilespmem:v49+s14+$0x0], $0xffff;
	_ =	sdelay $0x4  }
0x14d: {  	vm14 =	veq.f32 v3, $1.000000000e+00  }
0x14e: {  	v3 =	vsel vm14, $0xCE6E6B28, v1  }
0x14f: {  	[tilespmem:v50+s18+$0x0] =	vst.idx.msk $0xffff, v3  }
0x150: {  	v3 =	vld.idx.msk [tilespmem:v51+s14+$0x0], $0xffff;
	_ =	sdelay $0x4  }
0x151: {  	vm15 =	veq.f32 v3, $1.000000000e+00  }
0x152: {  	v3 =	vsel vm15, $0xCE6E6B28, v1  }
0x153: {  	[tilespmem:v52+s18+$0x0] =	vst.idx.msk $0xffff, v3  }
0x154: {  	v3 =	vld.idx.msk [tilespmem:v53+s14+$0x0], $0xffff;
	_ =	sdelay $0x4  }
0x155: {  	vm4 =	veq.f32 v3, $1.000000000e+00  }
0x156: {  	v3 =	vsel vm4, $0xCE6E6B28, v1  }
0x157: {  	[tilespmem:v54+s18+$0x0] =	vst.idx.msk $0xffff, v3  }
0x158: {  	v3 =	vld.idx.msk [tilespmem:v55+s14+$0x0], $0xffff;
	_ =	sdelay $0x4  }
0x159: {  	vm5 =	veq.f32 v3, $1.000000000e+00  }
0x15a: {  	v3 =	vsel vm5, $0xCE6E6B28, v1  }
0x15b: {  	[tilespmem:v56+s18+$0x0] =	vst.idx.msk $0xffff, v3  }
0x15c: {  	v3 =	vld.idx.msk [tilespmem:v57+s14+$0x0], $0xffff;
	_ =	sdelay $0x4  }
0x15d: {  	vm6 =	veq.f32 v3, $1.000000000e+00  }
0x15e: {  	v3 =	vsel vm6, $0xCE6E6B28, v1  }
0x15f: {  	[tilespmem:v58+s18+$0x0] =	vst.idx.msk $0xffff, v3  }
0x160: {  	v3 =	vld.idx.msk [tilespmem:v59+s14+$0x0], $0xffff;
	_ =	sdelay $0x4  }
0x161: {  	vm7 =	veq.f32 v3, $1.000000000e+00  }
0x162: {  	v3 =	vsel vm7, $0xCE6E6B28, v1  }
0x163: {  	[tilespmem:v60+s18+$0x0] =	vst.idx.msk $0xffff, v3  }
0x164: {  	v3 =	vld.idx.msk [tilespmem:v61+s14+$0x0], $0xffff;
	_ =	sdelay $0x4  }
0x165: {  	vm8 =	veq.f32 v3, $1.000000000e+00  }
0x166: {  	v0 =	vmov v5;
	v5 =	vld [tilespmem:$0x1FFC0];
	v3 =	vsel vm8, $0xCE6E6B28, v1  }
0x167: {  	v4 =	vmov v6;
	v6 =	vld [tilespmem:$0x1FFD0];
	[tilespmem:v62+s18+$0x0] =	vst.idx.msk $0xffff, v3  }
0x168: {  	v3 =	vld.idx.msk [tilespmem:v63+s14+$0x0], $0xffff;
	_ =	sdelay $0x4  }
0x169: {  	vm9 =	veq.f32 v3, $1.000000000e+00  }
0x16a: {  	v3 =	vsel vm9, $0xCE6E6B28, v1  }
0x16b: {  	v2 =	vld [tilespmem:$0x1FFF0];
	[tilespmem:v5+s18+$0x0] =	vst.idx.msk $0xffff, v3  }
0x16c: {  	v3 =	vld.idx.msk [tilespmem:v6+s14+$0x0], $0xffff;
	_ =	sdelay $0x4  }
0x16d: {  	vm10 =	veq.f32 v3, $1.000000000e+00  }
0x16e: {  	v3 =	vsel vm10, $0xCE6E6B28, v1  }
0x16f: {  	[tilespmem:v2+s18+$0x0] =	vst.idx.msk $0xffff, v3;
	v2 =	vld [tilespmem:$0x1FC00];
	_ =	sdelay $0x7  }
0x170: {  	v3 =	vld.idx.msk [tilespmem:v2+s14+$0x0], $0xffff  }
0x171: {  	v2 =	vld [tilespmem:$0x1FBF0];
	_ =	sdelay $0x5  }
0x172: {  	vm11 =	veq.f32 v3, $1.000000000e+00  }
0x173: {  	v3 =	vsel vm11, $0xCE6E6B28, v1  }
0x174: {  	[tilespmem:v2+s18+$0x0] =	vst.idx.msk $0xffff, v3  }
0x175: {  	[hbm4b:s7+s1] =	stream.linear.scatter [tilespmem:s18], [sflag:$0x4], $0x4000, $0x38;
	[tilespmem:$0x10000] =	vst v63  }
0x176: {  	_ = 	snop  }
0x177: {  	[tilespmem:s14], [sflag:$0x2] =	stream.strided.gather [hbm4b:s8+s12], $0x4000, s13, s12, $0x38;
	[tilespmem:$0x10000] =	vst v63  }
0x178: {  	_ =	swait.ge [sflag:s19], $0x4000  }
0x179: {  	[sflag:s19] =	ssyncset.done $0x0  }
0x17a: {  	[sflag:s19] =	ssyncadd.s32 $0xFFFFC000  }
0x17b: {  	_ =	swait.ge [sflag:s15], $0x4000  }
0x17c: {  	[sflag:s15] =	ssyncset.done $0x0  }
0x17d: {  	[sflag:s15] =	ssyncadd.s32 $0xFFFFC000  }
0x17e: {  	v3 =	vld.idx.msk [tilespmem:v0+s1+$0x0], $0xffff;
	_ =	sdelay $0x4  }
0x17f: {  	vm12 =	veq.f32 v3, $1.000000000e+00  }
0x180: {  	v3 =	vsel vm12, $0xCE6E6B28, v1  }
0x181: {  	[tilespmem:v7+s16+$0x0] =	vst.idx.msk $0xffff, v3  }
0x182: {  	v3 =	vld.idx.msk [tilespmem:v4+s1+$0x0], $0xffff;
	_ =	sdelay $0x4  }
0x183: {  	vm13 =	veq.f32 v3, $1.000000000e+00  }
0x184: {  	v3 =	vsel vm13, $0xCE6E6B28, v1  }
0x185: {  	[tilespmem:v8+s16+$0x0] =	vst.idx.msk $0xffff, v3  }
0x186: {  	v3 =	vld.idx.msk [tilespmem:v9+s1+$0x0], $0xffff;
	_ =	sdelay $0x4  }
0x187: {  	vm14 =	veq.f32 v3, $1.000000000e+00  }
0x188: {  	v3 =	vsel vm14, $0xCE6E6B28, v1  }
0x189: {  	[tilespmem:v10+s16+$0x0] =	vst.idx.msk $0xffff, v3  }
0x18a: {  	v3 =	vld.idx.msk [tilespmem:v11+s1+$0x0], $0xffff;
	_ =	sdelay $0x4  }
0x18b: {  	vm15 =	veq.f32 v3, $1.000000000e+00  }
0x18c: {  	v3 =	vsel vm15, $0xCE6E6B28, v1  }
0x18d: {  	[tilespmem:v12+s16+$0x0] =	vst.idx.msk $0xffff, v3  }
0x18e: {  	v3 =	vld.idx.msk [tilespmem:v13+s1+$0x0], $0xffff;
	_ =	sdelay $0x4  }
0x18f: {  	vm4 =	veq.f32 v3, $1.000000000e+00  }
0x190: {  	v3 =	vsel vm4, $0xCE6E6B28, v1  }
0x191: {  	[tilespmem:v14+s16+$0x0] =	vst.idx.msk $0xffff, v3  }
0x192: {  	v3 =	vld.idx.msk [tilespmem:v15+s1+$0x0], $0xffff;
	_ =	sdelay $0x4  }
0x193: {  	vm5 =	veq.f32 v3, $1.000000000e+00  }
0x194: {  	v3 =	vsel vm5, $0xCE6E6B28, v1  }
0x195: {  	[tilespmem:v16+s16+$0x0] =	vst.idx.msk $0xffff, v3  }
0x196: {  	v3 =	vld.idx.msk [tilespmem:v17+s1+$0x0], $0xffff;
	_ =	sdelay $0x4  }
0x197: {  	vm6 =	veq.f32 v3, $1.000000000e+00  }
0x198: {  	v3 =	vsel vm6, $0xCE6E6B28, v1  }
0x199: {  	[tilespmem:v18+s16+$0x0] =	vst.idx.msk $0xffff, v3  }
0x19a: {  	v3 =	vld.idx.msk [tilespmem:v19+s1+$0x0], $0xffff;
	_ =	sdelay $0x4  }
0x19b: {  	vm7 =	veq.f32 v3, $1.000000000e+00  }
0x19c: {  	v3 =	vsel vm7, $0xCE6E6B28, v1  }
0x19d: {  	[tilespmem:v20+s16+$0x0] =	vst.idx.msk $0xffff, v3  }
0x19e: {  	v3 =	vld.idx.msk [tilespmem:v21+s1+$0x0], $0xffff;
	_ =	sdelay $0x4  }
0x19f: {  	vm8 =	veq.f32 v3, $1.000000000e+00  }
0x1a0: {  	v3 =	vsel vm8, $0xCE6E6B28, v1  }
0x1a1: {  	[tilespmem:v22+s16+$0x0] =	vst.idx.msk $0xffff, v3  }
0x1a2: {  	v3 =	vld.idx.msk [tilespmem:v23+s1+$0x0], $0xffff;
	_ =	sdelay $0x4  }
0x1a3: {  	vm9 =	veq.f32 v3, $1.000000000e+00  }
0x1a4: {  	v3 =	vsel vm9, $0xCE6E6B28, v1  }
0x1a5: {  	[tilespmem:v24+s16+$0x0] =	vst.idx.msk $0xffff, v3  }
0x1a6: {  	v3 =	vld.idx.msk [tilespmem:v25+s1+$0x0], $0xffff;
	_ =	sdelay $0x4  }
0x1a7: {  	vm10 =	veq.f32 v3, $1.000000000e+00  }
0x1a8: {  	v3 =	vsel vm10, $0xCE6E6B28, v1  }
0x1a9: {  	[tilespmem:v26+s16+$0x0] =	vst.idx.msk $0xffff, v3  }
0x1aa: {  	v3 =	vld.idx.msk [tilespmem:v27+s1+$0x0], $0xffff;
	_ =	sdelay $0x4  }
0x1ab: {  	vm11 =	veq.f32 v3, $1.000000000e+00  }
0x1ac: {  	v3 =	vsel vm11, $0xCE6E6B28, v1  }
0x1ad: {  	[tilespmem:v28+s16+$0x0] =	vst.idx.msk $0xffff, v3  }
0x1ae: {  	v3 =	vld.idx.msk [tilespmem:v29+s1+$0x0], $0xffff;
	_ =	sdelay $0x4  }
0x1af: {  	vm12 =	veq.f32 v3, $1.000000000e+00  }
0x1b0: {  	v3 =	vsel vm12, $0xCE6E6B28, v1  }
0x1b1: {  	[tilespmem:v30+s16+$0x0] =	vst.idx.msk $0xffff, v3  }
0x1b2: {  	v3 =	vld.idx.msk [tilespmem:v31+s1+$0x0], $0xffff;
	_ =	sdelay $0x4  }
0x1b3: {  	vm13 =	veq.f32 v3, $1.000000000e+00  }
0x1b4: {  	v3 =	vsel vm13, $0xCE6E6B28, v1  }
0x1b5: {  	[tilespmem:v32+s16+$0x0] =	vst.idx.msk $0xffff, v3  }
0x1b6: {  	v3 =	vld.idx.msk [tilespmem:v33+s1+$0x0], $0xffff;
	_ =	sdelay $0x4  }
0x1b7: {  	vm14 =	veq.f32 v3, $1.000000000e+00  }
0x1b8: {  	v3 =	vsel vm14, $0xCE6E6B28, v1  }
0x1b9: {  	[tilespmem:v34+s16+$0x0] =	vst.idx.msk $0xffff, v3  }
0x1ba: {  	v3 =	vld.idx.msk [tilespmem:v35+s1+$0x0], $0xffff;
	_ =	sdelay $0x4  }
0x1bb: {  	vm15 =	veq.f32 v3, $1.000000000e+00  }
0x1bc: {  	v3 =	vsel vm15, $0xCE6E6B28, v1  }
0x1bd: {  	[tilespmem:v36+s16+$0x0] =	vst.idx.msk $0xffff, v3  }
0x1be: {  	v3 =	vld.idx.msk [tilespmem:v37+s1+$0x0], $0xffff;
	_ =	sdelay $0x4  }
0x1bf: {  	vm4 =	veq.f32 v3, $1.000000000e+00  }
0x1c0: {  	v3 =	vsel vm4, $0xCE6E6B28, v1  }
0x1c1: {  	[tilespmem:v38+s16+$0x0] =	vst.idx.msk $0xffff, v3  }
0x1c2: {  	v3 =	vld.idx.msk [tilespmem:v39+s1+$0x0], $0xffff;
	_ =	sdelay $0x4  }
0x1c3: {  	vm5 =	veq.f32 v3, $1.000000000e+00  }
0x1c4: {  	v3 =	vsel vm5, $0xCE6E6B28, v1  }
0x1c5: {  	[tilespmem:v40+s16+$0x0] =	vst.idx.msk $0xffff, v3  }
0x1c6: {  	v3 =	vld.idx.msk [tilespmem:v41+s1+$0x0], $0xffff;
	_ =	sdelay $0x4  }
0x1c7: {  	vm6 =	veq.f32 v3, $1.000000000e+00  }
0x1c8: {  	v3 =	vsel vm6, $0xCE6E6B28, v1  }
0x1c9: {  	[tilespmem:v42+s16+$0x0] =	vst.idx.msk $0xffff, v3  }
0x1ca: {  	v3 =	vld.idx.msk [tilespmem:v43+s1+$0x0], $0xffff;
	_ =	sdelay $0x4  }
0x1cb: {  	vm7 =	veq.f32 v3, $1.000000000e+00  }
0x1cc: {  	v3 =	vsel vm7, $0xCE6E6B28, v1  }
0x1cd: {  	[tilespmem:v44+s16+$0x0] =	vst.idx.msk $0xffff, v3  }
0x1ce: {  	v3 =	vld.idx.msk [tilespmem:v45+s1+$0x0], $0xffff;
	_ =	sdelay $0x4  }
0x1cf: {  	vm8 =	veq.f32 v3, $1.000000000e+00  }
0x1d0: {  	v3 =	vsel vm8, $0xCE6E6B28, v1  }
0x1d1: {  	[tilespmem:v46+s16+$0x0] =	vst.idx.msk $0xffff, v3  }
0x1d2: {  	v3 =	vld.idx.msk [tilespmem:v47+s1+$0x0], $0xffff;
	_ =	sdelay $0x4  }
0x1d3: {  	vm9 =	veq.f32 v3, $1.000000000e+00  }
0x1d4: {  	v3 =	vsel vm9, $0xCE6E6B28, v1  }
0x1d5: {  	[tilespmem:v48+s16+$0x0] =	vst.idx.msk $0xffff, v3  }
0x1d6: {  	v3 =	vld.idx.msk [tilespmem:v49+s1+$0x0], $0xffff;
	_ =	sdelay $0x4  }
0x1d7: {  	vm10 =	veq.f32 v3, $1.000000000e+00  }
0x1d8: {  	v3 =	vsel vm10, $0xCE6E6B28, v1  }
0x1d9: {  	[tilespmem:v50+s16+$0x0] =	vst.idx.msk $0xffff, v3  }
0x1da: {  	v3 =	vld.idx.msk [tilespmem:v51+s1+$0x0], $0xffff;
	_ =	sdelay $0x4  }
0x1db: {  	vm11 =	veq.f32 v3, $1.000000000e+00  }
0x1dc: {  	v3 =	vsel vm11, $0xCE6E6B28, v1  }
0x1dd: {  	[tilespmem:v52+s16+$0x0] =	vst.idx.msk $0xffff, v3  }
0x1de: {  	v3 =	vld.idx.msk [tilespmem:v53+s1+$0x0], $0xffff;
	_ =	sdelay $0x4  }
0x1df: {  	vm12 =	veq.f32 v3, $1.000000000e+00  }
0x1e0: {  	v3 =	vsel vm12, $0xCE6E6B28, v1  }
0x1e1: {  	[tilespmem:v54+s16+$0x0] =	vst.idx.msk $0xffff, v3  }
0x1e2: {  	v3 =	vld.idx.msk [tilespmem:v55+s1+$0x0], $0xffff;
	_ =	sdelay $0x4  }
0x1e3: {  	vm13 =	veq.f32 v3, $1.000000000e+00  }
0x1e4: {  	v3 =	vsel vm13, $0xCE6E6B28, v1  }
0x1e5: {  	[tilespmem:v56+s16+$0x0] =	vst.idx.msk $0xffff, v3  }
0x1e6: {  	v3 =	vld.idx.msk [tilespmem:v57+s1+$0x0], $0xffff;
	_ =	sdelay $0x4  }
0x1e7: {  	vm14 =	veq.f32 v3, $1.000000000e+00  }
0x1e8: {  	v3 =	vsel vm14, $0xCE6E6B28, v1  }
0x1e9: {  	[tilespmem:v58+s16+$0x0] =	vst.idx.msk $0xffff, v3  }
0x1ea: {  	v3 =	vld.idx.msk [tilespmem:v59+s1+$0x0], $0xffff;
	_ =	sdelay $0x4  }
0x1eb: {  	vm15 =	veq.f32 v3, $1.000000000e+00  }
0x1ec: {  	v3 =	vsel vm15, $0xCE6E6B28, v1  }
0x1ed: {  	[tilespmem:v60+s16+$0x0] =	vst.idx.msk $0xffff, v3  }
0x1ee: {  	v3 =	vld.idx.msk [tilespmem:v61+s1+$0x0], $0xffff;
	_ =	sdelay $0x4  }
0x1ef: {  	vm4 =	veq.f32 v3, $1.000000000e+00  }
0x1f0: {  	v3 =	vsel vm4, $0xCE6E6B28, v1  }
0x1f1: {  	[tilespmem:v62+s16+$0x0] =	vst.idx.msk $0xffff, v3  }
0x1f2: {  	v3 =	vld.idx.msk [tilespmem:v63+s1+$0x0], $0xffff;
	_ =	sdelay $0x4  }
0x1f3: {  	vm5 =	veq.f32 v3, $1.000000000e+00  }
0x1f4: {  	v0 =	vld [tilespmem:$0x1FFF0];
	v3 =	vsel vm5, $0xCE6E6B28, v1  }
0x1f5: {  	v4 =	vld [tilespmem:$0x1FC00];
	[tilespmem:v5+s16+$0x0] =	vst.idx.msk $0xffff, v3  }
0x1f6: {  	v3 =	vld.idx.msk [tilespmem:v6+s1+$0x0], $0xffff;
	_ =	sdelay $0x4  }
0x1f7: {  	vm6 =	veq.f32 v3, $1.000000000e+00  }
0x1f8: {  	v3 =	vsel vm6, $0xCE6E6B28, v1  }
0x1f9: {  	[tilespmem:v0+s16+$0x0] =	vst.idx.msk $0xffff, v3  }
0x1fa: {  	v3 =	vld.idx.msk [tilespmem:v4+s1+$0x0], $0xffff;
	_ =	sdelay $0x4  }
0x1fb: {  	vm7 =	veq.f32 v3, $1.000000000e+00  }
0x1fc: {  	v3 =	vsel vm7, $0xCE6E6B28, v1  }
0x1fd: {  	[tilespmem:v2+s16+$0x0] =	vst.idx.msk $0xffff, v3  }
0x1fe: {  	[hbm4b:s9+s1] =	stream.linear.scatter [tilespmem:s16], [sflag:$0x3], $0x4000, $0x38;
	[tilespmem:$0x10000] =	vst v63  }
0x1ff: {  	_ =	swait.ge [sflag:s20], $0x4000  }
0x200: {  	[sflag:s20] =	ssyncset.done $0x0  }
0x201: {  	[sflag:s20] =	ssyncadd.s32 $0xFFFFC000  }
0x202: {  	_ =	swait.ge [sflag:s17], $0x4000  }
0x203: {  	v3 =	vld [tilespmem:$0x1FC10];
	_ =	sdelay $0x5  }
0x204: {  	[sflag:s17] =	ssyncset.done $0x0  }
0x205: {  	[sflag:s17] =	ssyncadd.s32 $0xFFFFC000  }
0x206: {  	v3 =	vld.idx.msk [tilespmem:v3+s14+$0x0], $0xffff;
	_ =	sdelay $0x4  }
0x207: {  	vm8 =	veq.f32 v3, $1.000000000e+00  }
0x208: {  	v3 =	vsel vm8, $0xCE6E6B28, v1  }
0x209: {  	[tilespmem:v7+s18+$0x0] =	vst.idx.msk $0xffff, v3;
	v3 =	vld [tilespmem:$0x1FC30];
	_ =	sdelay $0x7  }
0x20a: {  	v3 =	vld.idx.msk [tilespmem:v3+s14+$0x0], $0xffff;
	_ =	sdelay $0x4  }
0x20b: {  	vm9 =	veq.f32 v3, $1.000000000e+00  }
0x20c: {  	v3 =	vsel vm9, $0xCE6E6B28, v1  }
0x20d: {  	[tilespmem:v8+s18+$0x0] =	vst.idx.msk $0xffff, v3  }
0x20e: {  	v3 =	vld.idx.msk [tilespmem:v9+s14+$0x0], $0xffff;
	_ =	sdelay $0x4  }
0x20f: {  	vm10 =	veq.f32 v3, $1.000000000e+00  }
0x210: {  	v3 =	vsel vm10, $0xCE6E6B28, v1  }
0x211: {  	[tilespmem:v10+s18+$0x0] =	vst.idx.msk $0xffff, v3  }
0x212: {  	v3 =	vld.idx.msk [tilespmem:v11+s14+$0x0], $0xffff;
	_ =	sdelay $0x4  }
0x213: {  	vm11 =	veq.f32 v3, $1.000000000e+00  }
0x214: {  	v3 =	vsel vm11, $0xCE6E6B28, v1  }
0x215: {  	[tilespmem:v12+s18+$0x0] =	vst.idx.msk $0xffff, v3  }
0x216: {  	v3 =	vld.idx.msk [tilespmem:v13+s14+$0x0], $0xffff;
	_ =	sdelay $0x4  }
0x217: {  	vm12 =	veq.f32 v3, $1.000000000e+00  }
0x218: {  	v3 =	vsel vm12, $0xCE6E6B28, v1  }
0x219: {  	[tilespmem:v14+s18+$0x0] =	vst.idx.msk $0xffff, v3  }
0x21a: {  	v3 =	vld.idx.msk [tilespmem:v15+s14+$0x0], $0xffff;
	_ =	sdelay $0x4  }
0x21b: {  	vm13 =	veq.f32 v3, $1.000000000e+00  }
0x21c: {  	v3 =	vsel vm13, $0xCE6E6B28, v1  }
0x21d: {  	[tilespmem:v16+s18+$0x0] =	vst.idx.msk $0xffff, v3  }
0x21e: {  	v3 =	vld.idx.msk [tilespmem:v17+s14+$0x0], $0xffff;
	_ =	sdelay $0x4  }
0x21f: {  	vm14 =	veq.f32 v3, $1.000000000e+00  }
0x220: {  	v3 =	vsel vm14, $0xCE6E6B28, v1  }
0x221: {  	[tilespmem:v18+s18+$0x0] =	vst.idx.msk $0xffff, v3  }
0x222: {  	v3 =	vld.idx.msk [tilespmem:v19+s14+$0x0], $0xffff;
	_ =	sdelay $0x4  }
0x223: {  	vm15 =	veq.f32 v3, $1.000000000e+00  }
0x224: {  	v3 =	vsel vm15, $0xCE6E6B28, v1  }
0x225: {  	[tilespmem:v20+s18+$0x0] =	vst.idx.msk $0xffff, v3  }
0x226: {  	v3 =	vld.idx.msk [tilespmem:v21+s14+$0x0], $0xffff;
	_ =	sdelay $0x4  }
0x227: {  	vm4 =	veq.f32 v3, $1.000000000e+00  }
0x228: {  	v3 =	vsel vm4, $0xCE6E6B28, v1  }
0x229: {  	[tilespmem:v22+s18+$0x0] =	vst.idx.msk $0xffff, v3  }
0x22a: {  	v3 =	vld.idx.msk [tilespmem:v23+s14+$0x0], $0xffff;
	_ =	sdelay $0x4  }
0x22b: {  	vm5 =	veq.f32 v3, $1.000000000e+00  }
0x22c: {  	v3 =	vsel vm5, $0xCE6E6B28, v1  }
0x22d: {  	[tilespmem:v24+s18+$0x0] =	vst.idx.msk $0xffff, v3  }
0x22e: {  	v3 =	vld.idx.msk [tilespmem:v25+s14+$0x0], $0xffff;
	_ =	sdelay $0x4  }
0x22f: {  	vm6 =	veq.f32 v3, $1.000000000e+00  }
0x230: {  	v3 =	vsel vm6, $0xCE6E6B28, v1  }
0x231: {  	[tilespmem:v26+s18+$0x0] =	vst.idx.msk $0xffff, v3  }
0x232: {  	v3 =	vld.idx.msk [tilespmem:v27+s14+$0x0], $0xffff;
	_ =	sdelay $0x4  }
0x233: {  	vm7 =	veq.f32 v3, $1.000000000e+00  }
0x234: {  	v3 =	vsel vm7, $0xCE6E6B28, v1  }
0x235: {  	[tilespmem:v28+s18+$0x0] =	vst.idx.msk $0xffff, v3  }
0x236: {  	v3 =	vld.idx.msk [tilespmem:v29+s14+$0x0], $0xffff;
	_ =	sdelay $0x4  }
0x237: {  	vm8 =	veq.f32 v3, $1.000000000e+00  }
0x238: {  	v3 =	vsel vm8, $0xCE6E6B28, v1  }
0x239: {  	[tilespmem:v30+s18+$0x0] =	vst.idx.msk $0xffff, v3  }
0x23a: {  	v3 =	vld.idx.msk [tilespmem:v31+s14+$0x0], $0xffff;
	_ =	sdelay $0x4  }
0x23b: {  	vm9 =	veq.f32 v3, $1.000000000e+00  }
0x23c: {  	v3 =	vsel vm9, $0xCE6E6B28, v1  }
0x23d: {  	[tilespmem:v32+s18+$0x0] =	vst.idx.msk $0xffff, v3  }
0x23e: {  	v3 =	vld.idx.msk [tilespmem:v33+s14+$0x0], $0xffff;
	_ =	sdelay $0x4  }
0x23f: {  	vm10 =	veq.f32 v3, $1.000000000e+00  }
0x240: {  	v3 =	vsel vm10, $0xCE6E6B28, v1  }
0x241: {  	[tilespmem:v34+s18+$0x0] =	vst.idx.msk $0xffff, v3  }
0x242: {  	v3 =	vld.idx.msk [tilespmem:v35+s14+$0x0], $0xffff;
	_ =	sdelay $0x4  }
0x243: {  	vm11 =	veq.f32 v3, $1.000000000e+00  }
0x244: {  	v3 =	vsel vm11, $0xCE6E6B28, v1  }
0x245: {  	[tilespmem:v36+s18+$0x0] =	vst.idx.msk $0xffff, v3  }
0x246: {  	v3 =	vld.idx.msk [tilespmem:v37+s14+$0x0], $0xffff;
	_ =	sdelay $0x4  }
0x247: {  	vm12 =	veq.f32 v3, $1.000000000e+00  }
0x248: {  	v3 =	vsel vm12, $0xCE6E6B28, v1  }
0x249: {  	[tilespmem:v38+s18+$0x0] =	vst.idx.msk $0xffff, v3  }
0x24a: {  	v3 =	vld.idx.msk [tilespmem:v39+s14+$0x0], $0xffff;
	_ =	sdelay $0x4  }
0x24b: {  	vm13 =	veq.f32 v3, $1.000000000e+00  }
0x24c: {  	v3 =	vsel vm13, $0xCE6E6B28, v1  }
0x24d: {  	[tilespmem:v40+s18+$0x0] =	vst.idx.msk $0xffff, v3  }
0x24e: {  	v3 =	vld.idx.msk [tilespmem:v41+s14+$0x0], $0xffff;
	_ =	sdelay $0x4  }
0x24f: {  	vm14 =	veq.f32 v3, $1.000000000e+00  }
0x250: {  	v3 =	vsel vm14, $0xCE6E6B28, v1  }
0x251: {  	[tilespmem:v42+s18+$0x0] =	vst.idx.msk $0xffff, v3  }
0x252: {  	v3 =	vld.idx.msk [tilespmem:v43+s14+$0x0], $0xffff;
	_ =	sdelay $0x4  }
0x253: {  	vm15 =	veq.f32 v3, $1.000000000e+00  }
0x254: {  	v3 =	vsel vm15, $0xCE6E6B28, v1  }
0x255: {  	[tilespmem:v44+s18+$0x0] =	vst.idx.msk $0xffff, v3  }
0x256: {  	v3 =	vld.idx.msk [tilespmem:v45+s14+$0x0], $0xffff;
	_ =	sdelay $0x4  }
0x257: {  	vm4 =	veq.f32 v3, $1.000000000e+00  }
0x258: {  	v3 =	vsel vm4, $0xCE6E6B28, v1  }
0x259: {  	[tilespmem:v46+s18+$0x0] =	vst.idx.msk $0xffff, v3  }
0x25a: {  	v3 =	vld.idx.msk [tilespmem:v47+s14+$0x0], $0xffff;
	_ =	sdelay $0x4  }
0x25b: {  	vm5 =	veq.f32 v3, $1.000000000e+00  }
0x25c: {  	v3 =	vsel vm5, $0xCE6E6B28, v1  }
0x25d: {  	[tilespmem:v48+s18+$0x0] =	vst.idx.msk $0xffff, v3  }
0x25e: {  	v3 =	vld.idx.msk [tilespmem:v49+s14+$0x0], $0xffff;
	_ =	sdelay $0x4  }
0x25f: {  	vm6 =	veq.f32 v3, $1.000000000e+00  }
0x260: {  	v3 =	vsel vm6, $0xCE6E6B28, v1  }
0x261: {  	[tilespmem:v50+s18+$0x0] =	vst.idx.msk $0xffff, v3  }
0x262: {  	v3 =	vld.idx.msk [tilespmem:v51+s14+$0x0], $0xffff;
	_ =	sdelay $0x4  }
0x263: {  	vm7 =	veq.f32 v3, $1.000000000e+00  }
0x264: {  	v3 =	vsel vm7, $0xCE6E6B28, v1  }
0x265: {  	[tilespmem:v52+s18+$0x0] =	vst.idx.msk $0xffff, v3  }
0x266: {  	v3 =	vld.idx.msk [tilespmem:v53+s14+$0x0], $0xffff;
	_ =	sdelay $0x4  }
0x267: {  	vm8 =	veq.f32 v3, $1.000000000e+00  }
0x268: {  	v3 =	vsel vm8, $0xCE6E6B28, v1  }
0x269: {  	[tilespmem:v54+s18+$0x0] =	vst.idx.msk $0xffff, v3  }
0x26a: {  	v3 =	vld.idx.msk [tilespmem:v55+s14+$0x0], $0xffff;
	_ =	sdelay $0x4  }
0x26b: {  	vm9 =	veq.f32 v3, $1.000000000e+00  }
0x26c: {  	v3 =	vsel vm9, $0xCE6E6B28, v1  }
0x26d: {  	[tilespmem:v56+s18+$0x0] =	vst.idx.msk $0xffff, v3  }
0x26e: {  	v3 =	vld.idx.msk [tilespmem:v57+s14+$0x0], $0xffff;
	_ =	sdelay $0x4  }
0x26f: {  	vm10 =	veq.f32 v3, $1.000000000e+00  }
0x270: {  	v3 =	vsel vm10, $0xCE6E6B28, v1  }
0x271: {  	[tilespmem:v58+s18+$0x0] =	vst.idx.msk $0xffff, v3  }
0x272: {  	v3 =	vld.idx.msk [tilespmem:v59+s14+$0x0], $0xffff;
	_ =	sdelay $0x4  }
0x273: {  	vm11 =	veq.f32 v3, $1.000000000e+00  }
0x274: {  	v3 =	vsel vm11, $0xCE6E6B28, v1  }
0x275: {  	[tilespmem:v60+s18+$0x0] =	vst.idx.msk $0xffff, v3  }
0x276: {  	v3 =	vld.idx.msk [tilespmem:v61+s14+$0x0], $0xffff;
	_ =	sdelay $0x4  }
0x277: {  	vm12 =	veq.f32 v3, $1.000000000e+00  }
0x278: {  	v3 =	vsel vm12, $0xCE6E6B28, v1  }
0x279: {  	[tilespmem:v62+s18+$0x0] =	vst.idx.msk $0xffff, v3  }
0x27a: {  	v3 =	vld.idx.msk [tilespmem:v63+s14+$0x0], $0xffff;
	_ =	sdelay $0x4  }
0x27b: {  	vm13 =	veq.f32 v3, $1.000000000e+00  }
0x27c: {  	v3 =	vsel vm13, $0xCE6E6B28, v1  }
0x27d: {  	[tilespmem:v5+s18+$0x0] =	vst.idx.msk $0xffff, v3  }
0x27e: {  	v3 =	vld.idx.msk [tilespmem:v6+s14+$0x0], $0xffff;
	_ =	sdelay $0x4  }
0x27f: {  	vm14 =	veq.f32 v3, $1.000000000e+00  }
0x280: {  	v3 =	vsel vm14, $0xCE6E6B28, v1  }
0x281: {  	[tilespmem:v0+s18+$0x0] =	vst.idx.msk $0xffff, v3  }
0x282: {  	v0 =	vld.idx.msk [tilespmem:v4+s14+$0x0], $0xffff;
	_ =	sdelay $0x4  }
0x283: {  	vm15 =	veq.f32 v0, $1.000000000e+00  }
0x284: {  	v0 =	vsel vm15, $0xCE6E6B28, v1  }
0x285: {  	s21 =	sadd.s32 $0x1, s21;
	[tilespmem:v2+s18+$0x0] =	vst.idx.msk $0xffff, v0  }
0x286: {  	[hbm4b:s10+s1] =	stream.linear.scatter [tilespmem:s18], [sflag:$0x4], $0x4000, $0x38;
	[tilespmem:$0x10000] =	vst v63  }
0x287: {  	p0 =	sne.s32 s21, s11;
	_ =	swait.ge [sflag:s19], $0x4000  }
.Ltmp1:
0x288: {  	[sflag:s19] =	ssyncset.done $0x0;
	(pc) =	sbr.rel @p0 .LBB2_1-.Ltmp1, $4  }
0x289: {  	[sflag:s19] =	ssyncadd.s32 $0xFFFFC000  }
0x28a: {  	_ =	swait.ge [sflag:s20], $0x4000  }
0x28b: {  	[sflag:s20] =	ssyncset.done $0x0  }
0x28c: {  	[sflag:s20] =	ssyncadd.s32 $0xFFFFC000  }
0x28d: {  	_ =	sfence.sel $0x180000  }
0x28e: {  	[bflag:$0x0] =	sbarrier.arrive $0xFFFF  }
0x28f: {  	p0 =	sne.s32 s2, $0x0;
	_ =	strace $0x90000047  }
0x290: {  	s0 =	sadd.s32 @!p0 $0x100000, s0;
	[bflag:$0x2] =	sbarrier.arrive $0xFFFF  }
0x291: {  	[sflag:s0] =	ssyncadd.tile.s32 @!p0 $0x1;
	_ =	shalt  }
.Lfunc_end2:
_tile_overlayer_lowered:
.L_overlay_start_2:
0x292: {  	(tag) =	ssettag $0x2  }
0x293: {  	s0 =	rddreg [dreg:$0x0];
	s2 =	stileid.u32  }
0x294: {  	s1 =	rddreg [dreg:$0x1];
	p0 =	sne.s32 s2, $0x0  }
0x295: {  	s3 =	rddreg [dreg:$0x2];
	[bflag:$0x3] =	sbarrier.arrive $0xFFFF;
	s2 =	simm.s32 @!p0 $0x1C05  }
0x296: {  	[timem:s3], [sflag:s2] =	dma.local @!p0 [hbm:s0], s1  }
0x297: {  	s0 =	simm.s32 @!p0 $0x5  }
0x298: {  	_ =	swait.ge @!p0 [sflag:s0], s1  }
0x299: {  	s1 =	ssub.s32 @!p0 $0x0, s1;
	[sflag:s0] =	ssyncset.done @!p0 $0x0  }
0x29a: {  	[sflag:s0] =	ssyncadd.s32 @!p0 s1  }
0x29b: {  	[bflag:$0x3] =	sbarrier.arrive $0xFFFF  }
0x29c: {  	_ =	shalt  }

</sc_bundles>
